<compile_context>
chip_gen: v7x
topology: tpu7x:2x2x1
jax: 0.10.2.dev20260603
libtpu: 0.0.44.dev20260713+nightly
codegen_flags: <defaults>
</compile_context>

<pallas_src>
import functools

import jax
import jax.numpy as jnp
from jax import lax
from jax.experimental import pallas as pl
from jax.experimental.pallas import tpu as pltpu
from jax.experimental.pallas import tpu_sc as plsc

VOCAB = 100000
EMBED = 64
EPAD = 128
BATCH = 1024
CTX = 20

NC = 2
NS = 16
NW = NC * NS
B_PER_W = BATCH // NW

VTILE = 2304
NV = 44
VPAD = VTILE * NV
KAUG = EMBED + 2

TT = 8192


def _sc_body(table_hbm, idx_hbm, out_hbm, idx_v, rows_v, hid_v, sem):
    wid = lax.axis_index("s") * NC + lax.axis_index("c")
    base = wid * B_PER_W
    pltpu.sync_copy(idx_hbm.at[pl.ds(base, B_PER_W)], idx_v)

    def fire(r):
        return pltpu.async_copy(table_hbm.at[idx_v.at[r]], rows_v.at[r], sem)

    FLIGHT = 8
    handles = [fire(r) for r in range(FLIGHT)]
    for g in range(1, B_PER_W // FLIGHT):
        new = [fire(g * FLIGHT + k) for k in range(FLIGHT)]
        for h in handles:
            h.wait()
        handles = new
    for h in handles:
        h.wait()

    def row_body(r, carry):
        for c in range(EMBED // 16):
            sl = pl.ds(c * 16, 16)
            acc = rows_v[r, 0, sl]
            for t in range(1, CTX):
                acc = acc + rows_v[r, t, sl]
            hid_v[r, sl] = acc * (1.0 / CTX)
        return carry

    lax.fori_loop(0, B_PER_W, row_body, 0)
    pltpu.sync_copy(hid_v, out_hbm.at[pl.ds(base, B_PER_W)])


@functools.partial(
    pl.kernel,
    out_type=jax.ShapeDtypeStruct((BATCH, EMBED), jnp.float32),
    mesh=plsc.VectorSubcoreMesh(core_axis_name="c", subcore_axis_name="s"),
    scratch_types=[
        pltpu.VMEM((B_PER_W, CTX), jnp.int32),
        pltpu.VMEM((B_PER_W, CTX, EPAD), jnp.float32),
        pltpu.VMEM((B_PER_W, EMBED), jnp.float32),
        pltpu.SemaphoreType.DMA,
    ],
)
def _sc_gather_mean(table_hbm, idx_hbm, out_hbm, idx_v, rows_v, hid_v, sem):
    _sc_body(table_hbm, idx_hbm, out_hbm, idx_v, rows_v, hid_v, sem)


def _prep_body(embt_ref, out_ref):
    out_ref[:, 0:EMBED] = jnp.transpose(embt_ref[...], (1, 0))


def _prep_table(emb_t):
    n = (VOCAB + TT - 1) // TT
    return pl.pallas_call(
        _prep_body,
        grid=(n,),
        in_specs=[pl.BlockSpec((EMBED, TT), lambda i: (0, i))],
        out_specs=pl.BlockSpec((TT, EPAD), lambda i: (i, 0)),
        out_shape=jax.ShapeDtypeStruct((VOCAB, EPAD), jnp.float32),
    )(emb_t)


CW = 768
V0 = 4608
N0 = VPAD // V0
V1 = 1152
N1 = (VOCAB + V1 - 1) // V1


def _lse_body(hid_ref, wt_ref, b_ref, out_ref, s_ref):
    i = pl.program_id(0)
    h = hid_ref[...]
    b_row = b_ref[:, pl.ds(i * V0, V0)].astype(jnp.bfloat16)
    ones_row = jnp.ones((1, V0), jnp.bfloat16)
    wt_aug = jnp.concatenate(
        [wt_ref[...].astype(jnp.bfloat16), b_row, ones_row], axis=0
    )
    ones_col = jnp.ones((BATCH, 1), jnp.float32)
    h0 = jnp.concatenate([h, ones_col, jnp.zeros((BATCH, 1), jnp.float32)], axis=1)
    h0 = h0.astype(jnp.bfloat16)
    tile_sum = None
    for c in range(V0 // CW):
        logits = lax.dot_general(
            h0, wt_aug[:, c * CW:(c + 1) * CW], (((1,), (0,)), ((), ())),
            preferred_element_type=jnp.float32,
        )
        col = lax.broadcasted_iota(jnp.int32, (1, CW), 1) + (i * V0 + c * CW)
        logits = jnp.where(col < VOCAB, logits, -1e30)
        part = jnp.sum(jnp.exp(logits), axis=1, keepdims=True)
        tile_sum = part if tile_sum is None else tile_sum + part
    prev = jnp.where(i == 0, jnp.zeros_like(tile_sum), s_ref[...])
    tot = prev + tile_sum
    s_ref[...] = tot

    @pl.when(i == N0 - 1)
    def _():
        out_ref[...] = jnp.log(tot)


def _lse(hidden, Wt, b):
    return pl.pallas_call(
        _lse_body,
        grid=(N0,),
        in_specs=[
            pl.BlockSpec((BATCH, EMBED), lambda i: (0, 0)),
            pl.BlockSpec((EMBED, V0), lambda i: (0, i)),
            pl.BlockSpec((1, VPAD), lambda i: (0, 0)),
        ],
        out_specs=pl.BlockSpec((BATCH, 1), lambda i: (0, 0)),
        out_shape=jax.ShapeDtypeStruct((BATCH, 1), jnp.float32),
        scratch_shapes=[pltpu.VMEM((BATCH, 1), jnp.float32)],
    )(hidden, Wt, b)


def _out_body(hid_ref, wt_ref, b_ref, lse_ref, out_ref):
    i = pl.program_id(0)
    h = hid_ref[...]
    b_row = b_ref[:, pl.ds(i * V1, V1)].astype(jnp.bfloat16)
    ones_row = jnp.ones((1, V1), jnp.bfloat16)
    wt_aug = jnp.concatenate(
        [wt_ref[...].astype(jnp.bfloat16), b_row, ones_row], axis=0
    )
    h1 = jnp.concatenate(
        [h, jnp.ones((BATCH, 1), jnp.float32), -lse_ref[...]], axis=1
    ).astype(jnp.bfloat16)
    out_ref[...] = lax.dot_general(
        wt_aug, h1, (((0,), (1,)), ((), ())), preferred_element_type=jnp.float32
    )


def _out(hidden, Wt, b, lse):
    return pl.pallas_call(
        _out_body,
        grid=(N1,),
        in_specs=[
            pl.BlockSpec((BATCH, EMBED), lambda i: (0, 0)),
            pl.BlockSpec((EMBED, V1), lambda i: (0, i)),
            pl.BlockSpec((1, VPAD), lambda i: (0, 0)),
            pl.BlockSpec((BATCH, 1), lambda i: (0, 0)),
        ],
        out_specs=pl.BlockSpec((V1, BATCH), lambda i: (i, 0)),
        out_shape=jax.ShapeDtypeStruct((VOCAB, BATCH), jnp.float32),
    )(hidden, Wt, b, lse)


def _tc_matmul_logsoftmax(hidden, Wt, b):
    lse = _lse(hidden, Wt, b)
    return _out(hidden, Wt, b, lse)


def kernel(inputs, emb_table, W, b):
    table_pad = _prep_table(emb_table.T)
    hidden = _sc_gather_mean(table_pad, inputs.astype(jnp.int32))
    b_pad = jnp.pad(b, (0, VPAD - VOCAB)).reshape(1, VPAD)
    out_t = _tc_matmul_logsoftmax(hidden, W.T, b_pad)
    return out_t.T

# --- scband reference (transcript-rebuilt; emitter-appended) ---
"""Pipeline reference for scband-cbow-7481833029903 (READ-ONLY COPY).

The authoritative reference and input builder live on the scoring server;
editing this copy changes nothing except your own understanding.
"""

import jax, jax.numpy as jnp
import numpy as np

VOCAB = 100000
EMBED = 64
BATCH = 1024
CTX = 20

def setup_inputs(seed: int = 0) -> dict:
    key = jax.random.key(seed)
    k1, k2, k3, k4 = jax.random.split(key, 4)
    inputs = jax.random.randint(k1, (BATCH, CTX), 0, VOCAB, dtype=jnp.int64 if jax.config.jax_enable_x64 else jnp.int32)
    # nn.Embedding default init ~ N(0,1)
    emb_table = jax.random.normal(k2, (VOCAB, EMBED), dtype=jnp.float32)
    # Linear weight/bias re-initialized uniform(-0.1, 0.1) by init_weights
    W = jax.random.uniform(k3, (VOCAB, EMBED), dtype=jnp.float32, minval=-0.1, maxval=0.1)
    b = jax.random.uniform(k4, (VOCAB,), dtype=jnp.float32, minval=-0.1, maxval=0.1)
    return {"inputs": inputs, "emb_table": emb_table, "W": W, "b": b}

def reference(inputs, emb_table, W, b):
    # embedding lookup: gather rows of the table
    embeds = jnp.take(emb_table, inputs, axis=0)        # [B, CTX, EMBED]
    hidden = jnp.mean(embeds, axis=1)                   # [B, EMBED]
    output = hidden @ W.T + b                           # [B, VOCAB]
    log_prob = jax.nn.log_softmax(output, axis=1)
    return log_prob

if __name__ == "__main__":
    import jax
    _d = setup_inputs()
    print(jax.jit(kernel)(*tuple(_d.values())))

</pallas_src>

<mosaic_0001>
#map = affine_map<(d0, d1) -> (0, 0)>
module attributes {stable_mosaic.version = 14 : i64} {
  func.func @_sc_gather_mean(%arg0: i32, %arg1: i32, %arg2: memref<100000x128xf32, #tpu.memory_space<hbm>>, %arg3: memref<1024x20xi32, #tpu.memory_space<hbm>>, %arg4: memref<1024x64xf32, #tpu.memory_space<hbm>>, %arg5: memref<32x20xi32, #tpu.memory_space<vmem>>, %arg6: memref<32x20x128xf32, #tpu.memory_space<vmem>>, %arg7: memref<32x64xf32, #tpu.memory_space<vmem>>, %arg8: memref<!tpu.dma_semaphore, #tpu.memory_space<semaphore_mem>>) attributes {dimension_semantics = [#tpu.dimension_semantics<core_parallel>, #tpu.dimension_semantics<subcore_parallel>], iteration_bounds = array<i64: 2, 16>, scalar_prefetch = 0 : i64, scratch_operands = 4 : i64, tpu.core_type = #tpu.core_type<sc_vector_subcore>, window_params = [{transform_indices = #map}, {transform_indices = #map}, {transform_indices = #map}]} {
    %mul3A = arith.constant 2 : i32
    %mul3A_0 = arith.muli %arg1, %mul3A : i32
    %add3A = arith.addi %mul3A_0, %arg0 : i32
    %mul3A_1 = arith.constant 32 : i32
    %mul3A_2 = arith.muli %add3A, %mul3A_1 : i32
    "tpu.region"() ({
      %run_scoped3A = tpu.sem_alloc : memref<!tpu.dma_semaphore, #tpu.memory_space<semaphore_mem>>
      %dma_start3A_774 = arith.constant 0 : i32
      %dma_start3A_775 = tpu.memref_slice %arg3[%mul3A_2, %dma_start3A_774] : memref<1024x20xi32, #tpu.memory_space<hbm>> -> memref<32x20xi32, #tpu.memory_space<hbm>>
      %dma_start3A_776 = arith.constant 0 : i32
      %dma_start3A_777 = tpu.memref_slice %arg3[%mul3A_2, %dma_start3A_776] : memref<1024x20xi32, #tpu.memory_space<hbm>> -> memref<32x20xi32, #tpu.memory_space<hbm>>
      tpu.enqueue_dma source(%dma_start3A_777 : memref<32x20xi32, #tpu.memory_space<hbm>>) target(%arg5 : memref<32x20xi32, #tpu.memory_space<vmem>>) target_semaphore(%run_scoped3A : memref<!tpu.dma_semaphore, #tpu.memory_space<semaphore_mem>>)
      %dma_wait3A_778 = arith.constant 0 : i32
      %dma_wait3A_779 = tpu.memref_slice %arg3[%mul3A_2, %dma_wait3A_778] : memref<1024x20xi32, #tpu.memory_space<hbm>> -> memref<32x20xi32, #tpu.memory_space<hbm>>
      %dma_wait3A_780 = arith.constant 0 : i32
      %dma_wait3A_781 = tpu.memref_slice %arg3[%mul3A_2, %dma_wait3A_780] : memref<1024x20xi32, #tpu.memory_space<hbm>> -> memref<32x20xi32, #tpu.memory_space<hbm>>
      tpu.wait_dma2 semaphore(%run_scoped3A : memref<!tpu.dma_semaphore, #tpu.memory_space<semaphore_mem>>) src(%dma_wait3A_781 : memref<32x20xi32, #tpu.memory_space<hbm>>) dst(%arg5 : memref<32x20xi32, #tpu.memory_space<vmem>>)
      tpu.yield
    }) : () -> ()
    %dma_start3A = arith.constant 0 : i32
    %dma_start3A_3 = arith.constant 0 : i32
    %dma_start3A_4 = arith.constant 0 : i32
    %dma_start3A_5 = arith.constant 0 : i32
    %dma_start3A_6 = tpu.memref_slice %arg6[%dma_start3A_3, %dma_start3A_4, %dma_start3A_5] : memref<32x20x128xf32, #tpu.memory_space<vmem>> -> memref<1x20x128xf32, #tpu.memory_space<vmem>>
    %dma_start3A_7 = tpu.memref_squeeze %dma_start3A_6 : memref<1x20x128xf32, #tpu.memory_space<vmem>> -> memref<20x128xf32, #tpu.memory_space<vmem>>
    %dma_start3A_8 = arith.constant 0 : i32
    %dma_start3A_9 = tpu.memref_slice %arg5[%dma_start3A, %dma_start3A_8] : memref<32x20xi32, #tpu.memory_space<vmem>> -> memref<1x20xi32, #tpu.memory_space<vmem>>
    %dma_start3A_10 = tpu.memref_squeeze %dma_start3A_9 : memref<1x20xi32, #tpu.memory_space<vmem>> -> memref<20xi32, #tpu.memory_space<vmem>>
    %dma_start3A_11 = arith.constant 0 : i32
    %dma_start3A_12 = arith.constant 0 : i32
    %dma_start3A_13 = tpu.memref_slice %arg2[%dma_start3A_11, %dma_start3A_12] : memref<100000x128xf32, #tpu.memory_space<hbm>> -> memref<100000x128xf32, #tpu.memory_space<hbm>>
    tpu.enqueue_indirect_dma source(%dma_start3A_13 : memref<100000x128xf32, #tpu.memory_space<hbm>>) target(%dma_start3A_7 : memref<20x128xf32, #tpu.memory_space<vmem>>) offsets(%dma_start3A_10 : memref<20xi32, #tpu.memory_space<vmem>>) semaphore(%arg8 : memref<!tpu.dma_semaphore, #tpu.memory_space<semaphore_mem>>)
    %dma_start3A_14 = arith.constant 1 : i32
    %dma_start3A_15 = arith.constant 1 : i32
    %dma_start3A_16 = arith.constant 0 : i32
    %dma_start3A_17 = arith.constant 0 : i32
    %dma_start3A_18 = tpu.memref_slice %arg6[%dma_start3A_15, %dma_start3A_16, %dma_start3A_17] : memref<32x20x128xf32, #tpu.memory_space<vmem>> -> memref<1x20x128xf32, #tpu.memory_space<vmem>>
    %dma_start3A_19 = tpu.memref_squeeze %dma_start3A_18 : memref<1x20x128xf32, #tpu.memory_space<vmem>> -> memref<20x128xf32, #tpu.memory_space<vmem>>
    %dma_start3A_20 = arith.constant 0 : i32
    %dma_start3A_21 = tpu.memref_slice %arg5[%dma_start3A_14, %dma_start3A_20] : memref<32x20xi32, #tpu.memory_space<vmem>> -> memref<1x20xi32, #tpu.memory_space<vmem>>
    %dma_start3A_22 = tpu.memref_squeeze %dma_start3A_21 : memref<1x20xi32, #tpu.memory_space<vmem>> -> memref<20xi32, #tpu.memory_space<vmem>>
    %dma_start3A_23 = arith.constant 0 : i32
    %dma_start3A_24 = arith.constant 0 : i32
    %dma_start3A_25 = tpu.memref_slice %arg2[%dma_start3A_23, %dma_start3A_24] : memref<100000x128xf32, #tpu.memory_space<hbm>> -> memref<100000x128xf32, #tpu.memory_space<hbm>>
    tpu.enqueue_indirect_dma source(%dma_start3A_25 : memref<100000x128xf32, #tpu.memory_space<hbm>>) target(%dma_start3A_19 : memref<20x128xf32, #tpu.memory_space<vmem>>) offsets(%dma_start3A_22 : memref<20xi32, #tpu.memory_space<vmem>>) semaphore(%arg8 : memref<!tpu.dma_semaphore, #tpu.memory_space<semaphore_mem>>)
    %dma_start3A_26 = arith.constant 2 : i32
    %dma_start3A_27 = arith.constant 2 : i32
    %dma_start3A_28 = arith.constant 0 : i32
    %dma_start3A_29 = arith.constant 0 : i32
    %dma_start3A_30 = tpu.memref_slice %arg6[%dma_start3A_27, %dma_start3A_28, %dma_start3A_29] : memref<32x20x128xf32, #tpu.memory_space<vmem>> -> memref<1x20x128xf32, #tpu.memory_space<vmem>>
    %dma_start3A_31 = tpu.memref_squeeze %dma_start3A_30 : memref<1x20x128xf32, #tpu.memory_space<vmem>> -> memref<20x128xf32, #tpu.memory_space<vmem>>
    %dma_start3A_32 = arith.constant 0 : i32
    %dma_start3A_33 = tpu.memref_slice %arg5[%dma_start3A_26, %dma_start3A_32] : memref<32x20xi32, #tpu.memory_space<vmem>> -> memref<1x20xi32, #tpu.memory_space<vmem>>
    %dma_start3A_34 = tpu.memref_squeeze %dma_start3A_33 : memref<1x20xi32, #tpu.memory_space<vmem>> -> memref<20xi32, #tpu.memory_space<vmem>>
    %dma_start3A_35 = arith.constant 0 : i32
    %dma_start3A_36 = arith.constant 0 : i32
    %dma_start3A_37 = tpu.memref_slice %arg2[%dma_start3A_35, %dma_start3A_36] : memref<100000x128xf32, #tpu.memory_space<hbm>> -> memref<100000x128xf32, #tpu.memory_space<hbm>>
    tpu.enqueue_indirect_dma source(%dma_start3A_37 : memref<100000x128xf32, #tpu.memory_space<hbm>>) target(%dma_start3A_31 : memref<20x128xf32, #tpu.memory_space<vmem>>) offsets(%dma_start3A_34 : memref<20xi32, #tpu.memory_space<vmem>>) semaphore(%arg8 : memref<!tpu.dma_semaphore, #tpu.memory_space<semaphore_mem>>)
    %dma_start3A_38 = arith.constant 3 : i32
    %dma_start3A_39 = arith.constant 3 : i32
    %dma_start3A_40 = arith.constant 0 : i32
    %dma_start3A_41 = arith.constant 0 : i32
    %dma_start3A_42 = tpu.memref_slice %arg6[%dma_start3A_39, %dma_start3A_40, %dma_start3A_41] : memref<32x20x128xf32, #tpu.memory_space<vmem>> -> memref<1x20x128xf32, #tpu.memory_space<vmem>>
    %dma_start3A_43 = tpu.memref_squeeze %dma_start3A_42 : memref<1x20x128xf32, #tpu.memory_space<vmem>> -> memref<20x128xf32, #tpu.memory_space<vmem>>
    %dma_start3A_44 = arith.constant 0 : i32
    %dma_start3A_45 = tpu.memref_slice %arg5[%dma_start3A_38, %dma_start3A_44] : memref<32x20xi32, #tpu.memory_space<vmem>> -> memref<1x20xi32, #tpu.memory_space<vmem>>
    %dma_start3A_46 = tpu.memref_squeeze %dma_start3A_45 : memref<1x20xi32, #tpu.memory_space<vmem>> -> memref<20xi32, #tpu.memory_space<vmem>>
    %dma_start3A_47 = arith.constant 0 : i32
    %dma_start3A_48 = arith.constant 0 : i32
    %dma_start3A_49 = tpu.memref_slice %arg2[%dma_start3A_47, %dma_start3A_48] : memref<100000x128xf32, #tpu.memory_space<hbm>> -> memref<100000x128xf32, #tpu.memory_space<hbm>>
    tpu.enqueue_indirect_dma source(%dma_start3A_49 : memref<100000x128xf32, #tpu.memory_space<hbm>>) target(%dma_start3A_43 : memref<20x128xf32, #tpu.memory_space<vmem>>) offsets(%dma_start3A_46 : memref<20xi32, #tpu.memory_space<vmem>>) semaphore(%arg8 : memref<!tpu.dma_semaphore, #tpu.memory_space<semaphore_mem>>)
    %dma_start3A_50 = arith.constant 4 : i32
    %dma_start3A_51 = arith.constant 4 : i32
    %dma_start3A_52 = arith.constant 0 : i32
    %dma_start3A_53 = arith.constant 0 : i32
    %dma_start3A_54 = tpu.memref_slice %arg6[%dma_start3A_51, %dma_start3A_52, %dma_start3A_53] : memref<32x20x128xf32, #tpu.memory_space<vmem>> -> memref<1x20x128xf32, #tpu.memory_space<vmem>>
    %dma_start3A_55 = tpu.memref_squeeze %dma_start3A_54 : memref<1x20x128xf32, #tpu.memory_space<vmem>> -> memref<20x128xf32, #tpu.memory_space<vmem>>
    %dma_start3A_56 = arith.constant 0 : i32
    %dma_start3A_57 = tpu.memref_slice %arg5[%dma_start3A_50, %dma_start3A_56] : memref<32x20xi32, #tpu.memory_space<vmem>> -> memref<1x20xi32, #tpu.memory_space<vmem>>
    %dma_start3A_58 = tpu.memref_squeeze %dma_start3A_57 : memref<1x20xi32, #tpu.memory_space<vmem>> -> memref<20xi32, #tpu.memory_space<vmem>>
    %dma_start3A_59 = arith.constant 0 : i32
    %dma_start3A_60 = arith.constant 0 : i32
    %dma_start3A_61 = tpu.memref_slice %arg2[%dma_start3A_59, %dma_start3A_60] : memref<100000x128xf32, #tpu.memory_space<hbm>> -> memref<100000x128xf32, #tpu.memory_space<hbm>>
    tpu.enqueue_indirect_dma source(%dma_start3A_61 : memref<100000x128xf32, #tpu.memory_space<hbm>>) target(%dma_start3A_55 : memref<20x128xf32, #tpu.memory_space<vmem>>) offsets(%dma_start3A_58 : memref<20xi32, #tpu.memory_space<vmem>>) semaphore(%arg8 : memref<!tpu.dma_semaphore, #tpu.memory_space<semaphore_mem>>)
    %dma_start3A_62 = arith.constant 5 : i32
    %dma_start3A_63 = arith.constant 5 : i32
    %dma_start3A_64 = arith.constant 0 : i32
    %dma_start3A_65 = arith.constant 0 : i32
    %dma_start3A_66 = tpu.memref_slice %arg6[%dma_start3A_63, %dma_start3A_64, %dma_start3A_65] : memref<32x20x128xf32, #tpu.memory_space<vmem>> -> memref<1x20x128xf32, #tpu.memory_space<vmem>>
    %dma_start3A_67 = tpu.memref_squeeze %dma_start3A_66 : memref<1x20x128xf32, #tpu.memory_space<vmem>> -> memref<20x128xf32, #tpu.memory_space<vmem>>
    %dma_start3A_68 = arith.constant 0 : i32
    %dma_start3A_69 = tpu.memref_slice %arg5[%dma_start3A_62, %dma_start3A_68] : memref<32x20xi32, #tpu.memory_space<vmem>> -> memref<1x20xi32, #tpu.memory_space<vmem>>
    %dma_start3A_70 = tpu.memref_squeeze %dma_start3A_69 : memref<1x20xi32, #tpu.memory_space<vmem>> -> memref<20xi32, #tpu.memory_space<vmem>>
    %dma_start3A_71 = arith.constant 0 : i32
    %dma_start3A_72 = arith.constant 0 : i32
    %dma_start3A_73 = tpu.memref_slice %arg2[%dma_start3A_71, %dma_start3A_72] : memref<100000x128xf32, #tpu.memory_space<hbm>> -> memref<100000x128xf32, #tpu.memory_space<hbm>>
    tpu.enqueue_indirect_dma source(%dma_start3A_73 : memref<100000x128xf32, #tpu.memory_space<hbm>>) target(%dma_start3A_67 : memref<20x128xf32, #tpu.memory_space<vmem>>) offsets(%dma_start3A_70 : memref<20xi32, #tpu.memory_space<vmem>>) semaphore(%arg8 : memref<!tpu.dma_semaphore, #tpu.memory_space<semaphore_mem>>)
    %dma_start3A_74 = arith.constant 6 : i32
    %dma_start3A_75 = arith.constant 6 : i32
    %dma_start3A_76 = arith.constant 0 : i32
    %dma_start3A_77 = arith.constant 0 : i32
    %dma_start3A_78 = tpu.memref_slice %arg6[%dma_start3A_75, %dma_start3A_76, %dma_start3A_77] : memref<32x20x128xf32, #tpu.memory_space<vmem>> -> memref<1x20x128xf32, #tpu.memory_space<vmem>>
    %dma_start3A_79 = tpu.memref_squeeze %dma_start3A_78 : memref<1x20x128xf32, #tpu.memory_space<vmem>> -> memref<20x128xf32, #tpu.memory_space<vmem>>
    %dma_start3A_80 = arith.constant 0 : i32
    %dma_start3A_81 = tpu.memref_slice %arg5[%dma_start3A_74, %dma_start3A_80] : memref<32x20xi32, #tpu.memory_space<vmem>> -> memref<1x20xi32, #tpu.memory_space<vmem>>
    %dma_start3A_82 = tpu.memref_squeeze %dma_start3A_81 : memref<1x20xi32, #tpu.memory_space<vmem>> -> memref<20xi32, #tpu.memory_space<vmem>>
    %dma_start3A_83 = arith.constant 0 : i32
    %dma_start3A_84 = arith.constant 0 : i32
    %dma_start3A_85 = tpu.memref_slice %arg2[%dma_start3A_83, %dma_start3A_84] : memref<100000x128xf32, #tpu.memory_space<hbm>> -> memref<100000x128xf32, #tpu.memory_space<hbm>>
    tpu.enqueue_indirect_dma source(%dma_start3A_85 : memref<100000x128xf32, #tpu.memory_space<hbm>>) target(%dma_start3A_79 : memref<20x128xf32, #tpu.memory_space<vmem>>) offsets(%dma_start3A_82 : memref<20xi32, #tpu.memory_space<vmem>>) semaphore(%arg8 : memref<!tpu.dma_semaphore, #tpu.memory_space<semaphore_mem>>)
    %dma_start3A_86 = arith.constant 7 : i32
    %dma_start3A_87 = arith.constant 7 : i32
    %dma_start3A_88 = arith.constant 0 : i32
    %dma_start3A_89 = arith.constant 0 : i32
    %dma_start3A_90 = tpu.memref_slice %arg6[%dma_start3A_87, %dma_start3A_88, %dma_start3A_89] : memref<32x20x128xf32, #tpu.memory_space<vmem>> -> memref<1x20x128xf32, #tpu.memory_space<vmem>>
    %dma_start3A_91 = tpu.memref_squeeze %dma_start3A_90 : memref<1x20x128xf32, #tpu.memory_space<vmem>> -> memref<20x128xf32, #tpu.memory_space<vmem>>
    %dma_start3A_92 = arith.constant 0 : i32
    %dma_start3A_93 = tpu.memref_slice %arg5[%dma_start3A_86, %dma_start3A_92] : memref<32x20xi32, #tpu.memory_space<vmem>> -> memref<1x20xi32, #tpu.memory_space<vmem>>
    %dma_start3A_94 = tpu.memref_squeeze %dma_start3A_93 : memref<1x20xi32, #tpu.memory_space<vmem>> -> memref<20xi32, #tpu.memory_space<vmem>>
    %dma_start3A_95 = arith.constant 0 : i32
    %dma_start3A_96 = arith.constant 0 : i32
    %dma_start3A_97 = tpu.memref_slice %arg2[%dma_start3A_95, %dma_start3A_96] : memref<100000x128xf32, #tpu.memory_space<hbm>> -> memref<100000x128xf32, #tpu.memory_space<hbm>>
    tpu.enqueue_indirect_dma source(%dma_start3A_97 : memref<100000x128xf32, #tpu.memory_space<hbm>>) target(%dma_start3A_91 : memref<20x128xf32, #tpu.memory_space<vmem>>) offsets(%dma_start3A_94 : memref<20xi32, #tpu.memory_space<vmem>>) semaphore(%arg8 : memref<!tpu.dma_semaphore, #tpu.memory_space<semaphore_mem>>)
    %dma_start3A_98 = arith.constant 8 : i32
    %dma_start3A_99 = arith.constant 8 : i32
    %dma_start3A_100 = arith.constant 0 : i32
    %dma_start3A_101 = arith.constant 0 : i32
    %dma_start3A_102 = tpu.memref_slice %arg6[%dma_start3A_99, %dma_start3A_100, %dma_start3A_101] : memref<32x20x128xf32, #tpu.memory_space<vmem>> -> memref<1x20x128xf32, #tpu.memory_space<vmem>>
    %dma_start3A_103 = tpu.memref_squeeze %dma_start3A_102 : memref<1x20x128xf32, #tpu.memory_space<vmem>> -> memref<20x128xf32, #tpu.memory_space<vmem>>
    %dma_start3A_104 = arith.constant 0 : i32
    %dma_start3A_105 = tpu.memref_slice %arg5[%dma_start3A_98, %dma_start3A_104] : memref<32x20xi32, #tpu.memory_space<vmem>> -> memref<1x20xi32, #tpu.memory_space<vmem>>
    %dma_start3A_106 = tpu.memref_squeeze %dma_start3A_105 : memref<1x20xi32, #tpu.memory_space<vmem>> -> memref<20xi32, #tpu.memory_space<vmem>>
    %dma_start3A_107 = arith.constant 0 : i32
    %dma_start3A_108 = arith.constant 0 : i32
    %dma_start3A_109 = tpu.memref_slice %arg2[%dma_start3A_107, %dma_start3A_108] : memref<100000x128xf32, #tpu.memory_space<hbm>> -> memref<100000x128xf32, #tpu.memory_space<hbm>>
    tpu.enqueue_indirect_dma source(%dma_start3A_109 : memref<100000x128xf32, #tpu.memory_space<hbm>>) target(%dma_start3A_103 : memref<20x128xf32, #tpu.memory_space<vmem>>) offsets(%dma_start3A_106 : memref<20xi32, #tpu.memory_space<vmem>>) semaphore(%arg8 : memref<!tpu.dma_semaphore, #tpu.memory_space<semaphore_mem>>)
    %dma_start3A_110 = arith.constant 9 : i32
    %dma_start3A_111 = arith.constant 9 : i32
    %dma_start3A_112 = arith.constant 0 : i32
    %dma_start3A_113 = arith.constant 0 : i32
    %dma_start3A_114 = tpu.memref_slice %arg6[%dma_start3A_111, %dma_start3A_112, %dma_start3A_113] : memref<32x20x128xf32, #tpu.memory_space<vmem>> -> memref<1x20x128xf32, #tpu.memory_space<vmem>>
    %dma_start3A_115 = tpu.memref_squeeze %dma_start3A_114 : memref<1x20x128xf32, #tpu.memory_space<vmem>> -> memref<20x128xf32, #tpu.memory_space<vmem>>
    %dma_start3A_116 = arith.constant 0 : i32
    %dma_start3A_117 = tpu.memref_slice %arg5[%dma_start3A_110, %dma_start3A_116] : memref<32x20xi32, #tpu.memory_space<vmem>> -> memref<1x20xi32, #tpu.memory_space<vmem>>
    %dma_start3A_118 = tpu.memref_squeeze %dma_start3A_117 : memref<1x20xi32, #tpu.memory_space<vmem>> -> memref<20xi32, #tpu.memory_space<vmem>>
    %dma_start3A_119 = arith.constant 0 : i32
    %dma_start3A_120 = arith.constant 0 : i32
    %dma_start3A_121 = tpu.memref_slice %arg2[%dma_start3A_119, %dma_start3A_120] : memref<100000x128xf32, #tpu.memory_space<hbm>> -> memref<100000x128xf32, #tpu.memory_space<hbm>>
    tpu.enqueue_indirect_dma source(%dma_start3A_121 : memref<100000x128xf32, #tpu.memory_space<hbm>>) target(%dma_start3A_115 : memref<20x128xf32, #tpu.memory_space<vmem>>) offsets(%dma_start3A_118 : memref<20xi32, #tpu.memory_space<vmem>>) semaphore(%arg8 : memref<!tpu.dma_semaphore, #tpu.memory_space<semaphore_mem>>)
    %dma_start3A_122 = arith.constant 10 : i32
    %dma_start3A_123 = arith.constant 10 : i32
    %dma_start3A_124 = arith.constant 0 : i32
    %dma_start3A_125 = arith.constant 0 : i32
    %dma_start3A_126 = tpu.memref_slice %arg6[%dma_start3A_123, %dma_start3A_124, %dma_start3A_125] : memref<32x20x128xf32, #tpu.memory_space<vmem>> -> memref<1x20x128xf32, #tpu.memory_space<vmem>>
    %dma_start3A_127 = tpu.memref_squeeze %dma_start3A_126 : memref<1x20x128xf32, #tpu.memory_space<vmem>> -> memref<20x128xf32, #tpu.memory_space<vmem>>
    %dma_start3A_128 = arith.constant 0 : i32
    %dma_start3A_129 = tpu.memref_slice %arg5[%dma_start3A_122, %dma_start3A_128] : memref<32x20xi32, #tpu.memory_space<vmem>> -> memref<1x20xi32, #tpu.memory_space<vmem>>
    %dma_start3A_130 = tpu.memref_squeeze %dma_start3A_129 : memref<1x20xi32, #tpu.memory_space<vmem>> -> memref<20xi32, #tpu.memory_space<vmem>>
    %dma_start3A_131 = arith.constant 0 : i32
    %dma_start3A_132 = arith.constant 0 : i32
    %dma_start3A_133 = tpu.memref_slice %arg2[%dma_start3A_131, %dma_start3A_132] : memref<100000x128xf32, #tpu.memory_space<hbm>> -> memref<100000x128xf32, #tpu.memory_space<hbm>>
    tpu.enqueue_indirect_dma source(%dma_start3A_133 : memref<100000x128xf32, #tpu.memory_space<hbm>>) target(%dma_start3A_127 : memref<20x128xf32, #tpu.memory_space<vmem>>) offsets(%dma_start3A_130 : memref<20xi32, #tpu.memory_space<vmem>>) semaphore(%arg8 : memref<!tpu.dma_semaphore, #tpu.memory_space<semaphore_mem>>)
    %dma_start3A_134 = arith.constant 11 : i32
    %dma_start3A_135 = arith.constant 11 : i32
    %dma_start3A_136 = arith.constant 0 : i32
    %dma_start3A_137 = arith.constant 0 : i32
    %dma_start3A_138 = tpu.memref_slice %arg6[%dma_start3A_135, %dma_start3A_136, %dma_start3A_137] : memref<32x20x128xf32, #tpu.memory_space<vmem>> -> memref<1x20x128xf32, #tpu.memory_space<vmem>>
    %dma_start3A_139 = tpu.memref_squeeze %dma_start3A_138 : memref<1x20x128xf32, #tpu.memory_space<vmem>> -> memref<20x128xf32, #tpu.memory_space<vmem>>
    %dma_start3A_140 = arith.constant 0 : i32
    %dma_start3A_141 = tpu.memref_slice %arg5[%dma_start3A_134, %dma_start3A_140] : memref<32x20xi32, #tpu.memory_space<vmem>> -> memref<1x20xi32, #tpu.memory_space<vmem>>
    %dma_start3A_142 = tpu.memref_squeeze %dma_start3A_141 : memref<1x20xi32, #tpu.memory_space<vmem>> -> memref<20xi32, #tpu.memory_space<vmem>>
    %dma_start3A_143 = arith.constant 0 : i32
    %dma_start3A_144 = arith.constant 0 : i32
    %dma_start3A_145 = tpu.memref_slice %arg2[%dma_start3A_143, %dma_start3A_144] : memref<100000x128xf32, #tpu.memory_space<hbm>> -> memref<100000x128xf32, #tpu.memory_space<hbm>>
    tpu.enqueue_indirect_dma source(%dma_start3A_145 : memref<100000x128xf32, #tpu.memory_space<hbm>>) target(%dma_start3A_139 : memref<20x128xf32, #tpu.memory_space<vmem>>) offsets(%dma_start3A_142 : memref<20xi32, #tpu.memory_space<vmem>>) semaphore(%arg8 : memref<!tpu.dma_semaphore, #tpu.memory_space<semaphore_mem>>)
    %dma_start3A_146 = arith.constant 12 : i32
    %dma_start3A_147 = arith.constant 12 : i32
    %dma_start3A_148 = arith.constant 0 : i32
    %dma_start3A_149 = arith.constant 0 : i32
    %dma_start3A_150 = tpu.memref_slice %arg6[%dma_start3A_147, %dma_start3A_148, %dma_start3A_149] : memref<32x20x128xf32, #tpu.memory_space<vmem>> -> memref<1x20x128xf32, #tpu.memory_space<vmem>>
    %dma_start3A_151 = tpu.memref_squeeze %dma_start3A_150 : memref<1x20x128xf32, #tpu.memory_space<vmem>> -> memref<20x128xf32, #tpu.memory_space<vmem>>
    %dma_start3A_152 = arith.constant 0 : i32
    %dma_start3A_153 = tpu.memref_slice %arg5[%dma_start3A_146, %dma_start3A_152] : memref<32x20xi32, #tpu.memory_space<vmem>> -> memref<1x20xi32, #tpu.memory_space<vmem>>
    %dma_start3A_154 = tpu.memref_squeeze %dma_start3A_153 : memref<1x20xi32, #tpu.memory_space<vmem>> -> memref<20xi32, #tpu.memory_space<vmem>>
    %dma_start3A_155 = arith.constant 0 : i32
    %dma_start3A_156 = arith.constant 0 : i32
    %dma_start3A_157 = tpu.memref_slice %arg2[%dma_start3A_155, %dma_start3A_156] : memref<100000x128xf32, #tpu.memory_space<hbm>> -> memref<100000x128xf32, #tpu.memory_space<hbm>>
    tpu.enqueue_indirect_dma source(%dma_start3A_157 : memref<100000x128xf32, #tpu.memory_space<hbm>>) target(%dma_start3A_151 : memref<20x128xf32, #tpu.memory_space<vmem>>) offsets(%dma_start3A_154 : memref<20xi32, #tpu.memory_space<vmem>>) semaphore(%arg8 : memref<!tpu.dma_semaphore, #tpu.memory_space<semaphore_mem>>)
    %dma_start3A_158 = arith.constant 13 : i32
    %dma_start3A_159 = arith.constant 13 : i32
    %dma_start3A_160 = arith.constant 0 : i32
    %dma_start3A_161 = arith.constant 0 : i32
    %dma_start3A_162 = tpu.memref_slice %arg6[%dma_start3A_159, %dma_start3A_160, %dma_start3A_161] : memref<32x20x128xf32, #tpu.memory_space<vmem>> -> memref<1x20x128xf32, #tpu.memory_space<vmem>>
    %dma_start3A_163 = tpu.memref_squeeze %dma_start3A_162 : memref<1x20x128xf32, #tpu.memory_space<vmem>> -> memref<20x128xf32, #tpu.memory_space<vmem>>
    %dma_start3A_164 = arith.constant 0 : i32
    %dma_start3A_165 = tpu.memref_slice %arg5[%dma_start3A_158, %dma_start3A_164] : memref<32x20xi32, #tpu.memory_space<vmem>> -> memref<1x20xi32, #tpu.memory_space<vmem>>
    %dma_start3A_166 = tpu.memref_squeeze %dma_start3A_165 : memref<1x20xi32, #tpu.memory_space<vmem>> -> memref<20xi32, #tpu.memory_space<vmem>>
    %dma_start3A_167 = arith.constant 0 : i32
    %dma_start3A_168 = arith.constant 0 : i32
    %dma_start3A_169 = tpu.memref_slice %arg2[%dma_start3A_167, %dma_start3A_168] : memref<100000x128xf32, #tpu.memory_space<hbm>> -> memref<100000x128xf32, #tpu.memory_space<hbm>>
    tpu.enqueue_indirect_dma source(%dma_start3A_169 : memref<100000x128xf32, #tpu.memory_space<hbm>>) target(%dma_start3A_163 : memref<20x128xf32, #tpu.memory_space<vmem>>) offsets(%dma_start3A_166 : memref<20xi32, #tpu.memory_space<vmem>>) semaphore(%arg8 : memref<!tpu.dma_semaphore, #tpu.memory_space<semaphore_mem>>)
    %dma_start3A_170 = arith.constant 14 : i32
    %dma_start3A_171 = arith.constant 14 : i32
    %dma_start3A_172 = arith.constant 0 : i32
    %dma_start3A_173 = arith.constant 0 : i32
    %dma_start3A_174 = tpu.memref_slice %arg6[%dma_start3A_171, %dma_start3A_172, %dma_start3A_173] : memref<32x20x128xf32, #tpu.memory_space<vmem>> -> memref<1x20x128xf32, #tpu.memory_space<vmem>>
    %dma_start3A_175 = tpu.memref_squeeze %dma_start3A_174 : memref<1x20x128xf32, #tpu.memory_space<vmem>> -> memref<20x128xf32, #tpu.memory_space<vmem>>
    %dma_start3A_176 = arith.constant 0 : i32
    %dma_start3A_177 = tpu.memref_slice %arg5[%dma_start3A_170, %dma_start3A_176] : memref<32x20xi32, #tpu.memory_space<vmem>> -> memref<1x20xi32, #tpu.memory_space<vmem>>
    %dma_start3A_178 = tpu.memref_squeeze %dma_start3A_177 : memref<1x20xi32, #tpu.memory_space<vmem>> -> memref<20xi32, #tpu.memory_space<vmem>>
    %dma_start3A_179 = arith.constant 0 : i32
    %dma_start3A_180 = arith.constant 0 : i32
    %dma_start3A_181 = tpu.memref_slice %arg2[%dma_start3A_179, %dma_start3A_180] : memref<100000x128xf32, #tpu.memory_space<hbm>> -> memref<100000x128xf32, #tpu.memory_space<hbm>>
    tpu.enqueue_indirect_dma source(%dma_start3A_181 : memref<100000x128xf32, #tpu.memory_space<hbm>>) target(%dma_start3A_175 : memref<20x128xf32, #tpu.memory_space<vmem>>) offsets(%dma_start3A_178 : memref<20xi32, #tpu.memory_space<vmem>>) semaphore(%arg8 : memref<!tpu.dma_semaphore, #tpu.memory_space<semaphore_mem>>)
    %dma_start3A_182 = arith.constant 15 : i32
    %dma_start3A_183 = arith.constant 15 : i32
    %dma_start3A_184 = arith.constant 0 : i32
    %dma_start3A_185 = arith.constant 0 : i32
    %dma_start3A_186 = tpu.memref_slice %arg6[%dma_start3A_183, %dma_start3A_184, %dma_start3A_185] : memref<32x20x128xf32, #tpu.memory_space<vmem>> -> memref<1x20x128xf32, #tpu.memory_space<vmem>>
    %dma_start3A_187 = tpu.memref_squeeze %dma_start3A_186 : memref<1x20x128xf32, #tpu.memory_space<vmem>> -> memref<20x128xf32, #tpu.memory_space<vmem>>
    %dma_start3A_188 = arith.constant 0 : i32
    %dma_start3A_189 = tpu.memref_slice %arg5[%dma_start3A_182, %dma_start3A_188] : memref<32x20xi32, #tpu.memory_space<vmem>> -> memref<1x20xi32, #tpu.memory_space<vmem>>
    %dma_start3A_190 = tpu.memref_squeeze %dma_start3A_189 : memref<1x20xi32, #tpu.memory_space<vmem>> -> memref<20xi32, #tpu.memory_space<vmem>>
    %dma_start3A_191 = arith.constant 0 : i32
    %dma_start3A_192 = arith.constant 0 : i32
    %dma_start3A_193 = tpu.memref_slice %arg2[%dma_start3A_191, %dma_start3A_192] : memref<100000x128xf32, #tpu.memory_space<hbm>> -> memref<100000x128xf32, #tpu.memory_space<hbm>>
    tpu.enqueue_indirect_dma source(%dma_start3A_193 : memref<100000x128xf32, #tpu.memory_space<hbm>>) target(%dma_start3A_187 : memref<20x128xf32, #tpu.memory_space<vmem>>) offsets(%dma_start3A_190 : memref<20xi32, #tpu.memory_space<vmem>>) semaphore(%arg8 : memref<!tpu.dma_semaphore, #tpu.memory_space<semaphore_mem>>)
    %dma_wait3A = arith.constant 0 : i32
    %dma_wait3A_194 = arith.constant 0 : i32
    %dma_wait3A_195 = arith.constant 0 : i32
    %dma_wait3A_196 = arith.constant 0 : i32
    %dma_wait3A_197 = tpu.memref_slice %arg6[%dma_wait3A_194, %dma_wait3A_195, %dma_wait3A_196] : memref<32x20x128xf32, #tpu.memory_space<vmem>> -> memref<1x20x128xf32, #tpu.memory_space<vmem>>
    %dma_wait3A_198 = tpu.memref_squeeze %dma_wait3A_197 : memref<1x20x128xf32, #tpu.memory_space<vmem>> -> memref<20x128xf32, #tpu.memory_space<vmem>>
    %dma_wait3A_199 = arith.constant 0 : i32
    %dma_wait3A_200 = tpu.memref_slice %arg5[%dma_wait3A, %dma_wait3A_199] : memref<32x20xi32, #tpu.memory_space<vmem>> -> memref<1x20xi32, #tpu.memory_space<vmem>>
    %dma_wait3A_201 = tpu.memref_squeeze %dma_wait3A_200 : memref<1x20xi32, #tpu.memory_space<vmem>> -> memref<20xi32, #tpu.memory_space<vmem>>
    %dma_wait3A_202 = arith.constant 0 : i32
    %dma_wait3A_203 = arith.constant 0 : i32
    %dma_wait3A_204 = tpu.memref_slice %arg2[%dma_wait3A_202, %dma_wait3A_203] : memref<100000x128xf32, #tpu.memory_space<hbm>> -> memref<100000x128xf32, #tpu.memory_space<hbm>>
    tpu.wait_indirect_dma semaphore(%arg8 : memref<!tpu.dma_semaphore, #tpu.memory_space<semaphore_mem>>) src(%dma_wait3A_204 : memref<100000x128xf32, #tpu.memory_space<hbm>>) dst(%dma_wait3A_198 : memref<20x128xf32, #tpu.memory_space<vmem>>)
    %dma_wait3A_205 = arith.constant 1 : i32
    %dma_wait3A_206 = arith.constant 1 : i32
    %dma_wait3A_207 = arith.constant 0 : i32
    %dma_wait3A_208 = arith.constant 0 : i32
    %dma_wait3A_209 = tpu.memref_slice %arg6[%dma_wait3A_206, %dma_wait3A_207, %dma_wait3A_208] : memref<32x20x128xf32, #tpu.memory_space<vmem>> -> memref<1x20x128xf32, #tpu.memory_space<vmem>>
    %dma_wait3A_210 = tpu.memref_squeeze %dma_wait3A_209 : memref<1x20x128xf32, #tpu.memory_space<vmem>> -> memref<20x128xf32, #tpu.memory_space<vmem>>
    %dma_wait3A_211 = arith.constant 0 : i32
    %dma_wait3A_212 = tpu.memref_slice %arg5[%dma_wait3A_205, %dma_wait3A_211] : memref<32x20xi32, #tpu.memory_space<vmem>> -> memref<1x20xi32, #tpu.memory_space<vmem>>
    %dma_wait3A_213 = tpu.memref_squeeze %dma_wait3A_212 : memref<1x20xi32, #tpu.memory_space<vmem>> -> memref<20xi32, #tpu.memory_space<vmem>>
    %dma_wait3A_214 = arith.constant 0 : i32
    %dma_wait3A_215 = arith.constant 0 : i32
    %dma_wait3A_216 = tpu.memref_slice %arg2[%dma_wait3A_214, %dma_wait3A_215] : memref<100000x128xf32, #tpu.memory_space<hbm>> -> memref<100000x128xf32, #tpu.memory_space<hbm>>
    tpu.wait_indirect_dma semaphore(%arg8 : memref<!tpu.dma_semaphore, #tpu.memory_space<semaphore_mem>>) src(%dma_wait3A_216 : memref<100000x128xf32, #tpu.memory_space<hbm>>) dst(%dma_wait3A_210 : memref<20x128xf32, #tpu.memory_space<vmem>>)
    %dma_wait3A_217 = arith.constant 2 : i32
    %dma_wait3A_218 = arith.constant 2 : i32
    %dma_wait3A_219 = arith.constant 0 : i32
    %dma_wait3A_220 = arith.constant 0 : i32
    %dma_wait3A_221 = tpu.memref_slice %arg6[%dma_wait3A_218, %dma_wait3A_219, %dma_wait3A_220] : memref<32x20x128xf32, #tpu.memory_space<vmem>> -> memref<1x20x128xf32, #tpu.memory_space<vmem>>
    %dma_wait3A_222 = tpu.memref_squeeze %dma_wait3A_221 : memref<1x20x128xf32, #tpu.memory_space<vmem>> -> memref<20x128xf32, #tpu.memory_space<vmem>>
    %dma_wait3A_223 = arith.constant 0 : i32
    %dma_wait3A_224 = tpu.memref_slice %arg5[%dma_wait3A_217, %dma_wait3A_223] : memref<32x20xi32, #tpu.memory_space<vmem>> -> memref<1x20xi32, #tpu.memory_space<vmem>>
    %dma_wait3A_225 = tpu.memref_squeeze %dma_wait3A_224 : memref<1x20xi32, #tpu.memory_space<vmem>> -> memref<20xi32, #tpu.memory_space<vmem>>
    %dma_wait3A_226 = arith.constant 0 : i32
    %dma_wait3A_227 = arith.constant 0 : i32
    %dma_wait3A_228 = tpu.memref_slice %arg2[%dma_wait3A_226, %dma_wait3A_227] : memref<100000x128xf32, #tpu.memory_space<hbm>> -> memref<100000x128xf32, #tpu.memory_space<hbm>>
    tpu.wait_indirect_dma semaphore(%arg8 : memref<!tpu.dma_semaphore, #tpu.memory_space<semaphore_mem>>) src(%dma_wait3A_228 : memref<100000x128xf32, #tpu.memory_space<hbm>>) dst(%dma_wait3A_222 : memref<20x128xf32, #tpu.memory_space<vmem>>)
    %dma_wait3A_229 = arith.constant 3 : i32
    %dma_wait3A_230 = arith.constant 3 : i32
    %dma_wait3A_231 = arith.constant 0 : i32
    %dma_wait3A_232 = arith.constant 0 : i32
    %dma_wait3A_233 = tpu.memref_slice %arg6[%dma_wait3A_230, %dma_wait3A_231, %dma_wait3A_232] : memref<32x20x128xf32, #tpu.memory_space<vmem>> -> memref<1x20x128xf32, #tpu.memory_space<vmem>>
    %dma_wait3A_234 = tpu.memref_squeeze %dma_wait3A_233 : memref<1x20x128xf32, #tpu.memory_space<vmem>> -> memref<20x128xf32, #tpu.memory_space<vmem>>
    %dma_wait3A_235 = arith.constant 0 : i32
    %dma_wait3A_236 = tpu.memref_slice %arg5[%dma_wait3A_229, %dma_wait3A_235] : memref<32x20xi32, #tpu.memory_space<vmem>> -> memref<1x20xi32, #tpu.memory_space<vmem>>
    %dma_wait3A_237 = tpu.memref_squeeze %dma_wait3A_236 : memref<1x20xi32, #tpu.memory_space<vmem>> -> memref<20xi32, #tpu.memory_space<vmem>>
    %dma_wait3A_238 = arith.constant 0 : i32
    %dma_wait3A_239 = arith.constant 0 : i32
    %dma_wait3A_240 = tpu.memref_slice %arg2[%dma_wait3A_238, %dma_wait3A_239] : memref<100000x128xf32, #tpu.memory_space<hbm>> -> memref<100000x128xf32, #tpu.memory_space<hbm>>
    tpu.wait_indirect_dma semaphore(%arg8 : memref<!tpu.dma_semaphore, #tpu.memory_space<semaphore_mem>>) src(%dma_wait3A_240 : memref<100000x128xf32, #tpu.memory_space<hbm>>) dst(%dma_wait3A_234 : memref<20x128xf32, #tpu.memory_space<vmem>>)
    %dma_wait3A_241 = arith.constant 4 : i32
    %dma_wait3A_242 = arith.constant 4 : i32
    %dma_wait3A_243 = arith.constant 0 : i32
    %dma_wait3A_244 = arith.constant 0 : i32
    %dma_wait3A_245 = tpu.memref_slice %arg6[%dma_wait3A_242, %dma_wait3A_243, %dma_wait3A_244] : memref<32x20x128xf32, #tpu.memory_space<vmem>> -> memref<1x20x128xf32, #tpu.memory_space<vmem>>
    %dma_wait3A_246 = tpu.memref_squeeze %dma_wait3A_245 : memref<1x20x128xf32, #tpu.memory_space<vmem>> -> memref<20x128xf32, #tpu.memory_space<vmem>>
    %dma_wait3A_247 = arith.constant 0 : i32
    %dma_wait3A_248 = tpu.memref_slice %arg5[%dma_wait3A_241, %dma_wait3A_247] : memref<32x20xi32, #tpu.memory_space<vmem>> -> memref<1x20xi32, #tpu.memory_space<vmem>>
    %dma_wait3A_249 = tpu.memref_squeeze %dma_wait3A_248 : memref<1x20xi32, #tpu.memory_space<vmem>> -> memref<20xi32, #tpu.memory_space<vmem>>
    %dma_wait3A_250 = arith.constant 0 : i32
    %dma_wait3A_251 = arith.constant 0 : i32
    %dma_wait3A_252 = tpu.memref_slice %arg2[%dma_wait3A_250, %dma_wait3A_251] : memref<100000x128xf32, #tpu.memory_space<hbm>> -> memref<100000x128xf32, #tpu.memory_space<hbm>>
    tpu.wait_indirect_dma semaphore(%arg8 : memref<!tpu.dma_semaphore, #tpu.memory_space<semaphore_mem>>) src(%dma_wait3A_252 : memref<100000x128xf32, #tpu.memory_space<hbm>>) dst(%dma_wait3A_246 : memref<20x128xf32, #tpu.memory_space<vmem>>)
    %dma_wait3A_253 = arith.constant 5 : i32
    %dma_wait3A_254 = arith.constant 5 : i32
    %dma_wait3A_255 = arith.constant 0 : i32
    %dma_wait3A_256 = arith.constant 0 : i32
    %dma_wait3A_257 = tpu.memref_slice %arg6[%dma_wait3A_254, %dma_wait3A_255, %dma_wait3A_256] : memref<32x20x128xf32, #tpu.memory_space<vmem>> -> memref<1x20x128xf32, #tpu.memory_space<vmem>>
    %dma_wait3A_258 = tpu.memref_squeeze %dma_wait3A_257 : memref<1x20x128xf32, #tpu.memory_space<vmem>> -> memref<20x128xf32, #tpu.memory_space<vmem>>
    %dma_wait3A_259 = arith.constant 0 : i32
    %dma_wait3A_260 = tpu.memref_slice %arg5[%dma_wait3A_253, %dma_wait3A_259] : memref<32x20xi32, #tpu.memory_space<vmem>> -> memref<1x20xi32, #tpu.memory_space<vmem>>
    %dma_wait3A_261 = tpu.memref_squeeze %dma_wait3A_260 : memref<1x20xi32, #tpu.memory_space<vmem>> -> memref<20xi32, #tpu.memory_space<vmem>>
    %dma_wait3A_262 = arith.constant 0 : i32
    %dma_wait3A_263 = arith.constant 0 : i32
    %dma_wait3A_264 = tpu.memref_slice %arg2[%dma_wait3A_262, %dma_wait3A_263] : memref<100000x128xf32, #tpu.memory_space<hbm>> -> memref<100000x128xf32, #tpu.memory_space<hbm>>
    tpu.wait_indirect_dma semaphore(%arg8 : memref<!tpu.dma_semaphore, #tpu.memory_space<semaphore_mem>>) src(%dma_wait3A_264 : memref<100000x128xf32, #tpu.memory_space<hbm>>) dst(%dma_wait3A_258 : memref<20x128xf32, #tpu.memory_space<vmem>>)
    %dma_wait3A_265 = arith.constant 6 : i32
    %dma_wait3A_266 = arith.constant 6 : i32
    %dma_wait3A_267 = arith.constant 0 : i32
    %dma_wait3A_268 = arith.constant 0 : i32
    %dma_wait3A_269 = tpu.memref_slice %arg6[%dma_wait3A_266, %dma_wait3A_267, %dma_wait3A_268] : memref<32x20x128xf32, #tpu.memory_space<vmem>> -> memref<1x20x128xf32, #tpu.memory_space<vmem>>
    %dma_wait3A_270 = tpu.memref_squeeze %dma_wait3A_269 : memref<1x20x128xf32, #tpu.memory_space<vmem>> -> memref<20x128xf32, #tpu.memory_space<vmem>>
    %dma_wait3A_271 = arith.constant 0 : i32
    %dma_wait3A_272 = tpu.memref_slice %arg5[%dma_wait3A_265, %dma_wait3A_271] : memref<32x20xi32, #tpu.memory_space<vmem>> -> memref<1x20xi32, #tpu.memory_space<vmem>>
    %dma_wait3A_273 = tpu.memref_squeeze %dma_wait3A_272 : memref<1x20xi32, #tpu.memory_space<vmem>> -> memref<20xi32, #tpu.memory_space<vmem>>
    %dma_wait3A_274 = arith.constant 0 : i32
    %dma_wait3A_275 = arith.constant 0 : i32
    %dma_wait3A_276 = tpu.memref_slice %arg2[%dma_wait3A_274, %dma_wait3A_275] : memref<100000x128xf32, #tpu.memory_space<hbm>> -> memref<100000x128xf32, #tpu.memory_space<hbm>>
    tpu.wait_indirect_dma semaphore(%arg8 : memref<!tpu.dma_semaphore, #tpu.memory_space<semaphore_mem>>) src(%dma_wait3A_276 : memref<100000x128xf32, #tpu.memory_space<hbm>>) dst(%dma_wait3A_270 : memref<20x128xf32, #tpu.memory_space<vmem>>)
    %dma_wait3A_277 = arith.constant 7 : i32
    %dma_wait3A_278 = arith.constant 7 : i32
    %dma_wait3A_279 = arith.constant 0 : i32
    %dma_wait3A_280 = arith.constant 0 : i32
    %dma_wait3A_281 = tpu.memref_slice %arg6[%dma_wait3A_278, %dma_wait3A_279, %dma_wait3A_280] : memref<32x20x128xf32, #tpu.memory_space<vmem>> -> memref<1x20x128xf32, #tpu.memory_space<vmem>>
    %dma_wait3A_282 = tpu.memref_squeeze %dma_wait3A_281 : memref<1x20x128xf32, #tpu.memory_space<vmem>> -> memref<20x128xf32, #tpu.memory_space<vmem>>
    %dma_wait3A_283 = arith.constant 0 : i32
    %dma_wait3A_284 = tpu.memref_slice %arg5[%dma_wait3A_277, %dma_wait3A_283] : memref<32x20xi32, #tpu.memory_space<vmem>> -> memref<1x20xi32, #tpu.memory_space<vmem>>
    %dma_wait3A_285 = tpu.memref_squeeze %dma_wait3A_284 : memref<1x20xi32, #tpu.memory_space<vmem>> -> memref<20xi32, #tpu.memory_space<vmem>>
    %dma_wait3A_286 = arith.constant 0 : i32
    %dma_wait3A_287 = arith.constant 0 : i32
    %dma_wait3A_288 = tpu.memref_slice %arg2[%dma_wait3A_286, %dma_wait3A_287] : memref<100000x128xf32, #tpu.memory_space<hbm>> -> memref<100000x128xf32, #tpu.memory_space<hbm>>
    tpu.wait_indirect_dma semaphore(%arg8 : memref<!tpu.dma_semaphore, #tpu.memory_space<semaphore_mem>>) src(%dma_wait3A_288 : memref<100000x128xf32, #tpu.memory_space<hbm>>) dst(%dma_wait3A_282 : memref<20x128xf32, #tpu.memory_space<vmem>>)
    %dma_start3A_289 = arith.constant 16 : i32
    %dma_start3A_290 = arith.constant 16 : i32
    %dma_start3A_291 = arith.constant 0 : i32
    %dma_start3A_292 = arith.constant 0 : i32
    %dma_start3A_293 = tpu.memref_slice %arg6[%dma_start3A_290, %dma_start3A_291, %dma_start3A_292] : memref<32x20x128xf32, #tpu.memory_space<vmem>> -> memref<1x20x128xf32, #tpu.memory_space<vmem>>
    %dma_start3A_294 = tpu.memref_squeeze %dma_start3A_293 : memref<1x20x128xf32, #tpu.memory_space<vmem>> -> memref<20x128xf32, #tpu.memory_space<vmem>>
    %dma_start3A_295 = arith.constant 0 : i32
    %dma_start3A_296 = tpu.memref_slice %arg5[%dma_start3A_289, %dma_start3A_295] : memref<32x20xi32, #tpu.memory_space<vmem>> -> memref<1x20xi32, #tpu.memory_space<vmem>>
    %dma_start3A_297 = tpu.memref_squeeze %dma_start3A_296 : memref<1x20xi32, #tpu.memory_space<vmem>> -> memref<20xi32, #tpu.memory_space<vmem>>
    %dma_start3A_298 = arith.constant 0 : i32
    %dma_start3A_299 = arith.constant 0 : i32
    %dma_start3A_300 = tpu.memref_slice %arg2[%dma_start3A_298, %dma_start3A_299] : memref<100000x128xf32, #tpu.memory_space<hbm>> -> memref<100000x128xf32, #tpu.memory_space<hbm>>
    tpu.enqueue_indirect_dma source(%dma_start3A_300 : memref<100000x128xf32, #tpu.memory_space<hbm>>) target(%dma_start3A_294 : memref<20x128xf32, #tpu.memory_space<vmem>>) offsets(%dma_start3A_297 : memref<20xi32, #tpu.memory_space<vmem>>) semaphore(%arg8 : memref<!tpu.dma_semaphore, #tpu.memory_space<semaphore_mem>>)
    %dma_start3A_301 = arith.constant 17 : i32
    %dma_start3A_302 = arith.constant 17 : i32
    %dma_start3A_303 = arith.constant 0 : i32
    %dma_start3A_304 = arith.constant 0 : i32
    %dma_start3A_305 = tpu.memref_slice %arg6[%dma_start3A_302, %dma_start3A_303, %dma_start3A_304] : memref<32x20x128xf32, #tpu.memory_space<vmem>> -> memref<1x20x128xf32, #tpu.memory_space<vmem>>
    %dma_start3A_306 = tpu.memref_squeeze %dma_start3A_305 : memref<1x20x128xf32, #tpu.memory_space<vmem>> -> memref<20x128xf32, #tpu.memory_space<vmem>>
    %dma_start3A_307 = arith.constant 0 : i32
    %dma_start3A_308 = tpu.memref_slice %arg5[%dma_start3A_301, %dma_start3A_307] : memref<32x20xi32, #tpu.memory_space<vmem>> -> memref<1x20xi32, #tpu.memory_space<vmem>>
    %dma_start3A_309 = tpu.memref_squeeze %dma_start3A_308 : memref<1x20xi32, #tpu.memory_space<vmem>> -> memref<20xi32, #tpu.memory_space<vmem>>
    %dma_start3A_310 = arith.constant 0 : i32
    %dma_start3A_311 = arith.constant 0 : i32
    %dma_start3A_312 = tpu.memref_slice %arg2[%dma_start3A_310, %dma_start3A_311] : memref<100000x128xf32, #tpu.memory_space<hbm>> -> memref<100000x128xf32, #tpu.memory_space<hbm>>
    tpu.enqueue_indirect_dma source(%dma_start3A_312 : memref<100000x128xf32, #tpu.memory_space<hbm>>) target(%dma_start3A_306 : memref<20x128xf32, #tpu.memory_space<vmem>>) offsets(%dma_start3A_309 : memref<20xi32, #tpu.memory_space<vmem>>) semaphore(%arg8 : memref<!tpu.dma_semaphore, #tpu.memory_space<semaphore_mem>>)
    %dma_start3A_313 = arith.constant 18 : i32
    %dma_start3A_314 = arith.constant 18 : i32
    %dma_start3A_315 = arith.constant 0 : i32
    %dma_start3A_316 = arith.constant 0 : i32
    %dma_start3A_317 = tpu.memref_slice %arg6[%dma_start3A_314, %dma_start3A_315, %dma_start3A_316] : memref<32x20x128xf32, #tpu.memory_space<vmem>> -> memref<1x20x128xf32, #tpu.memory_space<vmem>>
    %dma_start3A_318 = tpu.memref_squeeze %dma_start3A_317 : memref<1x20x128xf32, #tpu.memory_space<vmem>> -> memref<20x128xf32, #tpu.memory_space<vmem>>
    %dma_start3A_319 = arith.constant 0 : i32
    %dma_start3A_320 = tpu.memref_slice %arg5[%dma_start3A_313, %dma_start3A_319] : memref<32x20xi32, #tpu.memory_space<vmem>> -> memref<1x20xi32, #tpu.memory_space<vmem>>
    %dma_start3A_321 = tpu.memref_squeeze %dma_start3A_320 : memref<1x20xi32, #tpu.memory_space<vmem>> -> memref<20xi32, #tpu.memory_space<vmem>>
    %dma_start3A_322 = arith.constant 0 : i32
    %dma_start3A_323 = arith.constant 0 : i32
    %dma_start3A_324 = tpu.memref_slice %arg2[%dma_start3A_322, %dma_start3A_323] : memref<100000x128xf32, #tpu.memory_space<hbm>> -> memref<100000x128xf32, #tpu.memory_space<hbm>>
    tpu.enqueue_indirect_dma source(%dma_start3A_324 : memref<100000x128xf32, #tpu.memory_space<hbm>>) target(%dma_start3A_318 : memref<20x128xf32, #tpu.memory_space<vmem>>) offsets(%dma_start3A_321 : memref<20xi32, #tpu.memory_space<vmem>>) semaphore(%arg8 : memref<!tpu.dma_semaphore, #tpu.memory_space<semaphore_mem>>)
    %dma_start3A_325 = arith.constant 19 : i32
    %dma_start3A_326 = arith.constant 19 : i32
    %dma_start3A_327 = arith.constant 0 : i32
    %dma_start3A_328 = arith.constant 0 : i32
    %dma_start3A_329 = tpu.memref_slice %arg6[%dma_start3A_326, %dma_start3A_327, %dma_start3A_328] : memref<32x20x128xf32, #tpu.memory_space<vmem>> -> memref<1x20x128xf32, #tpu.memory_space<vmem>>
    %dma_start3A_330 = tpu.memref_squeeze %dma_start3A_329 : memref<1x20x128xf32, #tpu.memory_space<vmem>> -> memref<20x128xf32, #tpu.memory_space<vmem>>
    %dma_start3A_331 = arith.constant 0 : i32
    %dma_start3A_332 = tpu.memref_slice %arg5[%dma_start3A_325, %dma_start3A_331] : memref<32x20xi32, #tpu.memory_space<vmem>> -> memref<1x20xi32, #tpu.memory_space<vmem>>
    %dma_start3A_333 = tpu.memref_squeeze %dma_start3A_332 : memref<1x20xi32, #tpu.memory_space<vmem>> -> memref<20xi32, #tpu.memory_space<vmem>>
    %dma_start3A_334 = arith.constant 0 : i32
    %dma_start3A_335 = arith.constant 0 : i32
    %dma_start3A_336 = tpu.memref_slice %arg2[%dma_start3A_334, %dma_start3A_335] : memref<100000x128xf32, #tpu.memory_space<hbm>> -> memref<100000x128xf32, #tpu.memory_space<hbm>>
    tpu.enqueue_indirect_dma source(%dma_start3A_336 : memref<100000x128xf32, #tpu.memory_space<hbm>>) target(%dma_start3A_330 : memref<20x128xf32, #tpu.memory_space<vmem>>) offsets(%dma_start3A_333 : memref<20xi32, #tpu.memory_space<vmem>>) semaphore(%arg8 : memref<!tpu.dma_semaphore, #tpu.memory_space<semaphore_mem>>)
    %dma_start3A_337 = arith.constant 20 : i32
    %dma_start3A_338 = arith.constant 20 : i32
    %dma_start3A_339 = arith.constant 0 : i32
    %dma_start3A_340 = arith.constant 0 : i32
    %dma_start3A_341 = tpu.memref_slice %arg6[%dma_start3A_338, %dma_start3A_339, %dma_start3A_340] : memref<32x20x128xf32, #tpu.memory_space<vmem>> -> memref<1x20x128xf32, #tpu.memory_space<vmem>>
    %dma_start3A_342 = tpu.memref_squeeze %dma_start3A_341 : memref<1x20x128xf32, #tpu.memory_space<vmem>> -> memref<20x128xf32, #tpu.memory_space<vmem>>
    %dma_start3A_343 = arith.constant 0 : i32
    %dma_start3A_344 = tpu.memref_slice %arg5[%dma_start3A_337, %dma_start3A_343] : memref<32x20xi32, #tpu.memory_space<vmem>> -> memref<1x20xi32, #tpu.memory_space<vmem>>
    %dma_start3A_345 = tpu.memref_squeeze %dma_start3A_344 : memref<1x20xi32, #tpu.memory_space<vmem>> -> memref<20xi32, #tpu.memory_space<vmem>>
    %dma_start3A_346 = arith.constant 0 : i32
    %dma_start3A_347 = arith.constant 0 : i32
    %dma_start3A_348 = tpu.memref_slice %arg2[%dma_start3A_346, %dma_start3A_347] : memref<100000x128xf32, #tpu.memory_space<hbm>> -> memref<100000x128xf32, #tpu.memory_space<hbm>>
    tpu.enqueue_indirect_dma source(%dma_start3A_348 : memref<100000x128xf32, #tpu.memory_space<hbm>>) target(%dma_start3A_342 : memref<20x128xf32, #tpu.memory_space<vmem>>) offsets(%dma_start3A_345 : memref<20xi32, #tpu.memory_space<vmem>>) semaphore(%arg8 : memref<!tpu.dma_semaphore, #tpu.memory_space<semaphore_mem>>)
    %dma_start3A_349 = arith.constant 21 : i32
    %dma_start3A_350 = arith.constant 21 : i32
    %dma_start3A_351 = arith.constant 0 : i32
    %dma_start3A_352 = arith.constant 0 : i32
    %dma_start3A_353 = tpu.memref_slice %arg6[%dma_start3A_350, %dma_start3A_351, %dma_start3A_352] : memref<32x20x128xf32, #tpu.memory_space<vmem>> -> memref<1x20x128xf32, #tpu.memory_space<vmem>>
    %dma_start3A_354 = tpu.memref_squeeze %dma_start3A_353 : memref<1x20x128xf32, #tpu.memory_space<vmem>> -> memref<20x128xf32, #tpu.memory_space<vmem>>
    %dma_start3A_355 = arith.constant 0 : i32
    %dma_start3A_356 = tpu.memref_slice %arg5[%dma_start3A_349, %dma_start3A_355] : memref<32x20xi32, #tpu.memory_space<vmem>> -> memref<1x20xi32, #tpu.memory_space<vmem>>
    %dma_start3A_357 = tpu.memref_squeeze %dma_start3A_356 : memref<1x20xi32, #tpu.memory_space<vmem>> -> memref<20xi32, #tpu.memory_space<vmem>>
    %dma_start3A_358 = arith.constant 0 : i32
    %dma_start3A_359 = arith.constant 0 : i32
    %dma_start3A_360 = tpu.memref_slice %arg2[%dma_start3A_358, %dma_start3A_359] : memref<100000x128xf32, #tpu.memory_space<hbm>> -> memref<100000x128xf32, #tpu.memory_space<hbm>>
    tpu.enqueue_indirect_dma source(%dma_start3A_360 : memref<100000x128xf32, #tpu.memory_space<hbm>>) target(%dma_start3A_354 : memref<20x128xf32, #tpu.memory_space<vmem>>) offsets(%dma_start3A_357 : memref<20xi32, #tpu.memory_space<vmem>>) semaphore(%arg8 : memref<!tpu.dma_semaphore, #tpu.memory_space<semaphore_mem>>)
    %dma_start3A_361 = arith.constant 22 : i32
    %dma_start3A_362 = arith.constant 22 : i32
    %dma_start3A_363 = arith.constant 0 : i32
    %dma_start3A_364 = arith.constant 0 : i32
    %dma_start3A_365 = tpu.memref_slice %arg6[%dma_start3A_362, %dma_start3A_363, %dma_start3A_364] : memref<32x20x128xf32, #tpu.memory_space<vmem>> -> memref<1x20x128xf32, #tpu.memory_space<vmem>>
    %dma_start3A_366 = tpu.memref_squeeze %dma_start3A_365 : memref<1x20x128xf32, #tpu.memory_space<vmem>> -> memref<20x128xf32, #tpu.memory_space<vmem>>
    %dma_start3A_367 = arith.constant 0 : i32
    %dma_start3A_368 = tpu.memref_slice %arg5[%dma_start3A_361, %dma_start3A_367] : memref<32x20xi32, #tpu.memory_space<vmem>> -> memref<1x20xi32, #tpu.memory_space<vmem>>
    %dma_start3A_369 = tpu.memref_squeeze %dma_start3A_368 : memref<1x20xi32, #tpu.memory_space<vmem>> -> memref<20xi32, #tpu.memory_space<vmem>>
    %dma_start3A_370 = arith.constant 0 : i32
    %dma_start3A_371 = arith.constant 0 : i32
    %dma_start3A_372 = tpu.memref_slice %arg2[%dma_start3A_370, %dma_start3A_371] : memref<100000x128xf32, #tpu.memory_space<hbm>> -> memref<100000x128xf32, #tpu.memory_space<hbm>>
    tpu.enqueue_indirect_dma source(%dma_start3A_372 : memref<100000x128xf32, #tpu.memory_space<hbm>>) target(%dma_start3A_366 : memref<20x128xf32, #tpu.memory_space<vmem>>) offsets(%dma_start3A_369 : memref<20xi32, #tpu.memory_space<vmem>>) semaphore(%arg8 : memref<!tpu.dma_semaphore, #tpu.memory_space<semaphore_mem>>)
    %dma_start3A_373 = arith.constant 23 : i32
    %dma_start3A_374 = arith.constant 23 : i32
    %dma_start3A_375 = arith.constant 0 : i32
    %dma_start3A_376 = arith.constant 0 : i32
    %dma_start3A_377 = tpu.memref_slice %arg6[%dma_start3A_374, %dma_start3A_375, %dma_start3A_376] : memref<32x20x128xf32, #tpu.memory_space<vmem>> -> memref<1x20x128xf32, #tpu.memory_space<vmem>>
    %dma_start3A_378 = tpu.memref_squeeze %dma_start3A_377 : memref<1x20x128xf32, #tpu.memory_space<vmem>> -> memref<20x128xf32, #tpu.memory_space<vmem>>
    %dma_start3A_379 = arith.constant 0 : i32
    %dma_start3A_380 = tpu.memref_slice %arg5[%dma_start3A_373, %dma_start3A_379] : memref<32x20xi32, #tpu.memory_space<vmem>> -> memref<1x20xi32, #tpu.memory_space<vmem>>
    %dma_start3A_381 = tpu.memref_squeeze %dma_start3A_380 : memref<1x20xi32, #tpu.memory_space<vmem>> -> memref<20xi32, #tpu.memory_space<vmem>>
    %dma_start3A_382 = arith.constant 0 : i32
    %dma_start3A_383 = arith.constant 0 : i32
    %dma_start3A_384 = tpu.memref_slice %arg2[%dma_start3A_382, %dma_start3A_383] : memref<100000x128xf32, #tpu.memory_space<hbm>> -> memref<100000x128xf32, #tpu.memory_space<hbm>>
    tpu.enqueue_indirect_dma source(%dma_start3A_384 : memref<100000x128xf32, #tpu.memory_space<hbm>>) target(%dma_start3A_378 : memref<20x128xf32, #tpu.memory_space<vmem>>) offsets(%dma_start3A_381 : memref<20xi32, #tpu.memory_space<vmem>>) semaphore(%arg8 : memref<!tpu.dma_semaphore, #tpu.memory_space<semaphore_mem>>)
    %dma_wait3A_385 = arith.constant 8 : i32
    %dma_wait3A_386 = arith.constant 8 : i32
    %dma_wait3A_387 = arith.constant 0 : i32
    %dma_wait3A_388 = arith.constant 0 : i32
    %dma_wait3A_389 = tpu.memref_slice %arg6[%dma_wait3A_386, %dma_wait3A_387, %dma_wait3A_388] : memref<32x20x128xf32, #tpu.memory_space<vmem>> -> memref<1x20x128xf32, #tpu.memory_space<vmem>>
    %dma_wait3A_390 = tpu.memref_squeeze %dma_wait3A_389 : memref<1x20x128xf32, #tpu.memory_space<vmem>> -> memref<20x128xf32, #tpu.memory_space<vmem>>
    %dma_wait3A_391 = arith.constant 0 : i32
    %dma_wait3A_392 = tpu.memref_slice %arg5[%dma_wait3A_385, %dma_wait3A_391] : memref<32x20xi32, #tpu.memory_space<vmem>> -> memref<1x20xi32, #tpu.memory_space<vmem>>
    %dma_wait3A_393 = tpu.memref_squeeze %dma_wait3A_392 : memref<1x20xi32, #tpu.memory_space<vmem>> -> memref<20xi32, #tpu.memory_space<vmem>>
    %dma_wait3A_394 = arith.constant 0 : i32
    %dma_wait3A_395 = arith.constant 0 : i32
    %dma_wait3A_396 = tpu.memref_slice %arg2[%dma_wait3A_394, %dma_wait3A_395] : memref<100000x128xf32, #tpu.memory_space<hbm>> -> memref<100000x128xf32, #tpu.memory_space<hbm>>
    tpu.wait_indirect_dma semaphore(%arg8 : memref<!tpu.dma_semaphore, #tpu.memory_space<semaphore_mem>>) src(%dma_wait3A_396 : memref<100000x128xf32, #tpu.memory_space<hbm>>) dst(%dma_wait3A_390 : memref<20x128xf32, #tpu.memory_space<vmem>>)
    %dma_wait3A_397 = arith.constant 9 : i32
    %dma_wait3A_398 = arith.constant 9 : i32
    %dma_wait3A_399 = arith.constant 0 : i32
    %dma_wait3A_400 = arith.constant 0 : i32
    %dma_wait3A_401 = tpu.memref_slice %arg6[%dma_wait3A_398, %dma_wait3A_399, %dma_wait3A_400] : memref<32x20x128xf32, #tpu.memory_space<vmem>> -> memref<1x20x128xf32, #tpu.memory_space<vmem>>
    %dma_wait3A_402 = tpu.memref_squeeze %dma_wait3A_401 : memref<1x20x128xf32, #tpu.memory_space<vmem>> -> memref<20x128xf32, #tpu.memory_space<vmem>>
    %dma_wait3A_403 = arith.constant 0 : i32
    %dma_wait3A_404 = tpu.memref_slice %arg5[%dma_wait3A_397, %dma_wait3A_403] : memref<32x20xi32, #tpu.memory_space<vmem>> -> memref<1x20xi32, #tpu.memory_space<vmem>>
    %dma_wait3A_405 = tpu.memref_squeeze %dma_wait3A_404 : memref<1x20xi32, #tpu.memory_space<vmem>> -> memref<20xi32, #tpu.memory_space<vmem>>
    %dma_wait3A_406 = arith.constant 0 : i32
    %dma_wait3A_407 = arith.constant 0 : i32
    %dma_wait3A_408 = tpu.memref_slice %arg2[%dma_wait3A_406, %dma_wait3A_407] : memref<100000x128xf32, #tpu.memory_space<hbm>> -> memref<100000x128xf32, #tpu.memory_space<hbm>>
    tpu.wait_indirect_dma semaphore(%arg8 : memref<!tpu.dma_semaphore, #tpu.memory_space<semaphore_mem>>) src(%dma_wait3A_408 : memref<100000x128xf32, #tpu.memory_space<hbm>>) dst(%dma_wait3A_402 : memref<20x128xf32, #tpu.memory_space<vmem>>)
    %dma_wait3A_409 = arith.constant 10 : i32
    %dma_wait3A_410 = arith.constant 10 : i32
    %dma_wait3A_411 = arith.constant 0 : i32
    %dma_wait3A_412 = arith.constant 0 : i32
    %dma_wait3A_413 = tpu.memref_slice %arg6[%dma_wait3A_410, %dma_wait3A_411, %dma_wait3A_412] : memref<32x20x128xf32, #tpu.memory_space<vmem>> -> memref<1x20x128xf32, #tpu.memory_space<vmem>>
    %dma_wait3A_414 = tpu.memref_squeeze %dma_wait3A_413 : memref<1x20x128xf32, #tpu.memory_space<vmem>> -> memref<20x128xf32, #tpu.memory_space<vmem>>
    %dma_wait3A_415 = arith.constant 0 : i32
    %dma_wait3A_416 = tpu.memref_slice %arg5[%dma_wait3A_409, %dma_wait3A_415] : memref<32x20xi32, #tpu.memory_space<vmem>> -> memref<1x20xi32, #tpu.memory_space<vmem>>
    %dma_wait3A_417 = tpu.memref_squeeze %dma_wait3A_416 : memref<1x20xi32, #tpu.memory_space<vmem>> -> memref<20xi32, #tpu.memory_space<vmem>>
    %dma_wait3A_418 = arith.constant 0 : i32
    %dma_wait3A_419 = arith.constant 0 : i32
    %dma_wait3A_420 = tpu.memref_slice %arg2[%dma_wait3A_418, %dma_wait3A_419] : memref<100000x128xf32, #tpu.memory_space<hbm>> -> memref<100000x128xf32, #tpu.memory_space<hbm>>
    tpu.wait_indirect_dma semaphore(%arg8 : memref<!tpu.dma_semaphore, #tpu.memory_space<semaphore_mem>>) src(%dma_wait3A_420 : memref<100000x128xf32, #tpu.memory_space<hbm>>) dst(%dma_wait3A_414 : memref<20x128xf32, #tpu.memory_space<vmem>>)
    %dma_wait3A_421 = arith.constant 11 : i32
    %dma_wait3A_422 = arith.constant 11 : i32
    %dma_wait3A_423 = arith.constant 0 : i32
    %dma_wait3A_424 = arith.constant 0 : i32
    %dma_wait3A_425 = tpu.memref_slice %arg6[%dma_wait3A_422, %dma_wait3A_423, %dma_wait3A_424] : memref<32x20x128xf32, #tpu.memory_space<vmem>> -> memref<1x20x128xf32, #tpu.memory_space<vmem>>
    %dma_wait3A_426 = tpu.memref_squeeze %dma_wait3A_425 : memref<1x20x128xf32, #tpu.memory_space<vmem>> -> memref<20x128xf32, #tpu.memory_space<vmem>>
    %dma_wait3A_427 = arith.constant 0 : i32
    %dma_wait3A_428 = tpu.memref_slice %arg5[%dma_wait3A_421, %dma_wait3A_427] : memref<32x20xi32, #tpu.memory_space<vmem>> -> memref<1x20xi32, #tpu.memory_space<vmem>>
    %dma_wait3A_429 = tpu.memref_squeeze %dma_wait3A_428 : memref<1x20xi32, #tpu.memory_space<vmem>> -> memref<20xi32, #tpu.memory_space<vmem>>
    %dma_wait3A_430 = arith.constant 0 : i32
    %dma_wait3A_431 = arith.constant 0 : i32
    %dma_wait3A_432 = tpu.memref_slice %arg2[%dma_wait3A_430, %dma_wait3A_431] : memref<100000x128xf32, #tpu.memory_space<hbm>> -> memref<100000x128xf32, #tpu.memory_space<hbm>>
    tpu.wait_indirect_dma semaphore(%arg8 : memref<!tpu.dma_semaphore, #tpu.memory_space<semaphore_mem>>) src(%dma_wait3A_432 : memref<100000x128xf32, #tpu.memory_space<hbm>>) dst(%dma_wait3A_426 : memref<20x128xf32, #tpu.memory_space<vmem>>)
    %dma_wait3A_433 = arith.constant 12 : i32
    %dma_wait3A_434 = arith.constant 12 : i32
    %dma_wait3A_435 = arith.constant 0 : i32
    %dma_wait3A_436 = arith.constant 0 : i32
    %dma_wait3A_437 = tpu.memref_slice %arg6[%dma_wait3A_434, %dma_wait3A_435, %dma_wait3A_436] : memref<32x20x128xf32, #tpu.memory_space<vmem>> -> memref<1x20x128xf32, #tpu.memory_space<vmem>>
    %dma_wait3A_438 = tpu.memref_squeeze %dma_wait3A_437 : memref<1x20x128xf32, #tpu.memory_space<vmem>> -> memref<20x128xf32, #tpu.memory_space<vmem>>
    %dma_wait3A_439 = arith.constant 0 : i32
    %dma_wait3A_440 = tpu.memref_slice %arg5[%dma_wait3A_433, %dma_wait3A_439] : memref<32x20xi32, #tpu.memory_space<vmem>> -> memref<1x20xi32, #tpu.memory_space<vmem>>
    %dma_wait3A_441 = tpu.memref_squeeze %dma_wait3A_440 : memref<1x20xi32, #tpu.memory_space<vmem>> -> memref<20xi32, #tpu.memory_space<vmem>>
    %dma_wait3A_442 = arith.constant 0 : i32
    %dma_wait3A_443 = arith.constant 0 : i32
    %dma_wait3A_444 = tpu.memref_slice %arg2[%dma_wait3A_442, %dma_wait3A_443] : memref<100000x128xf32, #tpu.memory_space<hbm>> -> memref<100000x128xf32, #tpu.memory_space<hbm>>
    tpu.wait_indirect_dma semaphore(%arg8 : memref<!tpu.dma_semaphore, #tpu.memory_space<semaphore_mem>>) src(%dma_wait3A_444 : memref<100000x128xf32, #tpu.memory_space<hbm>>) dst(%dma_wait3A_438 : memref<20x128xf32, #tpu.memory_space<vmem>>)
    %dma_wait3A_445 = arith.constant 13 : i32
    %dma_wait3A_446 = arith.constant 13 : i32
    %dma_wait3A_447 = arith.constant 0 : i32
    %dma_wait3A_448 = arith.constant 0 : i32
    %dma_wait3A_449 = tpu.memref_slice %arg6[%dma_wait3A_446, %dma_wait3A_447, %dma_wait3A_448] : memref<32x20x128xf32, #tpu.memory_space<vmem>> -> memref<1x20x128xf32, #tpu.memory_space<vmem>>
    %dma_wait3A_450 = tpu.memref_squeeze %dma_wait3A_449 : memref<1x20x128xf32, #tpu.memory_space<vmem>> -> memref<20x128xf32, #tpu.memory_space<vmem>>
    %dma_wait3A_451 = arith.constant 0 : i32
    %dma_wait3A_452 = tpu.memref_slice %arg5[%dma_wait3A_445, %dma_wait3A_451] : memref<32x20xi32, #tpu.memory_space<vmem>> -> memref<1x20xi32, #tpu.memory_space<vmem>>
    %dma_wait3A_453 = tpu.memref_squeeze %dma_wait3A_452 : memref<1x20xi32, #tpu.memory_space<vmem>> -> memref<20xi32, #tpu.memory_space<vmem>>
    %dma_wait3A_454 = arith.constant 0 : i32
    %dma_wait3A_455 = arith.constant 0 : i32
    %dma_wait3A_456 = tpu.memref_slice %arg2[%dma_wait3A_454, %dma_wait3A_455] : memref<100000x128xf32, #tpu.memory_space<hbm>> -> memref<100000x128xf32, #tpu.memory_space<hbm>>
    tpu.wait_indirect_dma semaphore(%arg8 : memref<!tpu.dma_semaphore, #tpu.memory_space<semaphore_mem>>) src(%dma_wait3A_456 : memref<100000x128xf32, #tpu.memory_space<hbm>>) dst(%dma_wait3A_450 : memref<20x128xf32, #tpu.memory_space<vmem>>)
    %dma_wait3A_457 = arith.constant 14 : i32
    %dma_wait3A_458 = arith.constant 14 : i32
    %dma_wait3A_459 = arith.constant 0 : i32
    %dma_wait3A_460 = arith.constant 0 : i32
    %dma_wait3A_461 = tpu.memref_slice %arg6[%dma_wait3A_458, %dma_wait3A_459, %dma_wait3A_460] : memref<32x20x128xf32, #tpu.memory_space<vmem>> -> memref<1x20x128xf32, #tpu.memory_space<vmem>>
    %dma_wait3A_462 = tpu.memref_squeeze %dma_wait3A_461 : memref<1x20x128xf32, #tpu.memory_space<vmem>> -> memref<20x128xf32, #tpu.memory_space<vmem>>
    %dma_wait3A_463 = arith.constant 0 : i32
    %dma_wait3A_464 = tpu.memref_slice %arg5[%dma_wait3A_457, %dma_wait3A_463] : memref<32x20xi32, #tpu.memory_space<vmem>> -> memref<1x20xi32, #tpu.memory_space<vmem>>
    %dma_wait3A_465 = tpu.memref_squeeze %dma_wait3A_464 : memref<1x20xi32, #tpu.memory_space<vmem>> -> memref<20xi32, #tpu.memory_space<vmem>>
    %dma_wait3A_466 = arith.constant 0 : i32
    %dma_wait3A_467 = arith.constant 0 : i32
    %dma_wait3A_468 = tpu.memref_slice %arg2[%dma_wait3A_466, %dma_wait3A_467] : memref<100000x128xf32, #tpu.memory_space<hbm>> -> memref<100000x128xf32, #tpu.memory_space<hbm>>
    tpu.wait_indirect_dma semaphore(%arg8 : memref<!tpu.dma_semaphore, #tpu.memory_space<semaphore_mem>>) src(%dma_wait3A_468 : memref<100000x128xf32, #tpu.memory_space<hbm>>) dst(%dma_wait3A_462 : memref<20x128xf32, #tpu.memory_space<vmem>>)
    %dma_wait3A_469 = arith.constant 15 : i32
    %dma_wait3A_470 = arith.constant 15 : i32
    %dma_wait3A_471 = arith.constant 0 : i32
    %dma_wait3A_472 = arith.constant 0 : i32
    %dma_wait3A_473 = tpu.memref_slice %arg6[%dma_wait3A_470, %dma_wait3A_471, %dma_wait3A_472] : memref<32x20x128xf32, #tpu.memory_space<vmem>> -> memref<1x20x128xf32, #tpu.memory_space<vmem>>
    %dma_wait3A_474 = tpu.memref_squeeze %dma_wait3A_473 : memref<1x20x128xf32, #tpu.memory_space<vmem>> -> memref<20x128xf32, #tpu.memory_space<vmem>>
    %dma_wait3A_475 = arith.constant 0 : i32
    %dma_wait3A_476 = tpu.memref_slice %arg5[%dma_wait3A_469, %dma_wait3A_475] : memref<32x20xi32, #tpu.memory_space<vmem>> -> memref<1x20xi32, #tpu.memory_space<vmem>>
    %dma_wait3A_477 = tpu.memref_squeeze %dma_wait3A_476 : memref<1x20xi32, #tpu.memory_space<vmem>> -> memref<20xi32, #tpu.memory_space<vmem>>
    %dma_wait3A_478 = arith.constant 0 : i32
    %dma_wait3A_479 = arith.constant 0 : i32
    %dma_wait3A_480 = tpu.memref_slice %arg2[%dma_wait3A_478, %dma_wait3A_479] : memref<100000x128xf32, #tpu.memory_space<hbm>> -> memref<100000x128xf32, #tpu.memory_space<hbm>>
    tpu.wait_indirect_dma semaphore(%arg8 : memref<!tpu.dma_semaphore, #tpu.memory_space<semaphore_mem>>) src(%dma_wait3A_480 : memref<100000x128xf32, #tpu.memory_space<hbm>>) dst(%dma_wait3A_474 : memref<20x128xf32, #tpu.memory_space<vmem>>)
    %dma_start3A_481 = arith.constant 24 : i32
    %dma_start3A_482 = arith.constant 24 : i32
    %dma_start3A_483 = arith.constant 0 : i32
    %dma_start3A_484 = arith.constant 0 : i32
    %dma_start3A_485 = tpu.memref_slice %arg6[%dma_start3A_482, %dma_start3A_483, %dma_start3A_484] : memref<32x20x128xf32, #tpu.memory_space<vmem>> -> memref<1x20x128xf32, #tpu.memory_space<vmem>>
    %dma_start3A_486 = tpu.memref_squeeze %dma_start3A_485 : memref<1x20x128xf32, #tpu.memory_space<vmem>> -> memref<20x128xf32, #tpu.memory_space<vmem>>
    %dma_start3A_487 = arith.constant 0 : i32
    %dma_start3A_488 = tpu.memref_slice %arg5[%dma_start3A_481, %dma_start3A_487] : memref<32x20xi32, #tpu.memory_space<vmem>> -> memref<1x20xi32, #tpu.memory_space<vmem>>
    %dma_start3A_489 = tpu.memref_squeeze %dma_start3A_488 : memref<1x20xi32, #tpu.memory_space<vmem>> -> memref<20xi32, #tpu.memory_space<vmem>>
    %dma_start3A_490 = arith.constant 0 : i32
    %dma_start3A_491 = arith.constant 0 : i32
    %dma_start3A_492 = tpu.memref_slice %arg2[%dma_start3A_490, %dma_start3A_491] : memref<100000x128xf32, #tpu.memory_space<hbm>> -> memref<100000x128xf32, #tpu.memory_space<hbm>>
    tpu.enqueue_indirect_dma source(%dma_start3A_492 : memref<100000x128xf32, #tpu.memory_space<hbm>>) target(%dma_start3A_486 : memref<20x128xf32, #tpu.memory_space<vmem>>) offsets(%dma_start3A_489 : memref<20xi32, #tpu.memory_space<vmem>>) semaphore(%arg8 : memref<!tpu.dma_semaphore, #tpu.memory_space<semaphore_mem>>)
    %dma_start3A_493 = arith.constant 25 : i32
    %dma_start3A_494 = arith.constant 25 : i32
    %dma_start3A_495 = arith.constant 0 : i32
    %dma_start3A_496 = arith.constant 0 : i32
    %dma_start3A_497 = tpu.memref_slice %arg6[%dma_start3A_494, %dma_start3A_495, %dma_start3A_496] : memref<32x20x128xf32, #tpu.memory_space<vmem>> -> memref<1x20x128xf32, #tpu.memory_space<vmem>>
    %dma_start3A_498 = tpu.memref_squeeze %dma_start3A_497 : memref<1x20x128xf32, #tpu.memory_space<vmem>> -> memref<20x128xf32, #tpu.memory_space<vmem>>
    %dma_start3A_499 = arith.constant 0 : i32
    %dma_start3A_500 = tpu.memref_slice %arg5[%dma_start3A_493, %dma_start3A_499] : memref<32x20xi32, #tpu.memory_space<vmem>> -> memref<1x20xi32, #tpu.memory_space<vmem>>
    %dma_start3A_501 = tpu.memref_squeeze %dma_start3A_500 : memref<1x20xi32, #tpu.memory_space<vmem>> -> memref<20xi32, #tpu.memory_space<vmem>>
    %dma_start3A_502 = arith.constant 0 : i32
    %dma_start3A_503 = arith.constant 0 : i32
    %dma_start3A_504 = tpu.memref_slice %arg2[%dma_start3A_502, %dma_start3A_503] : memref<100000x128xf32, #tpu.memory_space<hbm>> -> memref<100000x128xf32, #tpu.memory_space<hbm>>
    tpu.enqueue_indirect_dma source(%dma_start3A_504 : memref<100000x128xf32, #tpu.memory_space<hbm>>) target(%dma_start3A_498 : memref<20x128xf32, #tpu.memory_space<vmem>>) offsets(%dma_start3A_501 : memref<20xi32, #tpu.memory_space<vmem>>) semaphore(%arg8 : memref<!tpu.dma_semaphore, #tpu.memory_space<semaphore_mem>>)
    %dma_start3A_505 = arith.constant 26 : i32
    %dma_start3A_506 = arith.constant 26 : i32
    %dma_start3A_507 = arith.constant 0 : i32
    %dma_start3A_508 = arith.constant 0 : i32
    %dma_start3A_509 = tpu.memref_slice %arg6[%dma_start3A_506, %dma_start3A_507, %dma_start3A_508] : memref<32x20x128xf32, #tpu.memory_space<vmem>> -> memref<1x20x128xf32, #tpu.memory_space<vmem>>
    %dma_start3A_510 = tpu.memref_squeeze %dma_start3A_509 : memref<1x20x128xf32, #tpu.memory_space<vmem>> -> memref<20x128xf32, #tpu.memory_space<vmem>>
    %dma_start3A_511 = arith.constant 0 : i32
    %dma_start3A_512 = tpu.memref_slice %arg5[%dma_start3A_505, %dma_start3A_511] : memref<32x20xi32, #tpu.memory_space<vmem>> -> memref<1x20xi32, #tpu.memory_space<vmem>>
    %dma_start3A_513 = tpu.memref_squeeze %dma_start3A_512 : memref<1x20xi32, #tpu.memory_space<vmem>> -> memref<20xi32, #tpu.memory_space<vmem>>
    %dma_start3A_514 = arith.constant 0 : i32
    %dma_start3A_515 = arith.constant 0 : i32
    %dma_start3A_516 = tpu.memref_slice %arg2[%dma_start3A_514, %dma_start3A_515] : memref<100000x128xf32, #tpu.memory_space<hbm>> -> memref<100000x128xf32, #tpu.memory_space<hbm>>
    tpu.enqueue_indirect_dma source(%dma_start3A_516 : memref<100000x128xf32, #tpu.memory_space<hbm>>) target(%dma_start3A_510 : memref<20x128xf32, #tpu.memory_space<vmem>>) offsets(%dma_start3A_513 : memref<20xi32, #tpu.memory_space<vmem>>) semaphore(%arg8 : memref<!tpu.dma_semaphore, #tpu.memory_space<semaphore_mem>>)
    %dma_start3A_517 = arith.constant 27 : i32
    %dma_start3A_518 = arith.constant 27 : i32
    %dma_start3A_519 = arith.constant 0 : i32
    %dma_start3A_520 = arith.constant 0 : i32
    %dma_start3A_521 = tpu.memref_slice %arg6[%dma_start3A_518, %dma_start3A_519, %dma_start3A_520] : memref<32x20x128xf32, #tpu.memory_space<vmem>> -> memref<1x20x128xf32, #tpu.memory_space<vmem>>
    %dma_start3A_522 = tpu.memref_squeeze %dma_start3A_521 : memref<1x20x128xf32, #tpu.memory_space<vmem>> -> memref<20x128xf32, #tpu.memory_space<vmem>>
    %dma_start3A_523 = arith.constant 0 : i32
    %dma_start3A_524 = tpu.memref_slice %arg5[%dma_start3A_517, %dma_start3A_523] : memref<32x20xi32, #tpu.memory_space<vmem>> -> memref<1x20xi32, #tpu.memory_space<vmem>>
    %dma_start3A_525 = tpu.memref_squeeze %dma_start3A_524 : memref<1x20xi32, #tpu.memory_space<vmem>> -> memref<20xi32, #tpu.memory_space<vmem>>
    %dma_start3A_526 = arith.constant 0 : i32
    %dma_start3A_527 = arith.constant 0 : i32
    %dma_start3A_528 = tpu.memref_slice %arg2[%dma_start3A_526, %dma_start3A_527] : memref<100000x128xf32, #tpu.memory_space<hbm>> -> memref<100000x128xf32, #tpu.memory_space<hbm>>
    tpu.enqueue_indirect_dma source(%dma_start3A_528 : memref<100000x128xf32, #tpu.memory_space<hbm>>) target(%dma_start3A_522 : memref<20x128xf32, #tpu.memory_space<vmem>>) offsets(%dma_start3A_525 : memref<20xi32, #tpu.memory_space<vmem>>) semaphore(%arg8 : memref<!tpu.dma_semaphore, #tpu.memory_space<semaphore_mem>>)
    %dma_start3A_529 = arith.constant 28 : i32
    %dma_start3A_530 = arith.constant 28 : i32
    %dma_start3A_531 = arith.constant 0 : i32
    %dma_start3A_532 = arith.constant 0 : i32
    %dma_start3A_533 = tpu.memref_slice %arg6[%dma_start3A_530, %dma_start3A_531, %dma_start3A_532] : memref<32x20x128xf32, #tpu.memory_space<vmem>> -> memref<1x20x128xf32, #tpu.memory_space<vmem>>
    %dma_start3A_534 = tpu.memref_squeeze %dma_start3A_533 : memref<1x20x128xf32, #tpu.memory_space<vmem>> -> memref<20x128xf32, #tpu.memory_space<vmem>>
    %dma_start3A_535 = arith.constant 0 : i32
    %dma_start3A_536 = tpu.memref_slice %arg5[%dma_start3A_529, %dma_start3A_535] : memref<32x20xi32, #tpu.memory_space<vmem>> -> memref<1x20xi32, #tpu.memory_space<vmem>>
    %dma_start3A_537 = tpu.memref_squeeze %dma_start3A_536 : memref<1x20xi32, #tpu.memory_space<vmem>> -> memref<20xi32, #tpu.memory_space<vmem>>
    %dma_start3A_538 = arith.constant 0 : i32
    %dma_start3A_539 = arith.constant 0 : i32
    %dma_start3A_540 = tpu.memref_slice %arg2[%dma_start3A_538, %dma_start3A_539] : memref<100000x128xf32, #tpu.memory_space<hbm>> -> memref<100000x128xf32, #tpu.memory_space<hbm>>
    tpu.enqueue_indirect_dma source(%dma_start3A_540 : memref<100000x128xf32, #tpu.memory_space<hbm>>) target(%dma_start3A_534 : memref<20x128xf32, #tpu.memory_space<vmem>>) offsets(%dma_start3A_537 : memref<20xi32, #tpu.memory_space<vmem>>) semaphore(%arg8 : memref<!tpu.dma_semaphore, #tpu.memory_space<semaphore_mem>>)
    %dma_start3A_541 = arith.constant 29 : i32
    %dma_start3A_542 = arith.constant 29 : i32
    %dma_start3A_543 = arith.constant 0 : i32
    %dma_start3A_544 = arith.constant 0 : i32
    %dma_start3A_545 = tpu.memref_slice %arg6[%dma_start3A_542, %dma_start3A_543, %dma_start3A_544] : memref<32x20x128xf32, #tpu.memory_space<vmem>> -> memref<1x20x128xf32, #tpu.memory_space<vmem>>
    %dma_start3A_546 = tpu.memref_squeeze %dma_start3A_545 : memref<1x20x128xf32, #tpu.memory_space<vmem>> -> memref<20x128xf32, #tpu.memory_space<vmem>>
    %dma_start3A_547 = arith.constant 0 : i32
    %dma_start3A_548 = tpu.memref_slice %arg5[%dma_start3A_541, %dma_start3A_547] : memref<32x20xi32, #tpu.memory_space<vmem>> -> memref<1x20xi32, #tpu.memory_space<vmem>>
    %dma_start3A_549 = tpu.memref_squeeze %dma_start3A_548 : memref<1x20xi32, #tpu.memory_space<vmem>> -> memref<20xi32, #tpu.memory_space<vmem>>
    %dma_start3A_550 = arith.constant 0 : i32
    %dma_start3A_551 = arith.constant 0 : i32
    %dma_start3A_552 = tpu.memref_slice %arg2[%dma_start3A_550, %dma_start3A_551] : memref<100000x128xf32, #tpu.memory_space<hbm>> -> memref<100000x128xf32, #tpu.memory_space<hbm>>
    tpu.enqueue_indirect_dma source(%dma_start3A_552 : memref<100000x128xf32, #tpu.memory_space<hbm>>) target(%dma_start3A_546 : memref<20x128xf32, #tpu.memory_space<vmem>>) offsets(%dma_start3A_549 : memref<20xi32, #tpu.memory_space<vmem>>) semaphore(%arg8 : memref<!tpu.dma_semaphore, #tpu.memory_space<semaphore_mem>>)
    %dma_start3A_553 = arith.constant 30 : i32
    %dma_start3A_554 = arith.constant 30 : i32
    %dma_start3A_555 = arith.constant 0 : i32
    %dma_start3A_556 = arith.constant 0 : i32
    %dma_start3A_557 = tpu.memref_slice %arg6[%dma_start3A_554, %dma_start3A_555, %dma_start3A_556] : memref<32x20x128xf32, #tpu.memory_space<vmem>> -> memref<1x20x128xf32, #tpu.memory_space<vmem>>
    %dma_start3A_558 = tpu.memref_squeeze %dma_start3A_557 : memref<1x20x128xf32, #tpu.memory_space<vmem>> -> memref<20x128xf32, #tpu.memory_space<vmem>>
    %dma_start3A_559 = arith.constant 0 : i32
    %dma_start3A_560 = tpu.memref_slice %arg5[%dma_start3A_553, %dma_start3A_559] : memref<32x20xi32, #tpu.memory_space<vmem>> -> memref<1x20xi32, #tpu.memory_space<vmem>>
    %dma_start3A_561 = tpu.memref_squeeze %dma_start3A_560 : memref<1x20xi32, #tpu.memory_space<vmem>> -> memref<20xi32, #tpu.memory_space<vmem>>
    %dma_start3A_562 = arith.constant 0 : i32
    %dma_start3A_563 = arith.constant 0 : i32
    %dma_start3A_564 = tpu.memref_slice %arg2[%dma_start3A_562, %dma_start3A_563] : memref<100000x128xf32, #tpu.memory_space<hbm>> -> memref<100000x128xf32, #tpu.memory_space<hbm>>
    tpu.enqueue_indirect_dma source(%dma_start3A_564 : memref<100000x128xf32, #tpu.memory_space<hbm>>) target(%dma_start3A_558 : memref<20x128xf32, #tpu.memory_space<vmem>>) offsets(%dma_start3A_561 : memref<20xi32, #tpu.memory_space<vmem>>) semaphore(%arg8 : memref<!tpu.dma_semaphore, #tpu.memory_space<semaphore_mem>>)
    %dma_start3A_565 = arith.constant 31 : i32
    %dma_start3A_566 = arith.constant 31 : i32
    %dma_start3A_567 = arith.constant 0 : i32
    %dma_start3A_568 = arith.constant 0 : i32
    %dma_start3A_569 = tpu.memref_slice %arg6[%dma_start3A_566, %dma_start3A_567, %dma_start3A_568] : memref<32x20x128xf32, #tpu.memory_space<vmem>> -> memref<1x20x128xf32, #tpu.memory_space<vmem>>
    %dma_start3A_570 = tpu.memref_squeeze %dma_start3A_569 : memref<1x20x128xf32, #tpu.memory_space<vmem>> -> memref<20x128xf32, #tpu.memory_space<vmem>>
    %dma_start3A_571 = arith.constant 0 : i32
    %dma_start3A_572 = tpu.memref_slice %arg5[%dma_start3A_565, %dma_start3A_571] : memref<32x20xi32, #tpu.memory_space<vmem>> -> memref<1x20xi32, #tpu.memory_space<vmem>>
    %dma_start3A_573 = tpu.memref_squeeze %dma_start3A_572 : memref<1x20xi32, #tpu.memory_space<vmem>> -> memref<20xi32, #tpu.memory_space<vmem>>
    %dma_start3A_574 = arith.constant 0 : i32
    %dma_start3A_575 = arith.constant 0 : i32
    %dma_start3A_576 = tpu.memref_slice %arg2[%dma_start3A_574, %dma_start3A_575] : memref<100000x128xf32, #tpu.memory_space<hbm>> -> memref<100000x128xf32, #tpu.memory_space<hbm>>
    tpu.enqueue_indirect_dma source(%dma_start3A_576 : memref<100000x128xf32, #tpu.memory_space<hbm>>) target(%dma_start3A_570 : memref<20x128xf32, #tpu.memory_space<vmem>>) offsets(%dma_start3A_573 : memref<20xi32, #tpu.memory_space<vmem>>) semaphore(%arg8 : memref<!tpu.dma_semaphore, #tpu.memory_space<semaphore_mem>>)
    %dma_wait3A_577 = arith.constant 16 : i32
    %dma_wait3A_578 = arith.constant 16 : i32
    %dma_wait3A_579 = arith.constant 0 : i32
    %dma_wait3A_580 = arith.constant 0 : i32
    %dma_wait3A_581 = tpu.memref_slice %arg6[%dma_wait3A_578, %dma_wait3A_579, %dma_wait3A_580] : memref<32x20x128xf32, #tpu.memory_space<vmem>> -> memref<1x20x128xf32, #tpu.memory_space<vmem>>
    %dma_wait3A_582 = tpu.memref_squeeze %dma_wait3A_581 : memref<1x20x128xf32, #tpu.memory_space<vmem>> -> memref<20x128xf32, #tpu.memory_space<vmem>>
    %dma_wait3A_583 = arith.constant 0 : i32
    %dma_wait3A_584 = tpu.memref_slice %arg5[%dma_wait3A_577, %dma_wait3A_583] : memref<32x20xi32, #tpu.memory_space<vmem>> -> memref<1x20xi32, #tpu.memory_space<vmem>>
    %dma_wait3A_585 = tpu.memref_squeeze %dma_wait3A_584 : memref<1x20xi32, #tpu.memory_space<vmem>> -> memref<20xi32, #tpu.memory_space<vmem>>
    %dma_wait3A_586 = arith.constant 0 : i32
    %dma_wait3A_587 = arith.constant 0 : i32
    %dma_wait3A_588 = tpu.memref_slice %arg2[%dma_wait3A_586, %dma_wait3A_587] : memref<100000x128xf32, #tpu.memory_space<hbm>> -> memref<100000x128xf32, #tpu.memory_space<hbm>>
    tpu.wait_indirect_dma semaphore(%arg8 : memref<!tpu.dma_semaphore, #tpu.memory_space<semaphore_mem>>) src(%dma_wait3A_588 : memref<100000x128xf32, #tpu.memory_space<hbm>>) dst(%dma_wait3A_582 : memref<20x128xf32, #tpu.memory_space<vmem>>)
    %dma_wait3A_589 = arith.constant 17 : i32
    %dma_wait3A_590 = arith.constant 17 : i32
    %dma_wait3A_591 = arith.constant 0 : i32
    %dma_wait3A_592 = arith.constant 0 : i32
    %dma_wait3A_593 = tpu.memref_slice %arg6[%dma_wait3A_590, %dma_wait3A_591, %dma_wait3A_592] : memref<32x20x128xf32, #tpu.memory_space<vmem>> -> memref<1x20x128xf32, #tpu.memory_space<vmem>>
    %dma_wait3A_594 = tpu.memref_squeeze %dma_wait3A_593 : memref<1x20x128xf32, #tpu.memory_space<vmem>> -> memref<20x128xf32, #tpu.memory_space<vmem>>
    %dma_wait3A_595 = arith.constant 0 : i32
    %dma_wait3A_596 = tpu.memref_slice %arg5[%dma_wait3A_589, %dma_wait3A_595] : memref<32x20xi32, #tpu.memory_space<vmem>> -> memref<1x20xi32, #tpu.memory_space<vmem>>
    %dma_wait3A_597 = tpu.memref_squeeze %dma_wait3A_596 : memref<1x20xi32, #tpu.memory_space<vmem>> -> memref<20xi32, #tpu.memory_space<vmem>>
    %dma_wait3A_598 = arith.constant 0 : i32
    %dma_wait3A_599 = arith.constant 0 : i32
    %dma_wait3A_600 = tpu.memref_slice %arg2[%dma_wait3A_598, %dma_wait3A_599] : memref<100000x128xf32, #tpu.memory_space<hbm>> -> memref<100000x128xf32, #tpu.memory_space<hbm>>
    tpu.wait_indirect_dma semaphore(%arg8 : memref<!tpu.dma_semaphore, #tpu.memory_space<semaphore_mem>>) src(%dma_wait3A_600 : memref<100000x128xf32, #tpu.memory_space<hbm>>) dst(%dma_wait3A_594 : memref<20x128xf32, #tpu.memory_space<vmem>>)
    %dma_wait3A_601 = arith.constant 18 : i32
    %dma_wait3A_602 = arith.constant 18 : i32
    %dma_wait3A_603 = arith.constant 0 : i32
    %dma_wait3A_604 = arith.constant 0 : i32
    %dma_wait3A_605 = tpu.memref_slice %arg6[%dma_wait3A_602, %dma_wait3A_603, %dma_wait3A_604] : memref<32x20x128xf32, #tpu.memory_space<vmem>> -> memref<1x20x128xf32, #tpu.memory_space<vmem>>
    %dma_wait3A_606 = tpu.memref_squeeze %dma_wait3A_605 : memref<1x20x128xf32, #tpu.memory_space<vmem>> -> memref<20x128xf32, #tpu.memory_space<vmem>>
    %dma_wait3A_607 = arith.constant 0 : i32
    %dma_wait3A_608 = tpu.memref_slice %arg5[%dma_wait3A_601, %dma_wait3A_607] : memref<32x20xi32, #tpu.memory_space<vmem>> -> memref<1x20xi32, #tpu.memory_space<vmem>>
    %dma_wait3A_609 = tpu.memref_squeeze %dma_wait3A_608 : memref<1x20xi32, #tpu.memory_space<vmem>> -> memref<20xi32, #tpu.memory_space<vmem>>
    %dma_wait3A_610 = arith.constant 0 : i32
    %dma_wait3A_611 = arith.constant 0 : i32
    %dma_wait3A_612 = tpu.memref_slice %arg2[%dma_wait3A_610, %dma_wait3A_611] : memref<100000x128xf32, #tpu.memory_space<hbm>> -> memref<100000x128xf32, #tpu.memory_space<hbm>>
    tpu.wait_indirect_dma semaphore(%arg8 : memref<!tpu.dma_semaphore, #tpu.memory_space<semaphore_mem>>) src(%dma_wait3A_612 : memref<100000x128xf32, #tpu.memory_space<hbm>>) dst(%dma_wait3A_606 : memref<20x128xf32, #tpu.memory_space<vmem>>)
    %dma_wait3A_613 = arith.constant 19 : i32
    %dma_wait3A_614 = arith.constant 19 : i32
    %dma_wait3A_615 = arith.constant 0 : i32
    %dma_wait3A_616 = arith.constant 0 : i32
    %dma_wait3A_617 = tpu.memref_slice %arg6[%dma_wait3A_614, %dma_wait3A_615, %dma_wait3A_616] : memref<32x20x128xf32, #tpu.memory_space<vmem>> -> memref<1x20x128xf32, #tpu.memory_space<vmem>>
    %dma_wait3A_618 = tpu.memref_squeeze %dma_wait3A_617 : memref<1x20x128xf32, #tpu.memory_space<vmem>> -> memref<20x128xf32, #tpu.memory_space<vmem>>
    %dma_wait3A_619 = arith.constant 0 : i32
    %dma_wait3A_620 = tpu.memref_slice %arg5[%dma_wait3A_613, %dma_wait3A_619] : memref<32x20xi32, #tpu.memory_space<vmem>> -> memref<1x20xi32, #tpu.memory_space<vmem>>
    %dma_wait3A_621 = tpu.memref_squeeze %dma_wait3A_620 : memref<1x20xi32, #tpu.memory_space<vmem>> -> memref<20xi32, #tpu.memory_space<vmem>>
    %dma_wait3A_622 = arith.constant 0 : i32
    %dma_wait3A_623 = arith.constant 0 : i32
    %dma_wait3A_624 = tpu.memref_slice %arg2[%dma_wait3A_622, %dma_wait3A_623] : memref<100000x128xf32, #tpu.memory_space<hbm>> -> memref<100000x128xf32, #tpu.memory_space<hbm>>
    tpu.wait_indirect_dma semaphore(%arg8 : memref<!tpu.dma_semaphore, #tpu.memory_space<semaphore_mem>>) src(%dma_wait3A_624 : memref<100000x128xf32, #tpu.memory_space<hbm>>) dst(%dma_wait3A_618 : memref<20x128xf32, #tpu.memory_space<vmem>>)
    %dma_wait3A_625 = arith.constant 20 : i32
    %dma_wait3A_626 = arith.constant 20 : i32
    %dma_wait3A_627 = arith.constant 0 : i32
    %dma_wait3A_628 = arith.constant 0 : i32
    %dma_wait3A_629 = tpu.memref_slice %arg6[%dma_wait3A_626, %dma_wait3A_627, %dma_wait3A_628] : memref<32x20x128xf32, #tpu.memory_space<vmem>> -> memref<1x20x128xf32, #tpu.memory_space<vmem>>
    %dma_wait3A_630 = tpu.memref_squeeze %dma_wait3A_629 : memref<1x20x128xf32, #tpu.memory_space<vmem>> -> memref<20x128xf32, #tpu.memory_space<vmem>>
    %dma_wait3A_631 = arith.constant 0 : i32
    %dma_wait3A_632 = tpu.memref_slice %arg5[%dma_wait3A_625, %dma_wait3A_631] : memref<32x20xi32, #tpu.memory_space<vmem>> -> memref<1x20xi32, #tpu.memory_space<vmem>>
    %dma_wait3A_633 = tpu.memref_squeeze %dma_wait3A_632 : memref<1x20xi32, #tpu.memory_space<vmem>> -> memref<20xi32, #tpu.memory_space<vmem>>
    %dma_wait3A_634 = arith.constant 0 : i32
    %dma_wait3A_635 = arith.constant 0 : i32
    %dma_wait3A_636 = tpu.memref_slice %arg2[%dma_wait3A_634, %dma_wait3A_635] : memref<100000x128xf32, #tpu.memory_space<hbm>> -> memref<100000x128xf32, #tpu.memory_space<hbm>>
    tpu.wait_indirect_dma semaphore(%arg8 : memref<!tpu.dma_semaphore, #tpu.memory_space<semaphore_mem>>) src(%dma_wait3A_636 : memref<100000x128xf32, #tpu.memory_space<hbm>>) dst(%dma_wait3A_630 : memref<20x128xf32, #tpu.memory_space<vmem>>)
    %dma_wait3A_637 = arith.constant 21 : i32
    %dma_wait3A_638 = arith.constant 21 : i32
    %dma_wait3A_639 = arith.constant 0 : i32
    %dma_wait3A_640 = arith.constant 0 : i32
    %dma_wait3A_641 = tpu.memref_slice %arg6[%dma_wait3A_638, %dma_wait3A_639, %dma_wait3A_640] : memref<32x20x128xf32, #tpu.memory_space<vmem>> -> memref<1x20x128xf32, #tpu.memory_space<vmem>>
    %dma_wait3A_642 = tpu.memref_squeeze %dma_wait3A_641 : memref<1x20x128xf32, #tpu.memory_space<vmem>> -> memref<20x128xf32, #tpu.memory_space<vmem>>
    %dma_wait3A_643 = arith.constant 0 : i32
    %dma_wait3A_644 = tpu.memref_slice %arg5[%dma_wait3A_637, %dma_wait3A_643] : memref<32x20xi32, #tpu.memory_space<vmem>> -> memref<1x20xi32, #tpu.memory_space<vmem>>
    %dma_wait3A_645 = tpu.memref_squeeze %dma_wait3A_644 : memref<1x20xi32, #tpu.memory_space<vmem>> -> memref<20xi32, #tpu.memory_space<vmem>>
    %dma_wait3A_646 = arith.constant 0 : i32
    %dma_wait3A_647 = arith.constant 0 : i32
    %dma_wait3A_648 = tpu.memref_slice %arg2[%dma_wait3A_646, %dma_wait3A_647] : memref<100000x128xf32, #tpu.memory_space<hbm>> -> memref<100000x128xf32, #tpu.memory_space<hbm>>
    tpu.wait_indirect_dma semaphore(%arg8 : memref<!tpu.dma_semaphore, #tpu.memory_space<semaphore_mem>>) src(%dma_wait3A_648 : memref<100000x128xf32, #tpu.memory_space<hbm>>) dst(%dma_wait3A_642 : memref<20x128xf32, #tpu.memory_space<vmem>>)
    %dma_wait3A_649 = arith.constant 22 : i32
    %dma_wait3A_650 = arith.constant 22 : i32
    %dma_wait3A_651 = arith.constant 0 : i32
    %dma_wait3A_652 = arith.constant 0 : i32
    %dma_wait3A_653 = tpu.memref_slice %arg6[%dma_wait3A_650, %dma_wait3A_651, %dma_wait3A_652] : memref<32x20x128xf32, #tpu.memory_space<vmem>> -> memref<1x20x128xf32, #tpu.memory_space<vmem>>
    %dma_wait3A_654 = tpu.memref_squeeze %dma_wait3A_653 : memref<1x20x128xf32, #tpu.memory_space<vmem>> -> memref<20x128xf32, #tpu.memory_space<vmem>>
    %dma_wait3A_655 = arith.constant 0 : i32
    %dma_wait3A_656 = tpu.memref_slice %arg5[%dma_wait3A_649, %dma_wait3A_655] : memref<32x20xi32, #tpu.memory_space<vmem>> -> memref<1x20xi32, #tpu.memory_space<vmem>>
    %dma_wait3A_657 = tpu.memref_squeeze %dma_wait3A_656 : memref<1x20xi32, #tpu.memory_space<vmem>> -> memref<20xi32, #tpu.memory_space<vmem>>
    %dma_wait3A_658 = arith.constant 0 : i32
    %dma_wait3A_659 = arith.constant 0 : i32
    %dma_wait3A_660 = tpu.memref_slice %arg2[%dma_wait3A_658, %dma_wait3A_659] : memref<100000x128xf32, #tpu.memory_space<hbm>> -> memref<100000x128xf32, #tpu.memory_space<hbm>>
    tpu.wait_indirect_dma semaphore(%arg8 : memref<!tpu.dma_semaphore, #tpu.memory_space<semaphore_mem>>) src(%dma_wait3A_660 : memref<100000x128xf32, #tpu.memory_space<hbm>>) dst(%dma_wait3A_654 : memref<20x128xf32, #tpu.memory_space<vmem>>)
    %dma_wait3A_661 = arith.constant 23 : i32
    %dma_wait3A_662 = arith.constant 23 : i32
    %dma_wait3A_663 = arith.constant 0 : i32
    %dma_wait3A_664 = arith.constant 0 : i32
    %dma_wait3A_665 = tpu.memref_slice %arg6[%dma_wait3A_662, %dma_wait3A_663, %dma_wait3A_664] : memref<32x20x128xf32, #tpu.memory_space<vmem>> -> memref<1x20x128xf32, #tpu.memory_space<vmem>>
    %dma_wait3A_666 = tpu.memref_squeeze %dma_wait3A_665 : memref<1x20x128xf32, #tpu.memory_space<vmem>> -> memref<20x128xf32, #tpu.memory_space<vmem>>
    %dma_wait3A_667 = arith.constant 0 : i32
    %dma_wait3A_668 = tpu.memref_slice %arg5[%dma_wait3A_661, %dma_wait3A_667] : memref<32x20xi32, #tpu.memory_space<vmem>> -> memref<1x20xi32, #tpu.memory_space<vmem>>
    %dma_wait3A_669 = tpu.memref_squeeze %dma_wait3A_668 : memref<1x20xi32, #tpu.memory_space<vmem>> -> memref<20xi32, #tpu.memory_space<vmem>>
    %dma_wait3A_670 = arith.constant 0 : i32
    %dma_wait3A_671 = arith.constant 0 : i32
    %dma_wait3A_672 = tpu.memref_slice %arg2[%dma_wait3A_670, %dma_wait3A_671] : memref<100000x128xf32, #tpu.memory_space<hbm>> -> memref<100000x128xf32, #tpu.memory_space<hbm>>
    tpu.wait_indirect_dma semaphore(%arg8 : memref<!tpu.dma_semaphore, #tpu.memory_space<semaphore_mem>>) src(%dma_wait3A_672 : memref<100000x128xf32, #tpu.memory_space<hbm>>) dst(%dma_wait3A_666 : memref<20x128xf32, #tpu.memory_space<vmem>>)
    %dma_wait3A_673 = arith.constant 24 : i32
    %dma_wait3A_674 = arith.constant 24 : i32
    %dma_wait3A_675 = arith.constant 0 : i32
    %dma_wait3A_676 = arith.constant 0 : i32
    %dma_wait3A_677 = tpu.memref_slice %arg6[%dma_wait3A_674, %dma_wait3A_675, %dma_wait3A_676] : memref<32x20x128xf32, #tpu.memory_space<vmem>> -> memref<1x20x128xf32, #tpu.memory_space<vmem>>
    %dma_wait3A_678 = tpu.memref_squeeze %dma_wait3A_677 : memref<1x20x128xf32, #tpu.memory_space<vmem>> -> memref<20x128xf32, #tpu.memory_space<vmem>>
    %dma_wait3A_679 = arith.constant 0 : i32
    %dma_wait3A_680 = tpu.memref_slice %arg5[%dma_wait3A_673, %dma_wait3A_679] : memref<32x20xi32, #tpu.memory_space<vmem>> -> memref<1x20xi32, #tpu.memory_space<vmem>>
    %dma_wait3A_681 = tpu.memref_squeeze %dma_wait3A_680 : memref<1x20xi32, #tpu.memory_space<vmem>> -> memref<20xi32, #tpu.memory_space<vmem>>
    %dma_wait3A_682 = arith.constant 0 : i32
    %dma_wait3A_683 = arith.constant 0 : i32
    %dma_wait3A_684 = tpu.memref_slice %arg2[%dma_wait3A_682, %dma_wait3A_683] : memref<100000x128xf32, #tpu.memory_space<hbm>> -> memref<100000x128xf32, #tpu.memory_space<hbm>>
    tpu.wait_indirect_dma semaphore(%arg8 : memref<!tpu.dma_semaphore, #tpu.memory_space<semaphore_mem>>) src(%dma_wait3A_684 : memref<100000x128xf32, #tpu.memory_space<hbm>>) dst(%dma_wait3A_678 : memref<20x128xf32, #tpu.memory_space<vmem>>)
    %dma_wait3A_685 = arith.constant 25 : i32
    %dma_wait3A_686 = arith.constant 25 : i32
    %dma_wait3A_687 = arith.constant 0 : i32
    %dma_wait3A_688 = arith.constant 0 : i32
    %dma_wait3A_689 = tpu.memref_slice %arg6[%dma_wait3A_686, %dma_wait3A_687, %dma_wait3A_688] : memref<32x20x128xf32, #tpu.memory_space<vmem>> -> memref<1x20x128xf32, #tpu.memory_space<vmem>>
    %dma_wait3A_690 = tpu.memref_squeeze %dma_wait3A_689 : memref<1x20x128xf32, #tpu.memory_space<vmem>> -> memref<20x128xf32, #tpu.memory_space<vmem>>
    %dma_wait3A_691 = arith.constant 0 : i32
    %dma_wait3A_692 = tpu.memref_slice %arg5[%dma_wait3A_685, %dma_wait3A_691] : memref<32x20xi32, #tpu.memory_space<vmem>> -> memref<1x20xi32, #tpu.memory_space<vmem>>
    %dma_wait3A_693 = tpu.memref_squeeze %dma_wait3A_692 : memref<1x20xi32, #tpu.memory_space<vmem>> -> memref<20xi32, #tpu.memory_space<vmem>>
    %dma_wait3A_694 = arith.constant 0 : i32
    %dma_wait3A_695 = arith.constant 0 : i32
    %dma_wait3A_696 = tpu.memref_slice %arg2[%dma_wait3A_694, %dma_wait3A_695] : memref<100000x128xf32, #tpu.memory_space<hbm>> -> memref<100000x128xf32, #tpu.memory_space<hbm>>
    tpu.wait_indirect_dma semaphore(%arg8 : memref<!tpu.dma_semaphore, #tpu.memory_space<semaphore_mem>>) src(%dma_wait3A_696 : memref<100000x128xf32, #tpu.memory_space<hbm>>) dst(%dma_wait3A_690 : memref<20x128xf32, #tpu.memory_space<vmem>>)
    %dma_wait3A_697 = arith.constant 26 : i32
    %dma_wait3A_698 = arith.constant 26 : i32
    %dma_wait3A_699 = arith.constant 0 : i32
    %dma_wait3A_700 = arith.constant 0 : i32
    %dma_wait3A_701 = tpu.memref_slice %arg6[%dma_wait3A_698, %dma_wait3A_699, %dma_wait3A_700] : memref<32x20x128xf32, #tpu.memory_space<vmem>> -> memref<1x20x128xf32, #tpu.memory_space<vmem>>
    %dma_wait3A_702 = tpu.memref_squeeze %dma_wait3A_701 : memref<1x20x128xf32, #tpu.memory_space<vmem>> -> memref<20x128xf32, #tpu.memory_space<vmem>>
    %dma_wait3A_703 = arith.constant 0 : i32
    %dma_wait3A_704 = tpu.memref_slice %arg5[%dma_wait3A_697, %dma_wait3A_703] : memref<32x20xi32, #tpu.memory_space<vmem>> -> memref<1x20xi32, #tpu.memory_space<vmem>>
    %dma_wait3A_705 = tpu.memref_squeeze %dma_wait3A_704 : memref<1x20xi32, #tpu.memory_space<vmem>> -> memref<20xi32, #tpu.memory_space<vmem>>
    %dma_wait3A_706 = arith.constant 0 : i32
    %dma_wait3A_707 = arith.constant 0 : i32
    %dma_wait3A_708 = tpu.memref_slice %arg2[%dma_wait3A_706, %dma_wait3A_707] : memref<100000x128xf32, #tpu.memory_space<hbm>> -> memref<100000x128xf32, #tpu.memory_space<hbm>>
    tpu.wait_indirect_dma semaphore(%arg8 : memref<!tpu.dma_semaphore, #tpu.memory_space<semaphore_mem>>) src(%dma_wait3A_708 : memref<100000x128xf32, #tpu.memory_space<hbm>>) dst(%dma_wait3A_702 : memref<20x128xf32, #tpu.memory_space<vmem>>)
    %dma_wait3A_709 = arith.constant 27 : i32
    %dma_wait3A_710 = arith.constant 27 : i32
    %dma_wait3A_711 = arith.constant 0 : i32
    %dma_wait3A_712 = arith.constant 0 : i32
    %dma_wait3A_713 = tpu.memref_slice %arg6[%dma_wait3A_710, %dma_wait3A_711, %dma_wait3A_712] : memref<32x20x128xf32, #tpu.memory_space<vmem>> -> memref<1x20x128xf32, #tpu.memory_space<vmem>>
    %dma_wait3A_714 = tpu.memref_squeeze %dma_wait3A_713 : memref<1x20x128xf32, #tpu.memory_space<vmem>> -> memref<20x128xf32, #tpu.memory_space<vmem>>
    %dma_wait3A_715 = arith.constant 0 : i32
    %dma_wait3A_716 = tpu.memref_slice %arg5[%dma_wait3A_709, %dma_wait3A_715] : memref<32x20xi32, #tpu.memory_space<vmem>> -> memref<1x20xi32, #tpu.memory_space<vmem>>
    %dma_wait3A_717 = tpu.memref_squeeze %dma_wait3A_716 : memref<1x20xi32, #tpu.memory_space<vmem>> -> memref<20xi32, #tpu.memory_space<vmem>>
    %dma_wait3A_718 = arith.constant 0 : i32
    %dma_wait3A_719 = arith.constant 0 : i32
    %dma_wait3A_720 = tpu.memref_slice %arg2[%dma_wait3A_718, %dma_wait3A_719] : memref<100000x128xf32, #tpu.memory_space<hbm>> -> memref<100000x128xf32, #tpu.memory_space<hbm>>
    tpu.wait_indirect_dma semaphore(%arg8 : memref<!tpu.dma_semaphore, #tpu.memory_space<semaphore_mem>>) src(%dma_wait3A_720 : memref<100000x128xf32, #tpu.memory_space<hbm>>) dst(%dma_wait3A_714 : memref<20x128xf32, #tpu.memory_space<vmem>>)
    %dma_wait3A_721 = arith.constant 28 : i32
    %dma_wait3A_722 = arith.constant 28 : i32
    %dma_wait3A_723 = arith.constant 0 : i32
    %dma_wait3A_724 = arith.constant 0 : i32
    %dma_wait3A_725 = tpu.memref_slice %arg6[%dma_wait3A_722, %dma_wait3A_723, %dma_wait3A_724] : memref<32x20x128xf32, #tpu.memory_space<vmem>> -> memref<1x20x128xf32, #tpu.memory_space<vmem>>
    %dma_wait3A_726 = tpu.memref_squeeze %dma_wait3A_725 : memref<1x20x128xf32, #tpu.memory_space<vmem>> -> memref<20x128xf32, #tpu.memory_space<vmem>>
    %dma_wait3A_727 = arith.constant 0 : i32
    %dma_wait3A_728 = tpu.memref_slice %arg5[%dma_wait3A_721, %dma_wait3A_727] : memref<32x20xi32, #tpu.memory_space<vmem>> -> memref<1x20xi32, #tpu.memory_space<vmem>>
    %dma_wait3A_729 = tpu.memref_squeeze %dma_wait3A_728 : memref<1x20xi32, #tpu.memory_space<vmem>> -> memref<20xi32, #tpu.memory_space<vmem>>
    %dma_wait3A_730 = arith.constant 0 : i32
    %dma_wait3A_731 = arith.constant 0 : i32
    %dma_wait3A_732 = tpu.memref_slice %arg2[%dma_wait3A_730, %dma_wait3A_731] : memref<100000x128xf32, #tpu.memory_space<hbm>> -> memref<100000x128xf32, #tpu.memory_space<hbm>>
    tpu.wait_indirect_dma semaphore(%arg8 : memref<!tpu.dma_semaphore, #tpu.memory_space<semaphore_mem>>) src(%dma_wait3A_732 : memref<100000x128xf32, #tpu.memory_space<hbm>>) dst(%dma_wait3A_726 : memref<20x128xf32, #tpu.memory_space<vmem>>)
    %dma_wait3A_733 = arith.constant 29 : i32
    %dma_wait3A_734 = arith.constant 29 : i32
    %dma_wait3A_735 = arith.constant 0 : i32
    %dma_wait3A_736 = arith.constant 0 : i32
    %dma_wait3A_737 = tpu.memref_slice %arg6[%dma_wait3A_734, %dma_wait3A_735, %dma_wait3A_736] : memref<32x20x128xf32, #tpu.memory_space<vmem>> -> memref<1x20x128xf32, #tpu.memory_space<vmem>>
    %dma_wait3A_738 = tpu.memref_squeeze %dma_wait3A_737 : memref<1x20x128xf32, #tpu.memory_space<vmem>> -> memref<20x128xf32, #tpu.memory_space<vmem>>
    %dma_wait3A_739 = arith.constant 0 : i32
    %dma_wait3A_740 = tpu.memref_slice %arg5[%dma_wait3A_733, %dma_wait3A_739] : memref<32x20xi32, #tpu.memory_space<vmem>> -> memref<1x20xi32, #tpu.memory_space<vmem>>
    %dma_wait3A_741 = tpu.memref_squeeze %dma_wait3A_740 : memref<1x20xi32, #tpu.memory_space<vmem>> -> memref<20xi32, #tpu.memory_space<vmem>>
    %dma_wait3A_742 = arith.constant 0 : i32
    %dma_wait3A_743 = arith.constant 0 : i32
    %dma_wait3A_744 = tpu.memref_slice %arg2[%dma_wait3A_742, %dma_wait3A_743] : memref<100000x128xf32, #tpu.memory_space<hbm>> -> memref<100000x128xf32, #tpu.memory_space<hbm>>
    tpu.wait_indirect_dma semaphore(%arg8 : memref<!tpu.dma_semaphore, #tpu.memory_space<semaphore_mem>>) src(%dma_wait3A_744 : memref<100000x128xf32, #tpu.memory_space<hbm>>) dst(%dma_wait3A_738 : memref<20x128xf32, #tpu.memory_space<vmem>>)
    %dma_wait3A_745 = arith.constant 30 : i32
    %dma_wait3A_746 = arith.constant 30 : i32
    %dma_wait3A_747 = arith.constant 0 : i32
    %dma_wait3A_748 = arith.constant 0 : i32
    %dma_wait3A_749 = tpu.memref_slice %arg6[%dma_wait3A_746, %dma_wait3A_747, %dma_wait3A_748] : memref<32x20x128xf32, #tpu.memory_space<vmem>> -> memref<1x20x128xf32, #tpu.memory_space<vmem>>
    %dma_wait3A_750 = tpu.memref_squeeze %dma_wait3A_749 : memref<1x20x128xf32, #tpu.memory_space<vmem>> -> memref<20x128xf32, #tpu.memory_space<vmem>>
    %dma_wait3A_751 = arith.constant 0 : i32
    %dma_wait3A_752 = tpu.memref_slice %arg5[%dma_wait3A_745, %dma_wait3A_751] : memref<32x20xi32, #tpu.memory_space<vmem>> -> memref<1x20xi32, #tpu.memory_space<vmem>>
    %dma_wait3A_753 = tpu.memref_squeeze %dma_wait3A_752 : memref<1x20xi32, #tpu.memory_space<vmem>> -> memref<20xi32, #tpu.memory_space<vmem>>
    %dma_wait3A_754 = arith.constant 0 : i32
    %dma_wait3A_755 = arith.constant 0 : i32
    %dma_wait3A_756 = tpu.memref_slice %arg2[%dma_wait3A_754, %dma_wait3A_755] : memref<100000x128xf32, #tpu.memory_space<hbm>> -> memref<100000x128xf32, #tpu.memory_space<hbm>>
    tpu.wait_indirect_dma semaphore(%arg8 : memref<!tpu.dma_semaphore, #tpu.memory_space<semaphore_mem>>) src(%dma_wait3A_756 : memref<100000x128xf32, #tpu.memory_space<hbm>>) dst(%dma_wait3A_750 : memref<20x128xf32, #tpu.memory_space<vmem>>)
    %dma_wait3A_757 = arith.constant 31 : i32
    %dma_wait3A_758 = arith.constant 31 : i32
    %dma_wait3A_759 = arith.constant 0 : i32
    %dma_wait3A_760 = arith.constant 0 : i32
    %dma_wait3A_761 = tpu.memref_slice %arg6[%dma_wait3A_758, %dma_wait3A_759, %dma_wait3A_760] : memref<32x20x128xf32, #tpu.memory_space<vmem>> -> memref<1x20x128xf32, #tpu.memory_space<vmem>>
    %dma_wait3A_762 = tpu.memref_squeeze %dma_wait3A_761 : memref<1x20x128xf32, #tpu.memory_space<vmem>> -> memref<20x128xf32, #tpu.memory_space<vmem>>
    %dma_wait3A_763 = arith.constant 0 : i32
    %dma_wait3A_764 = tpu.memref_slice %arg5[%dma_wait3A_757, %dma_wait3A_763] : memref<32x20xi32, #tpu.memory_space<vmem>> -> memref<1x20xi32, #tpu.memory_space<vmem>>
    %dma_wait3A_765 = tpu.memref_squeeze %dma_wait3A_764 : memref<1x20xi32, #tpu.memory_space<vmem>> -> memref<20xi32, #tpu.memory_space<vmem>>
    %dma_wait3A_766 = arith.constant 0 : i32
    %dma_wait3A_767 = arith.constant 0 : i32
    %dma_wait3A_768 = tpu.memref_slice %arg2[%dma_wait3A_766, %dma_wait3A_767] : memref<100000x128xf32, #tpu.memory_space<hbm>> -> memref<100000x128xf32, #tpu.memory_space<hbm>>
    tpu.wait_indirect_dma semaphore(%arg8 : memref<!tpu.dma_semaphore, #tpu.memory_space<semaphore_mem>>) src(%dma_wait3A_768 : memref<100000x128xf32, #tpu.memory_space<hbm>>) dst(%dma_wait3A_762 : memref<20x128xf32, #tpu.memory_space<vmem>>)
    %scan3A = arith.constant 0 : i32
    %scan3A_769 = arith.constant 0 : i32
    %scan3A_770 = arith.constant 32 : i32
    %scan3A_771 = arith.addi %scan3A_769, %scan3A_770 : i32
    %scan3A_772 = arith.constant 1 : i32
    scf.for %scan3A_774 = %scan3A_769 to %scan3A_771 step %scan3A_772  : i32 {
      %get3A = arith.constant 0 : i32
      %get3A_775 = arith.index_cast %scan3A_774 : i32 to index
      %get3A_776 = arith.index_cast %get3A : i32 to index
      %get3A_777 = arith.constant 0 : index
      %get3A_778 = tpu.vector_load %arg6[%get3A_775, %get3A_776, %get3A_777] {strides = array<i32>} : memref<32x20x128xf32, #tpu.memory_space<vmem>>, vector<1x1x16xf32>,
      %get3A_779 = vector.shape_cast %get3A_778 : vector<1x1x16xf32> to vector<16xf32>
      %get3A_780 = arith.constant 1 : i32
      %get3A_781 = arith.index_cast %scan3A_774 : i32 to index
      %get3A_782 = arith.index_cast %get3A_780 : i32 to index
      %get3A_783 = arith.constant 0 : index
      %get3A_784 = tpu.vector_load %arg6[%get3A_781, %get3A_782, %get3A_783] {strides = array<i32>} : memref<32x20x128xf32, #tpu.memory_space<vmem>>, vector<1x1x16xf32>,
      %get3A_785 = vector.shape_cast %get3A_784 : vector<1x1x16xf32> to vector<16xf32>
      %add3A_786 = arith.addf %get3A_779, %get3A_785 : vector<16xf32>
      %get3A_787 = arith.constant 2 : i32
      %get3A_788 = arith.index_cast %scan3A_774 : i32 to index
      %get3A_789 = arith.index_cast %get3A_787 : i32 to index
      %get3A_790 = arith.constant 0 : index
      %get3A_791 = tpu.vector_load %arg6[%get3A_788, %get3A_789, %get3A_790] {strides = array<i32>} : memref<32x20x128xf32, #tpu.memory_space<vmem>>, vector<1x1x16xf32>,
      %get3A_792 = vector.shape_cast %get3A_791 : vector<1x1x16xf32> to vector<16xf32>
      %add3A_793 = arith.addf %add3A_786, %get3A_792 : vector<16xf32>
      %get3A_794 = arith.constant 3 : i32
      %get3A_795 = arith.index_cast %scan3A_774 : i32 to index
      %get3A_796 = arith.index_cast %get3A_794 : i32 to index
      %get3A_797 = arith.constant 0 : index
      %get3A_798 = tpu.vector_load %arg6[%get3A_795, %get3A_796, %get3A_797] {strides = array<i32>} : memref<32x20x128xf32, #tpu.memory_space<vmem>>, vector<1x1x16xf32>,
      %get3A_799 = vector.shape_cast %get3A_798 : vector<1x1x16xf32> to vector<16xf32>
      %add3A_800 = arith.addf %add3A_793, %get3A_799 : vector<16xf32>
      %get3A_801 = arith.constant 4 : i32
      %get3A_802 = arith.index_cast %scan3A_774 : i32 to index
      %get3A_803 = arith.index_cast %get3A_801 : i32 to index
      %get3A_804 = arith.constant 0 : index
      %get3A_805 = tpu.vector_load %arg6[%get3A_802, %get3A_803, %get3A_804] {strides = array<i32>} : memref<32x20x128xf32, #tpu.memory_space<vmem>>, vector<1x1x16xf32>,
      %get3A_806 = vector.shape_cast %get3A_805 : vector<1x1x16xf32> to vector<16xf32>
      %add3A_807 = arith.addf %add3A_800, %get3A_806 : vector<16xf32>
      %get3A_808 = arith.constant 5 : i32
      %get3A_809 = arith.index_cast %scan3A_774 : i32 to index
      %get3A_810 = arith.index_cast %get3A_808 : i32 to index
      %get3A_811 = arith.constant 0 : index
      %get3A_812 = tpu.vector_load %arg6[%get3A_809, %get3A_810, %get3A_811] {strides = array<i32>} : memref<32x20x128xf32, #tpu.memory_space<vmem>>, vector<1x1x16xf32>,
      %get3A_813 = vector.shape_cast %get3A_812 : vector<1x1x16xf32> to vector<16xf32>
      %add3A_814 = arith.addf %add3A_807, %get3A_813 : vector<16xf32>
      %get3A_815 = arith.constant 6 : i32
      %get3A_816 = arith.index_cast %scan3A_774 : i32 to index
      %get3A_817 = arith.index_cast %get3A_815 : i32 to index
      %get3A_818 = arith.constant 0 : index
      %get3A_819 = tpu.vector_load %arg6[%get3A_816, %get3A_817, %get3A_818] {strides = array<i32>} : memref<32x20x128xf32, #tpu.memory_space<vmem>>, vector<1x1x16xf32>,
      %get3A_820 = vector.shape_cast %get3A_819 : vector<1x1x16xf32> to vector<16xf32>
      %add3A_821 = arith.addf %add3A_814, %get3A_820 : vector<16xf32>
      %get3A_822 = arith.constant 7 : i32
      %get3A_823 = arith.index_cast %scan3A_774 : i32 to index
      %get3A_824 = arith.index_cast %get3A_822 : i32 to index
      %get3A_825 = arith.constant 0 : index
      %get3A_826 = tpu.vector_load %arg6[%get3A_823, %get3A_824, %get3A_825] {strides = array<i32>} : memref<32x20x128xf32, #tpu.memory_space<vmem>>, vector<1x1x16xf32>,
      %get3A_827 = vector.shape_cast %get3A_826 : vector<1x1x16xf32> to vector<16xf32>
      %add3A_828 = arith.addf %add3A_821, %get3A_827 : vector<16xf32>
      %get3A_829 = arith.constant 8 : i32
      %get3A_830 = arith.index_cast %scan3A_774 : i32 to index
      %get3A_831 = arith.index_cast %get3A_829 : i32 to index
      %get3A_832 = arith.constant 0 : index
      %get3A_833 = tpu.vector_load %arg6[%get3A_830, %get3A_831, %get3A_832] {strides = array<i32>} : memref<32x20x128xf32, #tpu.memory_space<vmem>>, vector<1x1x16xf32>,
      %get3A_834 = vector.shape_cast %get3A_833 : vector<1x1x16xf32> to vector<16xf32>
      %add3A_835 = arith.addf %add3A_828, %get3A_834 : vector<16xf32>
      %get3A_836 = arith.constant 9 : i32
      %get3A_837 = arith.index_cast %scan3A_774 : i32 to index
      %get3A_838 = arith.index_cast %get3A_836 : i32 to index
      %get3A_839 = arith.constant 0 : index
      %get3A_840 = tpu.vector_load %arg6[%get3A_837, %get3A_838, %get3A_839] {strides = array<i32>} : memref<32x20x128xf32, #tpu.memory_space<vmem>>, vector<1x1x16xf32>,
      %get3A_841 = vector.shape_cast %get3A_840 : vector<1x1x16xf32> to vector<16xf32>
      %add3A_842 = arith.addf %add3A_835, %get3A_841 : vector<16xf32>
      %get3A_843 = arith.constant 10 : i32
      %get3A_844 = arith.index_cast %scan3A_774 : i32 to index
      %get3A_845 = arith.index_cast %get3A_843 : i32 to index
      %get3A_846 = arith.constant 0 : index
      %get3A_847 = tpu.vector_load %arg6[%get3A_844, %get3A_845, %get3A_846] {strides = array<i32>} : memref<32x20x128xf32, #tpu.memory_space<vmem>>, vector<1x1x16xf32>,
      %get3A_848 = vector.shape_cast %get3A_847 : vector<1x1x16xf32> to vector<16xf32>
      %add3A_849 = arith.addf %add3A_842, %get3A_848 : vector<16xf32>
      %get3A_850 = arith.constant 11 : i32
      %get3A_851 = arith.index_cast %scan3A_774 : i32 to index
      %get3A_852 = arith.index_cast %get3A_850 : i32 to index
      %get3A_853 = arith.constant 0 : index
      %get3A_854 = tpu.vector_load %arg6[%get3A_851, %get3A_852, %get3A_853] {strides = array<i32>} : memref<32x20x128xf32, #tpu.memory_space<vmem>>, vector<1x1x16xf32>,
      %get3A_855 = vector.shape_cast %get3A_854 : vector<1x1x16xf32> to vector<16xf32>
      %add3A_856 = arith.addf %add3A_849, %get3A_855 : vector<16xf32>
      %get3A_857 = arith.constant 12 : i32
      %get3A_858 = arith.index_cast %scan3A_774 : i32 to index
      %get3A_859 = arith.index_cast %get3A_857 : i32 to index
      %get3A_860 = arith.constant 0 : index
      %get3A_861 = tpu.vector_load %arg6[%get3A_858, %get3A_859, %get3A_860] {strides = array<i32>} : memref<32x20x128xf32, #tpu.memory_space<vmem>>, vector<1x1x16xf32>,
      %get3A_862 = vector.shape_cast %get3A_861 : vector<1x1x16xf32> to vector<16xf32>
      %add3A_863 = arith.addf %add3A_856, %get3A_862 : vector<16xf32>
      %get3A_864 = arith.constant 13 : i32
      %get3A_865 = arith.index_cast %scan3A_774 : i32 to index
      %get3A_866 = arith.index_cast %get3A_864 : i32 to index
      %get3A_867 = arith.constant 0 : index
      %get3A_868 = tpu.vector_load %arg6[%get3A_865, %get3A_866, %get3A_867] {strides = array<i32>} : memref<32x20x128xf32, #tpu.memory_space<vmem>>, vector<1x1x16xf32>,
      %get3A_869 = vector.shape_cast %get3A_868 : vector<1x1x16xf32> to vector<16xf32>
      %add3A_870 = arith.addf %add3A_863, %get3A_869 : vector<16xf32>
      %get3A_871 = arith.constant 14 : i32
      %get3A_872 = arith.index_cast %scan3A_774 : i32 to index
      %get3A_873 = arith.index_cast %get3A_871 : i32 to index
      %get3A_874 = arith.constant 0 : index
      %get3A_875 = tpu.vector_load %arg6[%get3A_872, %get3A_873, %get3A_874] {strides = array<i32>} : memref<32x20x128xf32, #tpu.memory_space<vmem>>, vector<1x1x16xf32>,
      %get3A_876 = vector.shape_cast %get3A_875 : vector<1x1x16xf32> to vector<16xf32>
      %add3A_877 = arith.addf %add3A_870, %get3A_876 : vector<16xf32>
      %get3A_878 = arith.constant 15 : i32
      %get3A_879 = arith.index_cast %scan3A_774 : i32 to index
      %get3A_880 = arith.index_cast %get3A_878 : i32 to index
      %get3A_881 = arith.constant 0 : index
      %get3A_882 = tpu.vector_load %arg6[%get3A_879, %get3A_880, %get3A_881] {strides = array<i32>} : memref<32x20x128xf32, #tpu.memory_space<vmem>>, vector<1x1x16xf32>,
      %get3A_883 = vector.shape_cast %get3A_882 : vector<1x1x16xf32> to vector<16xf32>
      %add3A_884 = arith.addf %add3A_877, %get3A_883 : vector<16xf32>
      %get3A_885 = arith.constant 16 : i32
      %get3A_886 = arith.index_cast %scan3A_774 : i32 to index
      %get3A_887 = arith.index_cast %get3A_885 : i32 to index
      %get3A_888 = arith.constant 0 : index
      %get3A_889 = tpu.vector_load %arg6[%get3A_886, %get3A_887, %get3A_888] {strides = array<i32>} : memref<32x20x128xf32, #tpu.memory_space<vmem>>, vector<1x1x16xf32>,
      %get3A_890 = vector.shape_cast %get3A_889 : vector<1x1x16xf32> to vector<16xf32>
      %add3A_891 = arith.addf %add3A_884, %get3A_890 : vector<16xf32>
      %get3A_892 = arith.constant 17 : i32
      %get3A_893 = arith.index_cast %scan3A_774 : i32 to index
      %get3A_894 = arith.index_cast %get3A_892 : i32 to index
      %get3A_895 = arith.constant 0 : index
      %get3A_896 = tpu.vector_load %arg6[%get3A_893, %get3A_894, %get3A_895] {strides = array<i32>} : memref<32x20x128xf32, #tpu.memory_space<vmem>>, vector<1x1x16xf32>,
      %get3A_897 = vector.shape_cast %get3A_896 : vector<1x1x16xf32> to vector<16xf32>
      %add3A_898 = arith.addf %add3A_891, %get3A_897 : vector<16xf32>
      %get3A_899 = arith.constant 18 : i32
      %get3A_900 = arith.index_cast %scan3A_774 : i32 to index
      %get3A_901 = arith.index_cast %get3A_899 : i32 to index
      %get3A_902 = arith.constant 0 : index
      %get3A_903 = tpu.vector_load %arg6[%get3A_900, %get3A_901, %get3A_902] {strides = array<i32>} : memref<32x20x128xf32, #tpu.memory_space<vmem>>, vector<1x1x16xf32>,
      %get3A_904 = vector.shape_cast %get3A_903 : vector<1x1x16xf32> to vector<16xf32>
      %add3A_905 = arith.addf %add3A_898, %get3A_904 : vector<16xf32>
      %get3A_906 = arith.constant 19 : i32
      %get3A_907 = arith.index_cast %scan3A_774 : i32 to index
      %get3A_908 = arith.index_cast %get3A_906 : i32 to index
      %get3A_909 = arith.constant 0 : index
      %get3A_910 = tpu.vector_load %arg6[%get3A_907, %get3A_908, %get3A_909] {strides = array<i32>} : memref<32x20x128xf32, #tpu.memory_space<vmem>>, vector<1x1x16xf32>,
      %get3A_911 = vector.shape_cast %get3A_910 : vector<1x1x16xf32> to vector<16xf32>
      %add3A_912 = arith.addf %add3A_905, %get3A_911 : vector<16xf32>
      %mul3A_913 = arith.constant 5.000000e-02 : f32
      %mul3A_914 = vector.broadcast %mul3A_913 : f32 to vector<16xf32>
      %mul3A_915 = arith.mulf %add3A_912, %mul3A_914 : vector<16xf32>
      %swap3A = arith.index_cast %scan3A_774 : i32 to index
      %swap3A_916 = arith.constant 0 : index
      %swap3A_917 = tpu.vector_load %arg7[%swap3A, %swap3A_916] {strides = array<i32>} : memref<32x64xf32, #tpu.memory_space<vmem>>, vector<1x16xf32>,
      %swap3A_918 = vector.shape_cast %swap3A_917 : vector<1x16xf32> to vector<16xf32>
      %swap3A_919 = vector.shape_cast %mul3A_915 : vector<16xf32> to vector<1x16xf32>
      tpu.vector_store %arg7[%swap3A, %swap3A_916], %swap3A_919 {strides = array<i32>} : memref<32x64xf32, #tpu.memory_space<vmem>>, vector<1x16xf32>,
      %get3A_920 = arith.constant 0 : i32
      %get3A_921 = arith.index_cast %scan3A_774 : i32 to index
      %get3A_922 = arith.index_cast %get3A_920 : i32 to index
      %get3A_923 = arith.constant 16 : index
      %get3A_924 = tpu.vector_load %arg6[%get3A_921, %get3A_922, %get3A_923] {strides = array<i32>} : memref<32x20x128xf32, #tpu.memory_space<vmem>>, vector<1x1x16xf32>,
      %get3A_925 = vector.shape_cast %get3A_924 : vector<1x1x16xf32> to vector<16xf32>
      %get3A_926 = arith.constant 1 : i32
      %get3A_927 = arith.index_cast %scan3A_774 : i32 to index
      %get3A_928 = arith.index_cast %get3A_926 : i32 to index
      %get3A_929 = arith.constant 16 : index
      %get3A_930 = tpu.vector_load %arg6[%get3A_927, %get3A_928, %get3A_929] {strides = array<i32>} : memref<32x20x128xf32, #tpu.memory_space<vmem>>, vector<1x1x16xf32>,
      %get3A_931 = vector.shape_cast %get3A_930 : vector<1x1x16xf32> to vector<16xf32>
      %add3A_932 = arith.addf %get3A_925, %get3A_931 : vector<16xf32>
      %get3A_933 = arith.constant 2 : i32
      %get3A_934 = arith.index_cast %scan3A_774 : i32 to index
      %get3A_935 = arith.index_cast %get3A_933 : i32 to index
      %get3A_936 = arith.constant 16 : index
      %get3A_937 = tpu.vector_load %arg6[%get3A_934, %get3A_935, %get3A_936] {strides = array<i32>} : memref<32x20x128xf32, #tpu.memory_space<vmem>>, vector<1x1x16xf32>,
      %get3A_938 = vector.shape_cast %get3A_937 : vector<1x1x16xf32> to vector<16xf32>
      %add3A_939 = arith.addf %add3A_932, %get3A_938 : vector<16xf32>
      %get3A_940 = arith.constant 3 : i32
      %get3A_941 = arith.index_cast %scan3A_774 : i32 to index
      %get3A_942 = arith.index_cast %get3A_940 : i32 to index
      %get3A_943 = arith.constant 16 : index
      %get3A_944 = tpu.vector_load %arg6[%get3A_941, %get3A_942, %get3A_943] {strides = array<i32>} : memref<32x20x128xf32, #tpu.memory_space<vmem>>, vector<1x1x16xf32>,
      %get3A_945 = vector.shape_cast %get3A_944 : vector<1x1x16xf32> to vector<16xf32>
      %add3A_946 = arith.addf %add3A_939, %get3A_945 : vector<16xf32>
      %get3A_947 = arith.constant 4 : i32
      %get3A_948 = arith.index_cast %scan3A_774 : i32 to index
      %get3A_949 = arith.index_cast %get3A_947 : i32 to index
      %get3A_950 = arith.constant 16 : index
      %get3A_951 = tpu.vector_load %arg6[%get3A_948, %get3A_949, %get3A_950] {strides = array<i32>} : memref<32x20x128xf32, #tpu.memory_space<vmem>>, vector<1x1x16xf32>,
      %get3A_952 = vector.shape_cast %get3A_951 : vector<1x1x16xf32> to vector<16xf32>
      %add3A_953 = arith.addf %add3A_946, %get3A_952 : vector<16xf32>
      %get3A_954 = arith.constant 5 : i32
      %get3A_955 = arith.index_cast %scan3A_774 : i32 to index
      %get3A_956 = arith.index_cast %get3A_954 : i32 to index
      %get3A_957 = arith.constant 16 : index
      %get3A_958 = tpu.vector_load %arg6[%get3A_955, %get3A_956, %get3A_957] {strides = array<i32>} : memref<32x20x128xf32, #tpu.memory_space<vmem>>, vector<1x1x16xf32>,
      %get3A_959 = vector.shape_cast %get3A_958 : vector<1x1x16xf32> to vector<16xf32>
      %add3A_960 = arith.addf %add3A_953, %get3A_959 : vector<16xf32>
      %get3A_961 = arith.constant 6 : i32
      %get3A_962 = arith.index_cast %scan3A_774 : i32 to index
      %get3A_963 = arith.index_cast %get3A_961 : i32 to index
      %get3A_964 = arith.constant 16 : index
      %get3A_965 = tpu.vector_load %arg6[%get3A_962, %get3A_963, %get3A_964] {strides = array<i32>} : memref<32x20x128xf32, #tpu.memory_space<vmem>>, vector<1x1x16xf32>,
      %get3A_966 = vector.shape_cast %get3A_965 : vector<1x1x16xf32> to vector<16xf32>
      %add3A_967 = arith.addf %add3A_960, %get3A_966 : vector<16xf32>
      %get3A_968 = arith.constant 7 : i32
      %get3A_969 = arith.index_cast %scan3A_774 : i32 to index
      %get3A_970 = arith.index_cast %get3A_968 : i32 to index
      %get3A_971 = arith.constant 16 : index
      %get3A_972 = tpu.vector_load %arg6[%get3A_969, %get3A_970, %get3A_971] {strides = array<i32>} : memref<32x20x128xf32, #tpu.memory_space<vmem>>, vector<1x1x16xf32>,
      %get3A_973 = vector.shape_cast %get3A_972 : vector<1x1x16xf32> to vector<16xf32>
      %add3A_974 = arith.addf %add3A_967, %get3A_973 : vector<16xf32>
      %get3A_975 = arith.constant 8 : i32
      %get3A_976 = arith.index_cast %scan3A_774 : i32 to index
      %get3A_977 = arith.index_cast %get3A_975 : i32 to index
      %get3A_978 = arith.constant 16 : index
      %get3A_979 = tpu.vector_load %arg6[%get3A_976, %get3A_977, %get3A_978] {strides = array<i32>} : memref<32x20x128xf32, #tpu.memory_space<vmem>>, vector<1x1x16xf32>,
      %get3A_980 = vector.shape_cast %get3A_979 : vector<1x1x16xf32> to vector<16xf32>
      %add3A_981 = arith.addf %add3A_974, %get3A_980 : vector<16xf32>
      %get3A_982 = arith.constant 9 : i32
      %get3A_983 = arith.index_cast %scan3A_774 : i32 to index
      %get3A_984 = arith.index_cast %get3A_982 : i32 to index
      %get3A_985 = arith.constant 16 : index
      %get3A_986 = tpu.vector_load %arg6[%get3A_983, %get3A_984, %get3A_985] {strides = array<i32>} : memref<32x20x128xf32, #tpu.memory_space<vmem>>, vector<1x1x16xf32>,
      %get3A_987 = vector.shape_cast %get3A_986 : vector<1x1x16xf32> to vector<16xf32>
      %add3A_988 = arith.addf %add3A_981, %get3A_987 : vector<16xf32>
      %get3A_989 = arith.constant 10 : i32
      %get3A_990 = arith.index_cast %scan3A_774 : i32 to index
      %get3A_991 = arith.index_cast %get3A_989 : i32 to index
      %get3A_992 = arith.constant 16 : index
      %get3A_993 = tpu.vector_load %arg6[%get3A_990, %get3A_991, %get3A_992] {strides = array<i32>} : memref<32x20x128xf32, #tpu.memory_space<vmem>>, vector<1x1x16xf32>,
      %get3A_994 = vector.shape_cast %get3A_993 : vector<1x1x16xf32> to vector<16xf32>
      %add3A_995 = arith.addf %add3A_988, %get3A_994 : vector<16xf32>
      %get3A_996 = arith.constant 11 : i32
      %get3A_997 = arith.index_cast %scan3A_774 : i32 to index
      %get3A_998 = arith.index_cast %get3A_996 : i32 to index
      %get3A_999 = arith.constant 16 : index
      %get3A_1000 = tpu.vector_load %arg6[%get3A_997, %get3A_998, %get3A_999] {strides = array<i32>} : memref<32x20x128xf32, #tpu.memory_space<vmem>>, vector<1x1x16xf32>,
      %get3A_1001 = vector.shape_cast %get3A_1000 : vector<1x1x16xf32> to vector<16xf32>
      %add3A_1002 = arith.addf %add3A_995, %get3A_1001 : vector<16xf32>
      %get3A_1003 = arith.constant 12 : i32
      %get3A_1004 = arith.index_cast %scan3A_774 : i32 to index
      %get3A_1005 = arith.index_cast %get3A_1003 : i32 to index
      %get3A_1006 = arith.constant 16 : index
      %get3A_1007 = tpu.vector_load %arg6[%get3A_1004, %get3A_1005, %get3A_1006] {strides = array<i32>} : memref<32x20x128xf32, #tpu.memory_space<vmem>>, vector<1x1x16xf32>,
      %get3A_1008 = vector.shape_cast %get3A_1007 : vector<1x1x16xf32> to vector<16xf32>
      %add3A_1009 = arith.addf %add3A_1002, %get3A_1008 : vector<16xf32>
      %get3A_1010 = arith.constant 13 : i32
      %get3A_1011 = arith.index_cast %scan3A_774 : i32 to index
      %get3A_1012 = arith.index_cast %get3A_1010 : i32 to index
      %get3A_1013 = arith.constant 16 : index
      %get3A_1014 = tpu.vector_load %arg6[%get3A_1011, %get3A_1012, %get3A_1013] {strides = array<i32>} : memref<32x20x128xf32, #tpu.memory_space<vmem>>, vector<1x1x16xf32>,
      %get3A_1015 = vector.shape_cast %get3A_1014 : vector<1x1x16xf32> to vector<16xf32>
      %add3A_1016 = arith.addf %add3A_1009, %get3A_1015 : vector<16xf32>
      %get3A_1017 = arith.constant 14 : i32
      %get3A_1018 = arith.index_cast %scan3A_774 : i32 to index
      %get3A_1019 = arith.index_cast %get3A_1017 : i32 to index
      %get3A_1020 = arith.constant 16 : index
      %get3A_1021 = tpu.vector_load %arg6[%get3A_1018, %get3A_1019, %get3A_1020] {strides = array<i32>} : memref<32x20x128xf32, #tpu.memory_space<vmem>>, vector<1x1x16xf32>,
      %get3A_1022 = vector.shape_cast %get3A_1021 : vector<1x1x16xf32> to vector<16xf32>
      %add3A_1023 = arith.addf %add3A_1016, %get3A_1022 : vector<16xf32>
      %get3A_1024 = arith.constant 15 : i32
      %get3A_1025 = arith.index_cast %scan3A_774 : i32 to index
      %get3A_1026 = arith.index_cast %get3A_1024 : i32 to index
      %get3A_1027 = arith.constant 16 : index
      %get3A_1028 = tpu.vector_load %arg6[%get3A_1025, %get3A_1026, %get3A_1027] {strides = array<i32>} : memref<32x20x128xf32, #tpu.memory_space<vmem>>, vector<1x1x16xf32>,
      %get3A_1029 = vector.shape_cast %get3A_1028 : vector<1x1x16xf32> to vector<16xf32>
      %add3A_1030 = arith.addf %add3A_1023, %get3A_1029 : vector<16xf32>
      %get3A_1031 = arith.constant 16 : i32
      %get3A_1032 = arith.index_cast %scan3A_774 : i32 to index
      %get3A_1033 = arith.index_cast %get3A_1031 : i32 to index
      %get3A_1034 = arith.constant 16 : index
      %get3A_1035 = tpu.vector_load %arg6[%get3A_1032, %get3A_1033, %get3A_1034] {strides = array<i32>} : memref<32x20x128xf32, #tpu.memory_space<vmem>>, vector<1x1x16xf32>,
      %get3A_1036 = vector.shape_cast %get3A_1035 : vector<1x1x16xf32> to vector<16xf32>
      %add3A_1037 = arith.addf %add3A_1030, %get3A_1036 : vector<16xf32>
      %get3A_1038 = arith.constant 17 : i32
      %get3A_1039 = arith.index_cast %scan3A_774 : i32 to index
      %get3A_1040 = arith.index_cast %get3A_1038 : i32 to index
      %get3A_1041 = arith.constant 16 : index
      %get3A_1042 = tpu.vector_load %arg6[%get3A_1039, %get3A_1040, %get3A_1041] {strides = array<i32>} : memref<32x20x128xf32, #tpu.memory_space<vmem>>, vector<1x1x16xf32>,
      %get3A_1043 = vector.shape_cast %get3A_1042 : vector<1x1x16xf32> to vector<16xf32>
      %add3A_1044 = arith.addf %add3A_1037, %get3A_1043 : vector<16xf32>
      %get3A_1045 = arith.constant 18 : i32
      %get3A_1046 = arith.index_cast %scan3A_774 : i32 to index
      %get3A_1047 = arith.index_cast %get3A_1045 : i32 to index
      %get3A_1048 = arith.constant 16 : index
      %get3A_1049 = tpu.vector_load %arg6[%get3A_1046, %get3A_1047, %get3A_1048] {strides = array<i32>} : memref<32x20x128xf32, #tpu.memory_space<vmem>>, vector<1x1x16xf32>,
      %get3A_1050 = vector.shape_cast %get3A_1049 : vector<1x1x16xf32> to vector<16xf32>
      %add3A_1051 = arith.addf %add3A_1044, %get3A_1050 : vector<16xf32>
      %get3A_1052 = arith.constant 19 : i32
      %get3A_1053 = arith.index_cast %scan3A_774 : i32 to index
      %get3A_1054 = arith.index_cast %get3A_1052 : i32 to index
      %get3A_1055 = arith.constant 16 : index
      %get3A_1056 = tpu.vector_load %arg6[%get3A_1053, %get3A_1054, %get3A_1055] {strides = array<i32>} : memref<32x20x128xf32, #tpu.memory_space<vmem>>, vector<1x1x16xf32>,
      %get3A_1057 = vector.shape_cast %get3A_1056 : vector<1x1x16xf32> to vector<16xf32>
      %add3A_1058 = arith.addf %add3A_1051, %get3A_1057 : vector<16xf32>
      %mul3A_1059 = arith.constant 5.000000e-02 : f32
      %mul3A_1060 = vector.broadcast %mul3A_1059 : f32 to vector<16xf32>
      %mul3A_1061 = arith.mulf %add3A_1058, %mul3A_1060 : vector<16xf32>
      %swap3A_1062 = arith.index_cast %scan3A_774 : i32 to index
      %swap3A_1063 = arith.constant 16 : index
      %swap3A_1064 = tpu.vector_load %arg7[%swap3A_1062, %swap3A_1063] {strides = array<i32>} : memref<32x64xf32, #tpu.memory_space<vmem>>, vector<1x16xf32>,
      %swap3A_1065 = vector.shape_cast %swap3A_1064 : vector<1x16xf32> to vector<16xf32>
      %swap3A_1066 = vector.shape_cast %mul3A_1061 : vector<16xf32> to vector<1x16xf32>
      tpu.vector_store %arg7[%swap3A_1062, %swap3A_1063], %swap3A_1066 {strides = array<i32>} : memref<32x64xf32, #tpu.memory_space<vmem>>, vector<1x16xf32>,
      %get3A_1067 = arith.constant 0 : i32
      %get3A_1068 = arith.index_cast %scan3A_774 : i32 to index
      %get3A_1069 = arith.index_cast %get3A_1067 : i32 to index
      %get3A_1070 = arith.constant 32 : index
      %get3A_1071 = tpu.vector_load %arg6[%get3A_1068, %get3A_1069, %get3A_1070] {strides = array<i32>} : memref<32x20x128xf32, #tpu.memory_space<vmem>>, vector<1x1x16xf32>,
      %get3A_1072 = vector.shape_cast %get3A_1071 : vector<1x1x16xf32> to vector<16xf32>
      %get3A_1073 = arith.constant 1 : i32
      %get3A_1074 = arith.index_cast %scan3A_774 : i32 to index
      %get3A_1075 = arith.index_cast %get3A_1073 : i32 to index
      %get3A_1076 = arith.constant 32 : index
      %get3A_1077 = tpu.vector_load %arg6[%get3A_1074, %get3A_1075, %get3A_1076] {strides = array<i32>} : memref<32x20x128xf32, #tpu.memory_space<vmem>>, vector<1x1x16xf32>,
      %get3A_1078 = vector.shape_cast %get3A_1077 : vector<1x1x16xf32> to vector<16xf32>
      %add3A_1079 = arith.addf %get3A_1072, %get3A_1078 : vector<16xf32>
      %get3A_1080 = arith.constant 2 : i32
      %get3A_1081 = arith.index_cast %scan3A_774 : i32 to index
      %get3A_1082 = arith.index_cast %get3A_1080 : i32 to index
      %get3A_1083 = arith.constant 32 : index
      %get3A_1084 = tpu.vector_load %arg6[%get3A_1081, %get3A_1082, %get3A_1083] {strides = array<i32>} : memref<32x20x128xf32, #tpu.memory_space<vmem>>, vector<1x1x16xf32>,
      %get3A_1085 = vector.shape_cast %get3A_1084 : vector<1x1x16xf32> to vector<16xf32>
      %add3A_1086 = arith.addf %add3A_1079, %get3A_1085 : vector<16xf32>
      %get3A_1087 = arith.constant 3 : i32
      %get3A_1088 = arith.index_cast %scan3A_774 : i32 to index
      %get3A_1089 = arith.index_cast %get3A_1087 : i32 to index
      %get3A_1090 = arith.constant 32 : index
      %get3A_1091 = tpu.vector_load %arg6[%get3A_1088, %get3A_1089, %get3A_1090] {strides = array<i32>} : memref<32x20x128xf32, #tpu.memory_space<vmem>>, vector<1x1x16xf32>,
      %get3A_1092 = vector.shape_cast %get3A_1091 : vector<1x1x16xf32> to vector<16xf32>
      %add3A_1093 = arith.addf %add3A_1086, %get3A_1092 : vector<16xf32>
      %get3A_1094 = arith.constant 4 : i32
      %get3A_1095 = arith.index_cast %scan3A_774 : i32 to index
      %get3A_1096 = arith.index_cast %get3A_1094 : i32 to index
      %get3A_1097 = arith.constant 32 : index
      %get3A_1098 = tpu.vector_load %arg6[%get3A_1095, %get3A_1096, %get3A_1097] {strides = array<i32>} : memref<32x20x128xf32, #tpu.memory_space<vmem>>, vector<1x1x16xf32>,
      %get3A_1099 = vector.shape_cast %get3A_1098 : vector<1x1x16xf32> to vector<16xf32>
      %add3A_1100 = arith.addf %add3A_1093, %get3A_1099 : vector<16xf32>
      %get3A_1101 = arith.constant 5 : i32
      %get3A_1102 = arith.index_cast %scan3A_774 : i32 to index
      %get3A_1103 = arith.index_cast %get3A_1101 : i32 to index
      %get3A_1104 = arith.constant 32 : index
      %get3A_1105 = tpu.vector_load %arg6[%get3A_1102, %get3A_1103, %get3A_1104] {strides = array<i32>} : memref<32x20x128xf32, #tpu.memory_space<vmem>>, vector<1x1x16xf32>,
      %get3A_1106 = vector.shape_cast %get3A_1105 : vector<1x1x16xf32> to vector<16xf32>
      %add3A_1107 = arith.addf %add3A_1100, %get3A_1106 : vector<16xf32>
      %get3A_1108 = arith.constant 6 : i32
      %get3A_1109 = arith.index_cast %scan3A_774 : i32 to index
      %get3A_1110 = arith.index_cast %get3A_1108 : i32 to index
      %get3A_1111 = arith.constant 32 : index
      %get3A_1112 = tpu.vector_load %arg6[%get3A_1109, %get3A_1110, %get3A_1111] {strides = array<i32>} : memref<32x20x128xf32, #tpu.memory_space<vmem>>, vector<1x1x16xf32>,
      %get3A_1113 = vector.shape_cast %get3A_1112 : vector<1x1x16xf32> to vector<16xf32>
      %add3A_1114 = arith.addf %add3A_1107, %get3A_1113 : vector<16xf32>
      %get3A_1115 = arith.constant 7 : i32
      %get3A_1116 = arith.index_cast %scan3A_774 : i32 to index
      %get3A_1117 = arith.index_cast %get3A_1115 : i32 to index
      %get3A_1118 = arith.constant 32 : index
      %get3A_1119 = tpu.vector_load %arg6[%get3A_1116, %get3A_1117, %get3A_1118] {strides = array<i32>} : memref<32x20x128xf32, #tpu.memory_space<vmem>>, vector<1x1x16xf32>,
      %get3A_1120 = vector.shape_cast %get3A_1119 : vector<1x1x16xf32> to vector<16xf32>
      %add3A_1121 = arith.addf %add3A_1114, %get3A_1120 : vector<16xf32>
      %get3A_1122 = arith.constant 8 : i32
      %get3A_1123 = arith.index_cast %scan3A_774 : i32 to index
      %get3A_1124 = arith.index_cast %get3A_1122 : i32 to index
      %get3A_1125 = arith.constant 32 : index
      %get3A_1126 = tpu.vector_load %arg6[%get3A_1123, %get3A_1124, %get3A_1125] {strides = array<i32>} : memref<32x20x128xf32, #tpu.memory_space<vmem>>, vector<1x1x16xf32>,
      %get3A_1127 = vector.shape_cast %get3A_1126 : vector<1x1x16xf32> to vector<16xf32>
      %add3A_1128 = arith.addf %add3A_1121, %get3A_1127 : vector<16xf32>
      %get3A_1129 = arith.constant 9 : i32
      %get3A_1130 = arith.index_cast %scan3A_774 : i32 to index
      %get3A_1131 = arith.index_cast %get3A_1129 : i32 to index
      %get3A_1132 = arith.constant 32 : index
      %get3A_1133 = tpu.vector_load %arg6[%get3A_1130, %get3A_1131, %get3A_1132] {strides = array<i32>} : memref<32x20x128xf32, #tpu.memory_space<vmem>>, vector<1x1x16xf32>,
      %get3A_1134 = vector.shape_cast %get3A_1133 : vector<1x1x16xf32> to vector<16xf32>
      %add3A_1135 = arith.addf %add3A_1128, %get3A_1134 : vector<16xf32>
      %get3A_1136 = arith.constant 10 : i32
      %get3A_1137 = arith.index_cast %scan3A_774 : i32 to index
      %get3A_1138 = arith.index_cast %get3A_1136 : i32 to index
      %get3A_1139 = arith.constant 32 : index
      %get3A_1140 = tpu.vector_load %arg6[%get3A_1137, %get3A_1138, %get3A_1139] {strides = array<i32>} : memref<32x20x128xf32, #tpu.memory_space<vmem>>, vector<1x1x16xf32>,
      %get3A_1141 = vector.shape_cast %get3A_1140 : vector<1x1x16xf32> to vector<16xf32>
      %add3A_1142 = arith.addf %add3A_1135, %get3A_1141 : vector<16xf32>
      %get3A_1143 = arith.constant 11 : i32
      %get3A_1144 = arith.index_cast %scan3A_774 : i32 to index
      %get3A_1145 = arith.index_cast %get3A_1143 : i32 to index
      %get3A_1146 = arith.constant 32 : index
      %get3A_1147 = tpu.vector_load %arg6[%get3A_1144, %get3A_1145, %get3A_1146] {strides = array<i32>} : memref<32x20x128xf32, #tpu.memory_space<vmem>>, vector<1x1x16xf32>,
      %get3A_1148 = vector.shape_cast %get3A_1147 : vector<1x1x16xf32> to vector<16xf32>
      %add3A_1149 = arith.addf %add3A_1142, %get3A_1148 : vector<16xf32>
      %get3A_1150 = arith.constant 12 : i32
      %get3A_1151 = arith.index_cast %scan3A_774 : i32 to index
      %get3A_1152 = arith.index_cast %get3A_1150 : i32 to index
      %get3A_1153 = arith.constant 32 : index
      %get3A_1154 = tpu.vector_load %arg6[%get3A_1151, %get3A_1152, %get3A_1153] {strides = array<i32>} : memref<32x20x128xf32, #tpu.memory_space<vmem>>, vector<1x1x16xf32>,
      %get3A_1155 = vector.shape_cast %get3A_1154 : vector<1x1x16xf32> to vector<16xf32>
      %add3A_1156 = arith.addf %add3A_1149, %get3A_1155 : vector<16xf32>
      %get3A_1157 = arith.constant 13 : i32
      %get3A_1158 = arith.index_cast %scan3A_774 : i32 to index
      %get3A_1159 = arith.index_cast %get3A_1157 : i32 to index
      %get3A_1160 = arith.constant 32 : index
      %get3A_1161 = tpu.vector_load %arg6[%get3A_1158, %get3A_1159, %get3A_1160] {strides = array<i32>} : memref<32x20x128xf32, #tpu.memory_space<vmem>>, vector<1x1x16xf32>,
      %get3A_1162 = vector.shape_cast %get3A_1161 : vector<1x1x16xf32> to vector<16xf32>
      %add3A_1163 = arith.addf %add3A_1156, %get3A_1162 : vector<16xf32>
      %get3A_1164 = arith.constant 14 : i32
      %get3A_1165 = arith.index_cast %scan3A_774 : i32 to index
      %get3A_1166 = arith.index_cast %get3A_1164 : i32 to index
      %get3A_1167 = arith.constant 32 : index
      %get3A_1168 = tpu.vector_load %arg6[%get3A_1165, %get3A_1166, %get3A_1167] {strides = array<i32>} : memref<32x20x128xf32, #tpu.memory_space<vmem>>, vector<1x1x16xf32>,
      %get3A_1169 = vector.shape_cast %get3A_1168 : vector<1x1x16xf32> to vector<16xf32>
      %add3A_1170 = arith.addf %add3A_1163, %get3A_1169 : vector<16xf32>
      %get3A_1171 = arith.constant 15 : i32
      %get3A_1172 = arith.index_cast %scan3A_774 : i32 to index
      %get3A_1173 = arith.index_cast %get3A_1171 : i32 to index
      %get3A_1174 = arith.constant 32 : index
      %get3A_1175 = tpu.vector_load %arg6[%get3A_1172, %get3A_1173, %get3A_1174] {strides = array<i32>} : memref<32x20x128xf32, #tpu.memory_space<vmem>>, vector<1x1x16xf32>,
      %get3A_1176 = vector.shape_cast %get3A_1175 : vector<1x1x16xf32> to vector<16xf32>
      %add3A_1177 = arith.addf %add3A_1170, %get3A_1176 : vector<16xf32>
      %get3A_1178 = arith.constant 16 : i32
      %get3A_1179 = arith.index_cast %scan3A_774 : i32 to index
      %get3A_1180 = arith.index_cast %get3A_1178 : i32 to index
      %get3A_1181 = arith.constant 32 : index
      %get3A_1182 = tpu.vector_load %arg6[%get3A_1179, %get3A_1180, %get3A_1181] {strides = array<i32>} : memref<32x20x128xf32, #tpu.memory_space<vmem>>, vector<1x1x16xf32>,
      %get3A_1183 = vector.shape_cast %get3A_1182 : vector<1x1x16xf32> to vector<16xf32>
      %add3A_1184 = arith.addf %add3A_1177, %get3A_1183 : vector<16xf32>
      %get3A_1185 = arith.constant 17 : i32
      %get3A_1186 = arith.index_cast %scan3A_774 : i32 to index
      %get3A_1187 = arith.index_cast %get3A_1185 : i32 to index
      %get3A_1188 = arith.constant 32 : index
      %get3A_1189 = tpu.vector_load %arg6[%get3A_1186, %get3A_1187, %get3A_1188] {strides = array<i32>} : memref<32x20x128xf32, #tpu.memory_space<vmem>>, vector<1x1x16xf32>,
      %get3A_1190 = vector.shape_cast %get3A_1189 : vector<1x1x16xf32> to vector<16xf32>
      %add3A_1191 = arith.addf %add3A_1184, %get3A_1190 : vector<16xf32>
      %get3A_1192 = arith.constant 18 : i32
      %get3A_1193 = arith.index_cast %scan3A_774 : i32 to index
      %get3A_1194 = arith.index_cast %get3A_1192 : i32 to index
      %get3A_1195 = arith.constant 32 : index
      %get3A_1196 = tpu.vector_load %arg6[%get3A_1193, %get3A_1194, %get3A_1195] {strides = array<i32>} : memref<32x20x128xf32, #tpu.memory_space<vmem>>, vector<1x1x16xf32>,
      %get3A_1197 = vector.shape_cast %get3A_1196 : vector<1x1x16xf32> to vector<16xf32>
      %add3A_1198 = arith.addf %add3A_1191, %get3A_1197 : vector<16xf32>
      %get3A_1199 = arith.constant 19 : i32
      %get3A_1200 = arith.index_cast %scan3A_774 : i32 to index
      %get3A_1201 = arith.index_cast %get3A_1199 : i32 to index
      %get3A_1202 = arith.constant 32 : index
      %get3A_1203 = tpu.vector_load %arg6[%get3A_1200, %get3A_1201, %get3A_1202] {strides = array<i32>} : memref<32x20x128xf32, #tpu.memory_space<vmem>>, vector<1x1x16xf32>,
      %get3A_1204 = vector.shape_cast %get3A_1203 : vector<1x1x16xf32> to vector<16xf32>
      %add3A_1205 = arith.addf %add3A_1198, %get3A_1204 : vector<16xf32>
      %mul3A_1206 = arith.constant 5.000000e-02 : f32
      %mul3A_1207 = vector.broadcast %mul3A_1206 : f32 to vector<16xf32>
      %mul3A_1208 = arith.mulf %add3A_1205, %mul3A_1207 : vector<16xf32>
      %swap3A_1209 = arith.index_cast %scan3A_774 : i32 to index
      %swap3A_1210 = arith.constant 32 : index
      %swap3A_1211 = tpu.vector_load %arg7[%swap3A_1209, %swap3A_1210] {strides = array<i32>} : memref<32x64xf32, #tpu.memory_space<vmem>>, vector<1x16xf32>,
      %swap3A_1212 = vector.shape_cast %swap3A_1211 : vector<1x16xf32> to vector<16xf32>
      %swap3A_1213 = vector.shape_cast %mul3A_1208 : vector<16xf32> to vector<1x16xf32>
      tpu.vector_store %arg7[%swap3A_1209, %swap3A_1210], %swap3A_1213 {strides = array<i32>} : memref<32x64xf32, #tpu.memory_space<vmem>>, vector<1x16xf32>,
      %get3A_1214 = arith.constant 0 : i32
      %get3A_1215 = arith.index_cast %scan3A_774 : i32 to index
      %get3A_1216 = arith.index_cast %get3A_1214 : i32 to index
      %get3A_1217 = arith.constant 48 : index
      %get3A_1218 = tpu.vector_load %arg6[%get3A_1215, %get3A_1216, %get3A_1217] {strides = array<i32>} : memref<32x20x128xf32, #tpu.memory_space<vmem>>, vector<1x1x16xf32>,
      %get3A_1219 = vector.shape_cast %get3A_1218 : vector<1x1x16xf32> to vector<16xf32>
      %get3A_1220 = arith.constant 1 : i32
      %get3A_1221 = arith.index_cast %scan3A_774 : i32 to index
      %get3A_1222 = arith.index_cast %get3A_1220 : i32 to index
      %get3A_1223 = arith.constant 48 : index
      %get3A_1224 = tpu.vector_load %arg6[%get3A_1221, %get3A_1222, %get3A_1223] {strides = array<i32>} : memref<32x20x128xf32, #tpu.memory_space<vmem>>, vector<1x1x16xf32>,
      %get3A_1225 = vector.shape_cast %get3A_1224 : vector<1x1x16xf32> to vector<16xf32>
      %add3A_1226 = arith.addf %get3A_1219, %get3A_1225 : vector<16xf32>
      %get3A_1227 = arith.constant 2 : i32
      %get3A_1228 = arith.index_cast %scan3A_774 : i32 to index
      %get3A_1229 = arith.index_cast %get3A_1227 : i32 to index
      %get3A_1230 = arith.constant 48 : index
      %get3A_1231 = tpu.vector_load %arg6[%get3A_1228, %get3A_1229, %get3A_1230] {strides = array<i32>} : memref<32x20x128xf32, #tpu.memory_space<vmem>>, vector<1x1x16xf32>,
      %get3A_1232 = vector.shape_cast %get3A_1231 : vector<1x1x16xf32> to vector<16xf32>
      %add3A_1233 = arith.addf %add3A_1226, %get3A_1232 : vector<16xf32>
      %get3A_1234 = arith.constant 3 : i32
      %get3A_1235 = arith.index_cast %scan3A_774 : i32 to index
      %get3A_1236 = arith.index_cast %get3A_1234 : i32 to index
      %get3A_1237 = arith.constant 48 : index
      %get3A_1238 = tpu.vector_load %arg6[%get3A_1235, %get3A_1236, %get3A_1237] {strides = array<i32>} : memref<32x20x128xf32, #tpu.memory_space<vmem>>, vector<1x1x16xf32>,
      %get3A_1239 = vector.shape_cast %get3A_1238 : vector<1x1x16xf32> to vector<16xf32>
      %add3A_1240 = arith.addf %add3A_1233, %get3A_1239 : vector<16xf32>
      %get3A_1241 = arith.constant 4 : i32
      %get3A_1242 = arith.index_cast %scan3A_774 : i32 to index
      %get3A_1243 = arith.index_cast %get3A_1241 : i32 to index
      %get3A_1244 = arith.constant 48 : index
      %get3A_1245 = tpu.vector_load %arg6[%get3A_1242, %get3A_1243, %get3A_1244] {strides = array<i32>} : memref<32x20x128xf32, #tpu.memory_space<vmem>>, vector<1x1x16xf32>,
      %get3A_1246 = vector.shape_cast %get3A_1245 : vector<1x1x16xf32> to vector<16xf32>
      %add3A_1247 = arith.addf %add3A_1240, %get3A_1246 : vector<16xf32>
      %get3A_1248 = arith.constant 5 : i32
      %get3A_1249 = arith.index_cast %scan3A_774 : i32 to index
      %get3A_1250 = arith.index_cast %get3A_1248 : i32 to index
      %get3A_1251 = arith.constant 48 : index
      %get3A_1252 = tpu.vector_load %arg6[%get3A_1249, %get3A_1250, %get3A_1251] {strides = array<i32>} : memref<32x20x128xf32, #tpu.memory_space<vmem>>, vector<1x1x16xf32>,
      %get3A_1253 = vector.shape_cast %get3A_1252 : vector<1x1x16xf32> to vector<16xf32>
      %add3A_1254 = arith.addf %add3A_1247, %get3A_1253 : vector<16xf32>
      %get3A_1255 = arith.constant 6 : i32
      %get3A_1256 = arith.index_cast %scan3A_774 : i32 to index
      %get3A_1257 = arith.index_cast %get3A_1255 : i32 to index
      %get3A_1258 = arith.constant 48 : index
      %get3A_1259 = tpu.vector_load %arg6[%get3A_1256, %get3A_1257, %get3A_1258] {strides = array<i32>} : memref<32x20x128xf32, #tpu.memory_space<vmem>>, vector<1x1x16xf32>,
      %get3A_1260 = vector.shape_cast %get3A_1259 : vector<1x1x16xf32> to vector<16xf32>
      %add3A_1261 = arith.addf %add3A_1254, %get3A_1260 : vector<16xf32>
      %get3A_1262 = arith.constant 7 : i32
      %get3A_1263 = arith.index_cast %scan3A_774 : i32 to index
      %get3A_1264 = arith.index_cast %get3A_1262 : i32 to index
      %get3A_1265 = arith.constant 48 : index
      %get3A_1266 = tpu.vector_load %arg6[%get3A_1263, %get3A_1264, %get3A_1265] {strides = array<i32>} : memref<32x20x128xf32, #tpu.memory_space<vmem>>, vector<1x1x16xf32>,
      %get3A_1267 = vector.shape_cast %get3A_1266 : vector<1x1x16xf32> to vector<16xf32>
      %add3A_1268 = arith.addf %add3A_1261, %get3A_1267 : vector<16xf32>
      %get3A_1269 = arith.constant 8 : i32
      %get3A_1270 = arith.index_cast %scan3A_774 : i32 to index
      %get3A_1271 = arith.index_cast %get3A_1269 : i32 to index
      %get3A_1272 = arith.constant 48 : index
      %get3A_1273 = tpu.vector_load %arg6[%get3A_1270, %get3A_1271, %get3A_1272] {strides = array<i32>} : memref<32x20x128xf32, #tpu.memory_space<vmem>>, vector<1x1x16xf32>,
      %get3A_1274 = vector.shape_cast %get3A_1273 : vector<1x1x16xf32> to vector<16xf32>
      %add3A_1275 = arith.addf %add3A_1268, %get3A_1274 : vector<16xf32>
      %get3A_1276 = arith.constant 9 : i32
      %get3A_1277 = arith.index_cast %scan3A_774 : i32 to index
      %get3A_1278 = arith.index_cast %get3A_1276 : i32 to index
      %get3A_1279 = arith.constant 48 : index
      %get3A_1280 = tpu.vector_load %arg6[%get3A_1277, %get3A_1278, %get3A_1279] {strides = array<i32>} : memref<32x20x128xf32, #tpu.memory_space<vmem>>, vector<1x1x16xf32>,
      %get3A_1281 = vector.shape_cast %get3A_1280 : vector<1x1x16xf32> to vector<16xf32>
      %add3A_1282 = arith.addf %add3A_1275, %get3A_1281 : vector<16xf32>
      %get3A_1283 = arith.constant 10 : i32
      %get3A_1284 = arith.index_cast %scan3A_774 : i32 to index
      %get3A_1285 = arith.index_cast %get3A_1283 : i32 to index
      %get3A_1286 = arith.constant 48 : index
      %get3A_1287 = tpu.vector_load %arg6[%get3A_1284, %get3A_1285, %get3A_1286] {strides = array<i32>} : memref<32x20x128xf32, #tpu.memory_space<vmem>>, vector<1x1x16xf32>,
      %get3A_1288 = vector.shape_cast %get3A_1287 : vector<1x1x16xf32> to vector<16xf32>
      %add3A_1289 = arith.addf %add3A_1282, %get3A_1288 : vector<16xf32>
      %get3A_1290 = arith.constant 11 : i32
      %get3A_1291 = arith.index_cast %scan3A_774 : i32 to index
      %get3A_1292 = arith.index_cast %get3A_1290 : i32 to index
      %get3A_1293 = arith.constant 48 : index
      %get3A_1294 = tpu.vector_load %arg6[%get3A_1291, %get3A_1292, %get3A_1293] {strides = array<i32>} : memref<32x20x128xf32, #tpu.memory_space<vmem>>, vector<1x1x16xf32>,
      %get3A_1295 = vector.shape_cast %get3A_1294 : vector<1x1x16xf32> to vector<16xf32>
      %add3A_1296 = arith.addf %add3A_1289, %get3A_1295 : vector<16xf32>
      %get3A_1297 = arith.constant 12 : i32
      %get3A_1298 = arith.index_cast %scan3A_774 : i32 to index
      %get3A_1299 = arith.index_cast %get3A_1297 : i32 to index
      %get3A_1300 = arith.constant 48 : index
      %get3A_1301 = tpu.vector_load %arg6[%get3A_1298, %get3A_1299, %get3A_1300] {strides = array<i32>} : memref<32x20x128xf32, #tpu.memory_space<vmem>>, vector<1x1x16xf32>,
      %get3A_1302 = vector.shape_cast %get3A_1301 : vector<1x1x16xf32> to vector<16xf32>
      %add3A_1303 = arith.addf %add3A_1296, %get3A_1302 : vector<16xf32>
      %get3A_1304 = arith.constant 13 : i32
      %get3A_1305 = arith.index_cast %scan3A_774 : i32 to index
      %get3A_1306 = arith.index_cast %get3A_1304 : i32 to index
      %get3A_1307 = arith.constant 48 : index
      %get3A_1308 = tpu.vector_load %arg6[%get3A_1305, %get3A_1306, %get3A_1307] {strides = array<i32>} : memref<32x20x128xf32, #tpu.memory_space<vmem>>, vector<1x1x16xf32>,
      %get3A_1309 = vector.shape_cast %get3A_1308 : vector<1x1x16xf32> to vector<16xf32>
      %add3A_1310 = arith.addf %add3A_1303, %get3A_1309 : vector<16xf32>
      %get3A_1311 = arith.constant 14 : i32
      %get3A_1312 = arith.index_cast %scan3A_774 : i32 to index
      %get3A_1313 = arith.index_cast %get3A_1311 : i32 to index
      %get3A_1314 = arith.constant 48 : index
      %get3A_1315 = tpu.vector_load %arg6[%get3A_1312, %get3A_1313, %get3A_1314] {strides = array<i32>} : memref<32x20x128xf32, #tpu.memory_space<vmem>>, vector<1x1x16xf32>,
      %get3A_1316 = vector.shape_cast %get3A_1315 : vector<1x1x16xf32> to vector<16xf32>
      %add3A_1317 = arith.addf %add3A_1310, %get3A_1316 : vector<16xf32>
      %get3A_1318 = arith.constant 15 : i32
      %get3A_1319 = arith.index_cast %scan3A_774 : i32 to index
      %get3A_1320 = arith.index_cast %get3A_1318 : i32 to index
      %get3A_1321 = arith.constant 48 : index
      %get3A_1322 = tpu.vector_load %arg6[%get3A_1319, %get3A_1320, %get3A_1321] {strides = array<i32>} : memref<32x20x128xf32, #tpu.memory_space<vmem>>, vector<1x1x16xf32>,
      %get3A_1323 = vector.shape_cast %get3A_1322 : vector<1x1x16xf32> to vector<16xf32>
      %add3A_1324 = arith.addf %add3A_1317, %get3A_1323 : vector<16xf32>
      %get3A_1325 = arith.constant 16 : i32
      %get3A_1326 = arith.index_cast %scan3A_774 : i32 to index
      %get3A_1327 = arith.index_cast %get3A_1325 : i32 to index
      %get3A_1328 = arith.constant 48 : index
      %get3A_1329 = tpu.vector_load %arg6[%get3A_1326, %get3A_1327, %get3A_1328] {strides = array<i32>} : memref<32x20x128xf32, #tpu.memory_space<vmem>>, vector<1x1x16xf32>,
      %get3A_1330 = vector.shape_cast %get3A_1329 : vector<1x1x16xf32> to vector<16xf32>
      %add3A_1331 = arith.addf %add3A_1324, %get3A_1330 : vector<16xf32>
      %get3A_1332 = arith.constant 17 : i32
      %get3A_1333 = arith.index_cast %scan3A_774 : i32 to index
      %get3A_1334 = arith.index_cast %get3A_1332 : i32 to index
      %get3A_1335 = arith.constant 48 : index
      %get3A_1336 = tpu.vector_load %arg6[%get3A_1333, %get3A_1334, %get3A_1335] {strides = array<i32>} : memref<32x20x128xf32, #tpu.memory_space<vmem>>, vector<1x1x16xf32>,
      %get3A_1337 = vector.shape_cast %get3A_1336 : vector<1x1x16xf32> to vector<16xf32>
      %add3A_1338 = arith.addf %add3A_1331, %get3A_1337 : vector<16xf32>
      %get3A_1339 = arith.constant 18 : i32
      %get3A_1340 = arith.index_cast %scan3A_774 : i32 to index
      %get3A_1341 = arith.index_cast %get3A_1339 : i32 to index
      %get3A_1342 = arith.constant 48 : index
      %get3A_1343 = tpu.vector_load %arg6[%get3A_1340, %get3A_1341, %get3A_1342] {strides = array<i32>} : memref<32x20x128xf32, #tpu.memory_space<vmem>>, vector<1x1x16xf32>,
      %get3A_1344 = vector.shape_cast %get3A_1343 : vector<1x1x16xf32> to vector<16xf32>
      %add3A_1345 = arith.addf %add3A_1338, %get3A_1344 : vector<16xf32>
      %get3A_1346 = arith.constant 19 : i32
      %get3A_1347 = arith.index_cast %scan3A_774 : i32 to index
      %get3A_1348 = arith.index_cast %get3A_1346 : i32 to index
      %get3A_1349 = arith.constant 48 : index
      %get3A_1350 = tpu.vector_load %arg6[%get3A_1347, %get3A_1348, %get3A_1349] {strides = array<i32>} : memref<32x20x128xf32, #tpu.memory_space<vmem>>, vector<1x1x16xf32>,
      %get3A_1351 = vector.shape_cast %get3A_1350 : vector<1x1x16xf32> to vector<16xf32>
      %add3A_1352 = arith.addf %add3A_1345, %get3A_1351 : vector<16xf32>
      %mul3A_1353 = arith.constant 5.000000e-02 : f32
      %mul3A_1354 = vector.broadcast %mul3A_1353 : f32 to vector<16xf32>
      %mul3A_1355 = arith.mulf %add3A_1352, %mul3A_1354 : vector<16xf32>
      %swap3A_1356 = arith.index_cast %scan3A_774 : i32 to index
      %swap3A_1357 = arith.constant 48 : index
      %swap3A_1358 = tpu.vector_load %arg7[%swap3A_1356, %swap3A_1357] {strides = array<i32>} : memref<32x64xf32, #tpu.memory_space<vmem>>, vector<1x16xf32>,
      %swap3A_1359 = vector.shape_cast %swap3A_1358 : vector<1x16xf32> to vector<16xf32>
      %swap3A_1360 = vector.shape_cast %mul3A_1355 : vector<16xf32> to vector<1x16xf32>
      tpu.vector_store %arg7[%swap3A_1356, %swap3A_1357], %swap3A_1360 {strides = array<i32>} : memref<32x64xf32, #tpu.memory_space<vmem>>, vector<1x16xf32>,
    }
    %scan3A_773 = arith.constant 32 : i32
    "tpu.region"() ({
      %run_scoped3A = tpu.sem_alloc : memref<!tpu.dma_semaphore, #tpu.memory_space<semaphore_mem>>
      %dma_start3A_774 = arith.constant 0 : i32
      %dma_start3A_775 = tpu.memref_slice %arg4[%mul3A_2, %dma_start3A_774] : memref<1024x64xf32, #tpu.memory_space<hbm>> -> memref<32x64xf32, #tpu.memory_space<hbm>>
      %dma_start3A_776 = arith.constant 0 : i32
      %dma_start3A_777 = tpu.memref_slice %arg4[%mul3A_2, %dma_start3A_776] : memref<1024x64xf32, #tpu.memory_space<hbm>> -> memref<32x64xf32, #tpu.memory_space<hbm>>
      tpu.enqueue_dma source(%arg7 : memref<32x64xf32, #tpu.memory_space<vmem>>) target(%dma_start3A_777 : memref<32x64xf32, #tpu.memory_space<hbm>>) target_semaphore(%run_scoped3A : memref<!tpu.dma_semaphore, #tpu.memory_space<semaphore_mem>>)
      %dma_wait3A_778 = arith.constant 0 : i32
      %dma_wait3A_779 = tpu.memref_slice %arg4[%mul3A_2, %dma_wait3A_778] : memref<1024x64xf32, #tpu.memory_space<hbm>> -> memref<32x64xf32, #tpu.memory_space<hbm>>
      %dma_wait3A_780 = arith.constant 0 : i32
      %dma_wait3A_781 = tpu.memref_slice %arg4[%mul3A_2, %dma_wait3A_780] : memref<1024x64xf32, #tpu.memory_space<hbm>> -> memref<32x64xf32, #tpu.memory_space<hbm>>
      tpu.wait_dma2 semaphore(%run_scoped3A : memref<!tpu.dma_semaphore, #tpu.memory_space<semaphore_mem>>) src(%arg7 : memref<32x64xf32, #tpu.memory_space<vmem>>) dst(%dma_wait3A_781 : memref<32x64xf32, #tpu.memory_space<hbm>>)
      tpu.yield
    }) : () -> ()
    return
  }
}

module attributes {stable_mosaic.version = 14 : i64} {
  func.func @_lse_body(%arg0: i32, %arg1: memref<1024x64xf32, #tpu.memory_space<vmem>>, %arg2: memref<64x4608xf32, #tpu.memory_space<vmem>>, %arg3: memref<1x101376xf32, #tpu.memory_space<vmem>>, %arg4: memref<1024x1xf32, #tpu.memory_space<vmem>>, %arg5: memref<1024x1xf32, #tpu.memory_space<vmem>>) attributes {dimension_semantics = [#tpu.dimension_semantics<arbitrary>], iteration_bounds = array<i64: 22>, scalar_prefetch = 0 : i64, scratch_operands = 1 : i64, tpu.core_type = #tpu.core_type<tc>, window_params = [{pipeline_mode = #tpu.pipeline_mode<synchronous>, transform_indices = @transform_0, window_bounds = array<i64: 1024, 64>}, {transform_indices = @transform_1, window_bounds = array<i64: 64, 4608>}, {pipeline_mode = #tpu.pipeline_mode<synchronous>, transform_indices = @transform_2, window_bounds = array<i64: 1, 101376>}, {pipeline_mode = #tpu.pipeline_mode<synchronous>, transform_indices = @transform_3, window_bounds = array<i64: 1024, 1>}]} {
    %get3A = arith.constant 0 : index
    %get3A_0 = arith.constant 0 : index
    %get3A_1 = vector.load %arg1[%get3A, %get3A_0] : memref<1024x64xf32, #tpu.memory_space<vmem>>, vector<1024x64xf32>
    %mul3A = arith.constant 4608 : i32
    %mul3A_2 = arith.muli %arg0, %mul3A : i32
    %get3A_3 = arith.constant 0 : index
    %get3A_4 = arith.index_cast %mul3A_2 : i32 to index
    %get3A_5 = vector.load %arg3[%get3A_3, %get3A_4] : memref<1x101376xf32, #tpu.memory_space<vmem>>, vector<1x4608xf32>
    %convert_element_type3A = arith.truncf %get3A_5 : vector<1x4608xf32> to vector<1x4608xbf16>
    %broadcast_in_dim3A = arith.constant 1.000000e+00 : bf16
    %broadcast_in_dim3A_6 = vector.broadcast %broadcast_in_dim3A : bf16 to vector<1x4608xbf16>
    %get3A_7 = arith.constant 0 : index
    %get3A_8 = arith.constant 0 : index
    %get3A_9 = vector.load %arg2[%get3A_7, %get3A_8] : memref<64x4608xf32, #tpu.memory_space<vmem>>, vector<64x4608xf32>
    %convert_element_type3A_10 = arith.truncf %get3A_9 : vector<64x4608xf32> to vector<64x4608xbf16>
    %concatenate3A = tpu.concatenate %convert_element_type3A_10, %convert_element_type3A, %broadcast_in_dim3A_6 in 0 : vector<64x4608xbf16>, vector<1x4608xbf16>, vector<1x4608xbf16> -> vector<66x4608xbf16>
    %broadcast_in_dim3A_11 = arith.constant 1.000000e+00 : f32
    %broadcast_in_dim3A_12 = vector.broadcast %broadcast_in_dim3A_11 : f32 to vector<1024x1xf32>
    %broadcast_in_dim3A_13 = arith.constant 0.000000e+00 : f32
    %broadcast_in_dim3A_14 = vector.broadcast %broadcast_in_dim3A_13 : f32 to vector<1024x1xf32>
    %concatenate3A_15 = tpu.concatenate %get3A_1, %broadcast_in_dim3A_12, %broadcast_in_dim3A_14 in 1 : vector<1024x64xf32>, vector<1024x1xf32>, vector<1024x1xf32> -> vector<1024x66xf32>
    %convert_element_type3A_16 = arith.truncf %concatenate3A_15 : vector<1024x66xf32> to vector<1024x66xbf16>
    %slice3A = vector.extract_strided_slice %concatenate3A {offsets = [0, 0], sizes = [66, 768], strides = [1, 1]} : vector<66x4608xbf16> to vector<66x768xbf16>
    %dot_general3A = arith.constant dense<0.000000e+00> : vector<1024x768xf32>
    %dot_general3A_17 = tpu.matmul %convert_element_type3A_16, %slice3A, %dot_general3A {dimension_numbers = #tpu.dot_dimension_numbers<[1], [0], [0], [1], [0, 0, 1, 1], [], []>, transpose_lhs_hint = false} : vector<1024x66xbf16>, vector<66x768xbf16>, vector<1024x768xf32> -> vector<1024x768xf32>
    %iota3A = tpu.iota {dimensions = array<i32: 1>} : vector<1x768xi32>
    %mul3A_18 = arith.constant 4608 : i32
    %mul3A_19 = arith.muli %arg0, %mul3A_18 : i32
    %add3A = arith.constant 0 : i32
    %add3A_20 = arith.addi %mul3A_19, %add3A : i32
    %add3A_21 = vector.broadcast %add3A_20 : i32 to vector<1x768xi32>
    %add3A_22 = arith.addi %iota3A, %add3A_21 : vector<1x768xi32>
    %lt3A = arith.constant 100000 : i32
    %lt3A_23 = vector.broadcast %lt3A : i32 to vector<1x768xi32>
    %lt3A_24 = arith.cmpi slt, %add3A_22, %lt3A_23 : vector<1x768xi32>
    %jit3A = arith.constant -1.000000e+30 : f32
    %broadcast_in_dim3A_25 = vector.shape_cast %lt3A_24 : vector<1x768xi1> to vector<1x768xi1>
    %broadcast_in_dim3A_26 = vector.broadcast %broadcast_in_dim3A_25 : vector<1x768xi1> to vector<1024x768xi1>
    %broadcast_in_dim3A_27 = vector.broadcast %jit3A : f32 to vector<1024x768xf32>
    %select_n3A = arith.select %broadcast_in_dim3A_26, %dot_general3A_17, %broadcast_in_dim3A_27 : vector<1024x768xi1>, vector<1024x768xf32>
    %exp3A = math.exp %select_n3A : vector<1024x768xf32>
    %reduce_sum3A = arith.constant dense<0.000000e+00> : vector<1024xf32>
    %reduce_sum3A_28 = vector.multi_reduction <add>, %exp3A, %reduce_sum3A [1] : vector<1024x768xf32> to vector<1024xf32>
    %broadcast_in_dim3A_29 = vector.shape_cast %reduce_sum3A_28 : vector<1024xf32> to vector<1024x1xf32>
    %slice3A_30 = vector.extract_strided_slice %concatenate3A {offsets = [0, 768], sizes = [66, 768], strides = [1, 1]} : vector<66x4608xbf16> to vector<66x768xbf16>
    %dot_general3A_31 = arith.constant dense<0.000000e+00> : vector<1024x768xf32>
    %dot_general3A_32 = tpu.matmul %convert_element_type3A_16, %slice3A_30, %dot_general3A_31 {dimension_numbers = #tpu.dot_dimension_numbers<[1], [0], [0], [1], [0, 0, 1, 1], [], []>, transpose_lhs_hint = false} : vector<1024x66xbf16>, vector<66x768xbf16>, vector<1024x768xf32> -> vector<1024x768xf32>
    %iota3A_33 = tpu.iota {dimensions = array<i32: 1>} : vector<1x768xi32>
    %mul3A_34 = arith.constant 4608 : i32
    %mul3A_35 = arith.muli %arg0, %mul3A_34 : i32
    %add3A_36 = arith.constant 768 : i32
    %add3A_37 = arith.addi %mul3A_35, %add3A_36 : i32
    %add3A_38 = vector.broadcast %add3A_37 : i32 to vector<1x768xi32>
    %add3A_39 = arith.addi %iota3A_33, %add3A_38 : vector<1x768xi32>
    %lt3A_40 = arith.constant 100000 : i32
    %lt3A_41 = vector.broadcast %lt3A_40 : i32 to vector<1x768xi32>
    %lt3A_42 = arith.cmpi slt, %add3A_39, %lt3A_41 : vector<1x768xi32>
    %jit3A_43 = arith.constant -1.000000e+30 : f32
    %broadcast_in_dim3A_44 = vector.shape_cast %lt3A_42 : vector<1x768xi1> to vector<1x768xi1>
    %broadcast_in_dim3A_45 = vector.broadcast %broadcast_in_dim3A_44 : vector<1x768xi1> to vector<1024x768xi1>
    %broadcast_in_dim3A_46 = vector.broadcast %jit3A_43 : f32 to vector<1024x768xf32>
    %select_n3A_47 = arith.select %broadcast_in_dim3A_45, %dot_general3A_32, %broadcast_in_dim3A_46 : vector<1024x768xi1>, vector<1024x768xf32>
    %exp3A_48 = math.exp %select_n3A_47 : vector<1024x768xf32>
    %reduce_sum3A_49 = arith.constant dense<0.000000e+00> : vector<1024xf32>
    %reduce_sum3A_50 = vector.multi_reduction <add>, %exp3A_48, %reduce_sum3A_49 [1] : vector<1024x768xf32> to vector<1024xf32>
    %broadcast_in_dim3A_51 = vector.shape_cast %reduce_sum3A_50 : vector<1024xf32> to vector<1024x1xf32>
    %add3A_52 = arith.addf %broadcast_in_dim3A_29, %broadcast_in_dim3A_51 : vector<1024x1xf32>
    %slice3A_53 = vector.extract_strided_slice %concatenate3A {offsets = [0, 1536], sizes = [66, 768], strides = [1, 1]} : vector<66x4608xbf16> to vector<66x768xbf16>
    %dot_general3A_54 = arith.constant dense<0.000000e+00> : vector<1024x768xf32>
    %dot_general3A_55 = tpu.matmul %convert_element_type3A_16, %slice3A_53, %dot_general3A_54 {dimension_numbers = #tpu.dot_dimension_numbers<[1], [0], [0], [1], [0, 0, 1, 1], [], []>, transpose_lhs_hint = false} : vector<1024x66xbf16>, vector<66x768xbf16>, vector<1024x768xf32> -> vector<1024x768xf32>
    %iota3A_56 = tpu.iota {dimensions = array<i32: 1>} : vector<1x768xi32>
    %mul3A_57 = arith.constant 4608 : i32
    %mul3A_58 = arith.muli %arg0, %mul3A_57 : i32
    %add3A_59 = arith.constant 1536 : i32
    %add3A_60 = arith.addi %mul3A_58, %add3A_59 : i32
    %add3A_61 = vector.broadcast %add3A_60 : i32 to vector<1x768xi32>
    %add3A_62 = arith.addi %iota3A_56, %add3A_61 : vector<1x768xi32>
    %lt3A_63 = arith.constant 100000 : i32
    %lt3A_64 = vector.broadcast %lt3A_63 : i32 to vector<1x768xi32>
    %lt3A_65 = arith.cmpi slt, %add3A_62, %lt3A_64 : vector<1x768xi32>
    %jit3A_66 = arith.constant -1.000000e+30 : f32
    %broadcast_in_dim3A_67 = vector.shape_cast %lt3A_65 : vector<1x768xi1> to vector<1x768xi1>
    %broadcast_in_dim3A_68 = vector.broadcast %broadcast_in_dim3A_67 : vector<1x768xi1> to vector<1024x768xi1>
    %broadcast_in_dim3A_69 = vector.broadcast %jit3A_66 : f32 to vector<1024x768xf32>
    %select_n3A_70 = arith.select %broadcast_in_dim3A_68, %dot_general3A_55, %broadcast_in_dim3A_69 : vector<1024x768xi1>, vector<1024x768xf32>
    %exp3A_71 = math.exp %select_n3A_70 : vector<1024x768xf32>
    %reduce_sum3A_72 = arith.constant dense<0.000000e+00> : vector<1024xf32>
    %reduce_sum3A_73 = vector.multi_reduction <add>, %exp3A_71, %reduce_sum3A_72 [1] : vector<1024x768xf32> to vector<1024xf32>
    %broadcast_in_dim3A_74 = vector.shape_cast %reduce_sum3A_73 : vector<1024xf32> to vector<1024x1xf32>
    %add3A_75 = arith.addf %add3A_52, %broadcast_in_dim3A_74 : vector<1024x1xf32>
    %slice3A_76 = vector.extract_strided_slice %concatenate3A {offsets = [0, 2304], sizes = [66, 768], strides = [1, 1]} : vector<66x4608xbf16> to vector<66x768xbf16>
    %dot_general3A_77 = arith.constant dense<0.000000e+00> : vector<1024x768xf32>
    %dot_general3A_78 = tpu.matmul %convert_element_type3A_16, %slice3A_76, %dot_general3A_77 {dimension_numbers = #tpu.dot_dimension_numbers<[1], [0], [0], [1], [0, 0, 1, 1], [], []>, transpose_lhs_hint = false} : vector<1024x66xbf16>, vector<66x768xbf16>, vector<1024x768xf32> -> vector<1024x768xf32>
    %iota3A_79 = tpu.iota {dimensions = array<i32: 1>} : vector<1x768xi32>
    %mul3A_80 = arith.constant 4608 : i32
    %mul3A_81 = arith.muli %arg0, %mul3A_80 : i32
    %add3A_82 = arith.constant 2304 : i32
    %add3A_83 = arith.addi %mul3A_81, %add3A_82 : i32
    %add3A_84 = vector.broadcast %add3A_83 : i32 to vector<1x768xi32>
    %add3A_85 = arith.addi %iota3A_79, %add3A_84 : vector<1x768xi32>
    %lt3A_86 = arith.constant 100000 : i32
    %lt3A_87 = vector.broadcast %lt3A_86 : i32 to vector<1x768xi32>
    %lt3A_88 = arith.cmpi slt, %add3A_85, %lt3A_87 : vector<1x768xi32>
    %jit3A_89 = arith.constant -1.000000e+30 : f32
    %broadcast_in_dim3A_90 = vector.shape_cast %lt3A_88 : vector<1x768xi1> to vector<1x768xi1>
    %broadcast_in_dim3A_91 = vector.broadcast %broadcast_in_dim3A_90 : vector<1x768xi1> to vector<1024x768xi1>
    %broadcast_in_dim3A_92 = vector.broadcast %jit3A_89 : f32 to vector<1024x768xf32>
    %select_n3A_93 = arith.select %broadcast_in_dim3A_91, %dot_general3A_78, %broadcast_in_dim3A_92 : vector<1024x768xi1>, vector<1024x768xf32>
    %exp3A_94 = math.exp %select_n3A_93 : vector<1024x768xf32>
    %reduce_sum3A_95 = arith.constant dense<0.000000e+00> : vector<1024xf32>
    %reduce_sum3A_96 = vector.multi_reduction <add>, %exp3A_94, %reduce_sum3A_95 [1] : vector<1024x768xf32> to vector<1024xf32>
    %broadcast_in_dim3A_97 = vector.shape_cast %reduce_sum3A_96 : vector<1024xf32> to vector<1024x1xf32>
    %add3A_98 = arith.addf %add3A_75, %broadcast_in_dim3A_97 : vector<1024x1xf32>
    %slice3A_99 = vector.extract_strided_slice %concatenate3A {offsets = [0, 3072], sizes = [66, 768], strides = [1, 1]} : vector<66x4608xbf16> to vector<66x768xbf16>
    %dot_general3A_100 = arith.constant dense<0.000000e+00> : vector<1024x768xf32>
    %dot_general3A_101 = tpu.matmul %convert_element_type3A_16, %slice3A_99, %dot_general3A_100 {dimension_numbers = #tpu.dot_dimension_numbers<[1], [0], [0], [1], [0, 0, 1, 1], [], []>, transpose_lhs_hint = false} : vector<1024x66xbf16>, vector<66x768xbf16>, vector<1024x768xf32> -> vector<1024x768xf32>
    %iota3A_102 = tpu.iota {dimensions = array<i32: 1>} : vector<1x768xi32>
    %mul3A_103 = arith.constant 4608 : i32
    %mul3A_104 = arith.muli %arg0, %mul3A_103 : i32
    %add3A_105 = arith.constant 3072 : i32
    %add3A_106 = arith.addi %mul3A_104, %add3A_105 : i32
    %add3A_107 = vector.broadcast %add3A_106 : i32 to vector<1x768xi32>
    %add3A_108 = arith.addi %iota3A_102, %add3A_107 : vector<1x768xi32>
    %lt3A_109 = arith.constant 100000 : i32
    %lt3A_110 = vector.broadcast %lt3A_109 : i32 to vector<1x768xi32>
    %lt3A_111 = arith.cmpi slt, %add3A_108, %lt3A_110 : vector<1x768xi32>
    %jit3A_112 = arith.constant -1.000000e+30 : f32
    %broadcast_in_dim3A_113 = vector.shape_cast %lt3A_111 : vector<1x768xi1> to vector<1x768xi1>
    %broadcast_in_dim3A_114 = vector.broadcast %broadcast_in_dim3A_113 : vector<1x768xi1> to vector<1024x768xi1>
    %broadcast_in_dim3A_115 = vector.broadcast %jit3A_112 : f32 to vector<1024x768xf32>
    %select_n3A_116 = arith.select %broadcast_in_dim3A_114, %dot_general3A_101, %broadcast_in_dim3A_115 : vector<1024x768xi1>, vector<1024x768xf32>
    %exp3A_117 = math.exp %select_n3A_116 : vector<1024x768xf32>
    %reduce_sum3A_118 = arith.constant dense<0.000000e+00> : vector<1024xf32>
    %reduce_sum3A_119 = vector.multi_reduction <add>, %exp3A_117, %reduce_sum3A_118 [1] : vector<1024x768xf32> to vector<1024xf32>
    %broadcast_in_dim3A_120 = vector.shape_cast %reduce_sum3A_119 : vector<1024xf32> to vector<1024x1xf32>
    %add3A_121 = arith.addf %add3A_98, %broadcast_in_dim3A_120 : vector<1024x1xf32>
    %slice3A_122 = vector.extract_strided_slice %concatenate3A {offsets = [0, 3840], sizes = [66, 768], strides = [1, 1]} : vector<66x4608xbf16> to vector<66x768xbf16>
    %dot_general3A_123 = arith.constant dense<0.000000e+00> : vector<1024x768xf32>
    %dot_general3A_124 = tpu.matmul %convert_element_type3A_16, %slice3A_122, %dot_general3A_123 {dimension_numbers = #tpu.dot_dimension_numbers<[1], [0], [0], [1], [0, 0, 1, 1], [], []>, transpose_lhs_hint = false} : vector<1024x66xbf16>, vector<66x768xbf16>, vector<1024x768xf32> -> vector<1024x768xf32>
    %iota3A_125 = tpu.iota {dimensions = array<i32: 1>} : vector<1x768xi32>
    %mul3A_126 = arith.constant 4608 : i32
    %mul3A_127 = arith.muli %arg0, %mul3A_126 : i32
    %add3A_128 = arith.constant 3840 : i32
    %add3A_129 = arith.addi %mul3A_127, %add3A_128 : i32
    %add3A_130 = vector.broadcast %add3A_129 : i32 to vector<1x768xi32>
    %add3A_131 = arith.addi %iota3A_125, %add3A_130 : vector<1x768xi32>
    %lt3A_132 = arith.constant 100000 : i32
    %lt3A_133 = vector.broadcast %lt3A_132 : i32 to vector<1x768xi32>
    %lt3A_134 = arith.cmpi slt, %add3A_131, %lt3A_133 : vector<1x768xi32>
    %jit3A_135 = arith.constant -1.000000e+30 : f32
    %broadcast_in_dim3A_136 = vector.shape_cast %lt3A_134 : vector<1x768xi1> to vector<1x768xi1>
    %broadcast_in_dim3A_137 = vector.broadcast %broadcast_in_dim3A_136 : vector<1x768xi1> to vector<1024x768xi1>
    %broadcast_in_dim3A_138 = vector.broadcast %jit3A_135 : f32 to vector<1024x768xf32>
    %select_n3A_139 = arith.select %broadcast_in_dim3A_137, %dot_general3A_124, %broadcast_in_dim3A_138 : vector<1024x768xi1>, vector<1024x768xf32>
    %exp3A_140 = math.exp %select_n3A_139 : vector<1024x768xf32>
    %reduce_sum3A_141 = arith.constant dense<0.000000e+00> : vector<1024xf32>
    %reduce_sum3A_142 = vector.multi_reduction <add>, %exp3A_140, %reduce_sum3A_141 [1] : vector<1024x768xf32> to vector<1024xf32>
    %broadcast_in_dim3A_143 = vector.shape_cast %reduce_sum3A_142 : vector<1024xf32> to vector<1024x1xf32>
    %add3A_144 = arith.addf %add3A_121, %broadcast_in_dim3A_143 : vector<1024x1xf32>
    %eq3A = arith.constant 0 : i32
    %eq3A_145 = arith.cmpi eq, %arg0, %eq3A : i32
    %broadcast_in_dim3A_146 = arith.constant 0.000000e+00 : f32
    %broadcast_in_dim3A_147 = vector.broadcast %broadcast_in_dim3A_146 : f32 to vector<1024x1xf32>
    %get3A_148 = arith.constant 0 : index
    %get3A_149 = arith.constant 0 : index
    %get3A_150 = vector.load %arg5[%get3A_148, %get3A_149] : memref<1024x1xf32, #tpu.memory_space<vmem>>, vector<1024x1xf32>
    %select_n3A_151 = arith.select %eq3A_145, %broadcast_in_dim3A_147, %get3A_150 : vector<1024x1xf32>
    %add3A_152 = arith.addf %select_n3A_151, %add3A_144 : vector<1024x1xf32>
    %swap3A = arith.constant 0 : index
    %swap3A_153 = arith.constant 0 : index
    %swap3A_154 = vector.load %arg5[%swap3A, %swap3A_153] : memref<1024x1xf32, #tpu.memory_space<vmem>>, vector<1024x1xf32>
    tpu.vector_store %arg5[%swap3A, %swap3A_153], %add3A_152 {strides = array<i32>} : memref<1024x1xf32, #tpu.memory_space<vmem>>, vector<1024x1xf32>,
    %eq3A_155 = arith.constant 21 : i32
    %eq3A_156 = arith.cmpi eq, %arg0, %eq3A_155 : i32
    %convert_element_type3A_157 = arith.extui %eq3A_156 : i1 to i32
    %cond3A = arith.constant 0 : i32
    %cond3A_158 = arith.cmpi ne, %convert_element_type3A_157, %cond3A : i32
    scf.if %cond3A_158 {
      %log3A = math.log %add3A_152 : vector<1024x1xf32>
      %swap3A_159 = arith.constant 0 : index
      %swap3A_160 = arith.constant 0 : index
      %swap3A_161 = vector.load %arg4[%swap3A_159, %swap3A_160] : memref<1024x1xf32, #tpu.memory_space<vmem>>, vector<1024x1xf32>
      tpu.vector_store %arg4[%swap3A_159, %swap3A_160], %log3A {strides = array<i32>} : memref<1024x1xf32, #tpu.memory_space<vmem>>, vector<1024x1xf32>,
    } else {
    }
    return
  }
  func.func @transform_0(%arg0: i32) -> (i32, i32) {
    %c0_i32 = arith.constant 0 : i32
    %c0_i32_0 = arith.constant 0 : i32
    %c0_i32_1 = arith.constant 0 : i32
    return %c0_i32, %c0_i32_0 : i32, i32
  }
  func.func @transform_1(%arg0: i32) -> (i32, i32) {
    %c0_i32 = arith.constant 0 : i32
    %c0_i32_0 = arith.constant 0 : i32
    return %c0_i32, %arg0 : i32, i32
  }
  func.func @transform_2(%arg0: i32) -> (i32, i32) {
    %c0_i32 = arith.constant 0 : i32
    %c0_i32_0 = arith.constant 0 : i32
    %c0_i32_1 = arith.constant 0 : i32
    return %c0_i32, %c0_i32_0 : i32, i32
  }
  func.func @transform_3(%arg0: i32) -> (i32, i32) {
    %c0_i32 = arith.constant 0 : i32
    %c0_i32_0 = arith.constant 0 : i32
    %c0_i32_1 = arith.constant 0 : i32
    return %c0_i32, %c0_i32_0 : i32, i32
  }
}

module attributes {stable_mosaic.version = 14 : i64} {
  func.func @_prep_body(%arg0: i32, %arg1: memref<64x8192xf32, #tpu.memory_space<vmem>>, %arg2: memref<8192x128xf32, #tpu.memory_space<vmem>>) attributes {dimension_semantics = [#tpu.dimension_semantics<arbitrary>], iteration_bounds = array<i64: 13>, scalar_prefetch = 0 : i64, scratch_operands = 0 : i64, tpu.core_type = #tpu.core_type<tc>, window_params = [{transform_indices = @transform_0, window_bounds = array<i64: 64, 8192>}, {transform_indices = @transform_1, window_bounds = array<i64: 8192, 128>}]} {
    %get3A = arith.constant 0 : index
    %get3A_0 = arith.constant 0 : index
    %get3A_1 = vector.load %arg1[%get3A, %get3A_0] : memref<64x8192xf32, #tpu.memory_space<vmem>>, vector<64x8192xf32>
    %transpose3A = tpu.transpose %get3A_1, [1, 0] : vector<64x8192xf32> -> vector<8192x64xf32>
    %swap3A = arith.constant 0 : index
    %swap3A_2 = arith.constant 0 : index
    %swap3A_3 = vector.load %arg2[%swap3A, %swap3A_2] : memref<8192x128xf32, #tpu.memory_space<vmem>>, vector<8192x64xf32>
    tpu.vector_store %arg2[%swap3A, %swap3A_2], %transpose3A {strides = array<i32>} : memref<8192x128xf32, #tpu.memory_space<vmem>>, vector<8192x64xf32>,
    return
  }
  func.func @transform_0(%arg0: i32) -> (i32, i32) {
    %c0_i32 = arith.constant 0 : i32
    %c0_i32_0 = arith.constant 0 : i32
    return %c0_i32, %arg0 : i32, i32
  }
  func.func @transform_1(%arg0: i32) -> (i32, i32) {
    %c0_i32 = arith.constant 0 : i32
    %c0_i32_0 = arith.constant 0 : i32
    return %arg0, %c0_i32 : i32, i32
  }
}

module attributes {stable_mosaic.version = 14 : i64} {
  func.func @_out_body(%arg0: i32, %arg1: memref<1024x64xf32, #tpu.memory_space<vmem>>, %arg2: memref<64x1152xf32, #tpu.memory_space<vmem>>, %arg3: memref<1x101376xf32, #tpu.memory_space<vmem>>, %arg4: memref<1024x1xf32, #tpu.memory_space<vmem>>, %arg5: memref<1152x1024xf32, #tpu.memory_space<vmem>>) attributes {dimension_semantics = [#tpu.dimension_semantics<arbitrary>], iteration_bounds = array<i64: 87>, scalar_prefetch = 0 : i64, scratch_operands = 0 : i64, tpu.core_type = #tpu.core_type<tc>, window_params = [{pipeline_mode = #tpu.pipeline_mode<synchronous>, transform_indices = @transform_0, window_bounds = array<i64: 1024, 64>}, {transform_indices = @transform_1, window_bounds = array<i64: 64, 1152>}, {pipeline_mode = #tpu.pipeline_mode<synchronous>, transform_indices = @transform_2, window_bounds = array<i64: 1, 101376>}, {pipeline_mode = #tpu.pipeline_mode<synchronous>, transform_indices = @transform_3, window_bounds = array<i64: 1024, 1>}, {transform_indices = @transform_4, window_bounds = array<i64: 1152, 1024>}]} {
    %get3A = arith.constant 0 : index
    %get3A_0 = arith.constant 0 : index
    %get3A_1 = vector.load %arg1[%get3A, %get3A_0] : memref<1024x64xf32, #tpu.memory_space<vmem>>, vector<1024x64xf32>
    %mul3A = arith.constant 1152 : i32
    %mul3A_2 = arith.muli %arg0, %mul3A : i32
    %get3A_3 = arith.constant 0 : index
    %get3A_4 = arith.index_cast %mul3A_2 : i32 to index
    %get3A_5 = vector.load %arg3[%get3A_3, %get3A_4] : memref<1x101376xf32, #tpu.memory_space<vmem>>, vector<1x1152xf32>
    %convert_element_type3A = arith.truncf %get3A_5 : vector<1x1152xf32> to vector<1x1152xbf16>
    %broadcast_in_dim3A = arith.constant 1.000000e+00 : bf16
    %broadcast_in_dim3A_6 = vector.broadcast %broadcast_in_dim3A : bf16 to vector<1x1152xbf16>
    %get3A_7 = arith.constant 0 : index
    %get3A_8 = arith.constant 0 : index
    %get3A_9 = vector.load %arg2[%get3A_7, %get3A_8] : memref<64x1152xf32, #tpu.memory_space<vmem>>, vector<64x1152xf32>
    %convert_element_type3A_10 = arith.truncf %get3A_9 : vector<64x1152xf32> to vector<64x1152xbf16>
    %concatenate3A = tpu.concatenate %convert_element_type3A_10, %convert_element_type3A, %broadcast_in_dim3A_6 in 0 : vector<64x1152xbf16>, vector<1x1152xbf16>, vector<1x1152xbf16> -> vector<66x1152xbf16>
    %broadcast_in_dim3A_11 = arith.constant 1.000000e+00 : f32
    %broadcast_in_dim3A_12 = vector.broadcast %broadcast_in_dim3A_11 : f32 to vector<1024x1xf32>
    %get3A_13 = arith.constant 0 : index
    %get3A_14 = arith.constant 0 : index
    %get3A_15 = vector.load %arg4[%get3A_13, %get3A_14] : memref<1024x1xf32, #tpu.memory_space<vmem>>, vector<1024x1xf32>
    %neg3A = arith.constant 0.000000e+00 : f32
    %neg3A_16 = vector.broadcast %neg3A : f32 to vector<1024x1xf32>
    %neg3A_17 = arith.subf %neg3A_16, %get3A_15 : vector<1024x1xf32>
    %concatenate3A_18 = tpu.concatenate %get3A_1, %broadcast_in_dim3A_12, %neg3A_17 in 1 : vector<1024x64xf32>, vector<1024x1xf32>, vector<1024x1xf32> -> vector<1024x66xf32>
    %convert_element_type3A_19 = arith.truncf %concatenate3A_18 : vector<1024x66xf32> to vector<1024x66xbf16>
    %dot_general3A = arith.constant dense<0.000000e+00> : vector<1152x1024xf32>
    %dot_general3A_20 = tpu.matmul %concatenate3A, %convert_element_type3A_19, %dot_general3A {dimension_numbers = #tpu.dot_dimension_numbers<[0], [1], [1], [0], [0, 1, 1, 0], [], []>, transpose_lhs_hint = false} : vector<66x1152xbf16>, vector<1024x66xbf16>, vector<1152x1024xf32> -> vector<1152x1024xf32>
    %swap3A = arith.constant 0 : index
    %swap3A_21 = arith.constant 0 : index
    %swap3A_22 = vector.load %arg5[%swap3A, %swap3A_21] : memref<1152x1024xf32, #tpu.memory_space<vmem>>, vector<1152x1024xf32>
    tpu.vector_store %arg5[%swap3A, %swap3A_21], %dot_general3A_20 {strides = array<i32>} : memref<1152x1024xf32, #tpu.memory_space<vmem>>, vector<1152x1024xf32>,
    return
  }
  func.func @transform_0(%arg0: i32) -> (i32, i32) {
    %c0_i32 = arith.constant 0 : i32
    %c0_i32_0 = arith.constant 0 : i32
    %c0_i32_1 = arith.constant 0 : i32
    return %c0_i32, %c0_i32_0 : i32, i32
  }
  func.func @transform_1(%arg0: i32) -> (i32, i32) {
    %c0_i32 = arith.constant 0 : i32
    %c0_i32_0 = arith.constant 0 : i32
    return %c0_i32, %arg0 : i32, i32
  }
  func.func @transform_2(%arg0: i32) -> (i32, i32) {
    %c0_i32 = arith.constant 0 : i32
    %c0_i32_0 = arith.constant 0 : i32
    %c0_i32_1 = arith.constant 0 : i32
    return %c0_i32, %c0_i32_0 : i32, i32
  }
  func.func @transform_3(%arg0: i32) -> (i32, i32) {
    %c0_i32 = arith.constant 0 : i32
    %c0_i32_0 = arith.constant 0 : i32
    %c0_i32_1 = arith.constant 0 : i32
    return %c0_i32, %c0_i32_0 : i32, i32
  }
  func.func @transform_4(%arg0: i32) -> (i32, i32) {
    %c0_i32 = arith.constant 0 : i32
    %c0_i32_0 = arith.constant 0 : i32
    return %arg0, %c0_i32 : i32, i32
  }
}

</mosaic_0001>

<sc_bundles>
// kernel: kernel.6.cloned.1.call-start
scs
__scs_entry_jumppad:
0x0: {  	(pc) =	sbr.rel $0x88, $3  }
0x1: {  	(tag) =	ssettag $0x0;
	lr =	simm.s32 $0x1  }
0x2: {  	[smem:$0x3F9D] =	sst lr;
	_ =	strace $0xD0000000  }
0x3: {  	_ = 	snop  }
0x4: {  	_ = 	snop  }
0x5: {  	_ = 	snop  }
0x6: {  	_ = 	snop  }
0x7: {  	_ = 	snop  }
__scs_overlays_trampoline_lowered:
0x8: {  	[smem:$0x3FAC] =	sst s0  }
0x9: {  	[smem:$0x3FAD] =	sst s1  }
0xa: {  	[smem:$0x3FAE] =	sst s2  }
0xb: {  	[smem:$0x3FAF] =	sst s3  }
0xc: {  	[smem:$0x3FB0] =	sst s4  }
0xd: {  	[smem:$0x3FB1] =	sst s5  }
0xe: {  	[smem:$0x3FB2] =	sst s6  }
0xf: {  	[smem:$0x3FB3] =	sst s7  }
0x10: {  	[smem:$0x3FB4] =	sst s8  }
0x11: {  	[smem:$0x3FB5] =	sst s9;
	s0 =	simm.s32 @!p0 $0x0  }
0x12: {  	s1 =	sld [smem:$0x3F9B];
	s0 =	simm.s32 @p0 $0x1  }
0x13: {  	[smem:$0x3FB6] =	sst s0;
	s0 =	simm.s32 @!p1 $0x0  }
0x14: {  	s2 =	sld [smem:$0x3F9A];
	s0 =	simm.s32 @p1 $0x1  }
0x15: {  	[smem:$0x3FB7] =	sst s0;
	s0 =	simm.s32 @!p2 $0x0  }
0x16: {  	s3 =	sld [smem:$0x3FDB];
	s0 =	simm.s32 @p2 $0x1  }
0x17: {  	s4 =	simm.s32 $0x1BF5;
	[smem:$0x3FB9] =	sst s0  }
0x18: {  	s0 =	sld [smem:$0x3F9C];
	_ =	swait.ge [sflag:s4], $0x0  }
0x19: {  	s7 =	sld [smem:$0x3F9D]  }
0x1a: {  	s8 =	sadd.s32 $0xFFFFE003, lr  }
0x1b: {  	s9 =	sadd.s32 $0xFFFFFEF7, lr;
	s5 =	simm.s32 $0xFFFFFFFF;
	p2 =	slt.u32 s8, $0xFFFFF086  }
0x1c: {  	p1 =	slt.u32 s9, $0xF7A;
	s5 =	simm.s32 @!p2 $0x0  }
0x1d: {  	s5 =	simm.s32 @p1 $0x1;
	p0 =	seq.s32 s7, s2  }
0x1e: {  	s7 =	smul.u32 @!p0 $0xF7A, s2;
	p2 =	seq.s32 @!p0 s5, $0x0  }
0x1f: {  	s9 =	smul.u32 $0xF7A, s1;
	s8 =	simm.s32 @!p0 $0x1BF5;
	p2 =	por !p2, p0  }
0x20: {  	[sflag:s8] =	ssyncset.s32 @!p0 $0xFFFFF086;
	s6 =	sadd.s32 @!p0 s3, s7;
	s7 =	simm.s32 @!p0 $0x108  }
0x21: {  	s3 =	sadd.s32 s3, s9;
	s6 =	sadd.s32 @!p0 $0x88, s6;
	s7 =	simm.s32 @p2 $0x1082  }
0x22: {  	[simem:s7], [sflag:s8] =	dma.local @!p0 [hbm:s6], $0xF7A  }
0x23: {  	s9 =	sor.u32 $0xD0000000, s2;
	s6 =	simm.s32 $0x108;
	_ =	swait.ge @!p0 [sflag:s8], $0x0  }
0x24: {  	s3 =	sadd.s32 $0x88, s3;
	s6 =	simm.s32 @!p1 $0x1082;
	[sflag:s4] =	ssyncset.s32 $0xFFFFF086  }
0x25: {  	[simem:s6], [sflag:s4] =	dma.local [hbm:s3], $0xF7A  }
0x26: {  	[smem:$0x3F9D] =	sst s1;
	(tag) =	ssettag s2;
	_ =	strace s9  }
0x27: {  	s1 =	sld [smem:$0x3FAD]  }
0x28: {  	s2 =	sld [smem:$0x3FAE]  }
0x29: {  	s4 =	sld [smem:$0x3FB0]  }
0x2a: {  	p0 =	seq.s32 s5, $0x0;
	s5 =	sld [smem:$0x3FB1]  }
0x2b: {  	s6 =	sld [smem:$0x3FB2]  }
0x2c: {  	s7 =	sld [smem:$0x3FB3]  }
0x2d: {  	s3 =	simm.s32 $0x108;
	s8 =	sld [smem:$0x3FB4]  }
0x2e: {  	s3 =	simm.s32 @!p0 $0x1082;
	s9 =	sld [smem:$0x3FB5]  }
0x2f: {  	lr =	sadd.s32 s0, s3;
	s0 =	sld [smem:$0x3FAC]  }
0x30: {  	s3 =	sld [smem:$0x3FAF]  }
0x31: {  	[smem:$0x3FB8] =	sst s10  }
0x32: {  	s10 =	sld [smem:$0x3FB6];
	_ =	sdelay $0x3  }
0x33: {  	p0 =	seq.s32 s10, $0x1;
	s10 =	sld [smem:$0x3FB8];
	_ =	sdelay $0x3  }
0x34: {  	[smem:$0x3FB8] =	sst s10  }
0x35: {  	s10 =	sld [smem:$0x3FB7];
	_ =	sdelay $0x3  }
0x36: {  	p1 =	seq.s32 s10, $0x1;
	s10 =	sld [smem:$0x3FB8];
	_ =	sdelay $0x3  }
0x37: {  	[smem:$0x3FB8] =	sst s10  }
0x38: {  	s10 =	sld [smem:$0x3FB9]  }
0x39: {  	_ = 	snop;
	(pc) =	sbr.ind lr, $3  }
0x3a: {  	_ = 	snop  }
0x3b: {  	_ = 	snop  }
0x3c: {  	p2 =	seq.s32 s10, $0x1;
	s10 =	sld [smem:$0x3FB8]  }
0x3d: {  	_ =	shalt  }
0x3e: {  	_ =	shalt  }
0x3f: {  	_ =	shalt  }
0x40: {  	_ =	shalt  }
0x41: {  	_ =	shalt  }
0x42: {  	_ =	shalt  }
0x43: {  	_ =	shalt  }
0x44: {  	_ =	shalt  }
0x45: {  	_ =	shalt  }
0x46: {  	_ =	shalt  }
0x47: {  	_ =	shalt  }
0x48: {  	_ =	shalt  }
0x49: {  	_ =	shalt  }
0x4a: {  	_ =	shalt  }
0x4b: {  	_ =	shalt  }
0x4c: {  	_ =	shalt  }
0x4d: {  	_ =	shalt  }
0x4e: {  	_ =	shalt  }
0x4f: {  	_ =	shalt  }
0x50: {  	_ =	shalt  }
0x51: {  	_ =	shalt  }
0x52: {  	_ =	shalt  }
0x53: {  	_ =	shalt  }
0x54: {  	_ =	shalt  }
0x55: {  	_ =	shalt  }
0x56: {  	_ =	shalt  }
0x57: {  	_ =	shalt  }
0x58: {  	_ =	shalt  }
0x59: {  	_ =	shalt  }
0x5a: {  	_ =	shalt  }
0x5b: {  	_ =	shalt  }
0x5c: {  	_ =	shalt  }
0x5d: {  	_ =	shalt  }
0x5e: {  	_ =	shalt  }
0x5f: {  	_ =	shalt  }
0x60: {  	_ =	shalt  }
0x61: {  	_ =	shalt  }
0x62: {  	_ =	shalt  }
0x63: {  	_ =	shalt  }
0x64: {  	_ =	shalt  }
0x65: {  	_ =	shalt  }
0x66: {  	_ =	shalt  }
0x67: {  	_ =	shalt  }
0x68: {  	_ =	shalt  }
0x69: {  	_ =	shalt  }
0x6a: {  	_ =	shalt  }
0x6b: {  	_ =	shalt  }
0x6c: {  	_ =	shalt  }
0x6d: {  	_ =	shalt  }
0x6e: {  	_ =	shalt  }
0x6f: {  	_ =	shalt  }
0x70: {  	_ =	shalt  }
0x71: {  	_ =	shalt  }
0x72: {  	_ =	shalt  }
0x73: {  	_ =	shalt  }
0x74: {  	_ =	shalt  }
0x75: {  	_ =	shalt  }
0x76: {  	_ =	shalt  }
0x77: {  	_ =	shalt  }
0x78: {  	_ =	shalt  }
0x79: {  	_ =	shalt  }
0x7a: {  	_ =	shalt  }
0x7b: {  	_ =	shalt  }
0x7c: {  	_ =	shalt  }
0x7d: {  	_ =	shalt  }
0x7e: {  	_ =	shalt  }
0x7f: {  	_ =	shalt  }
0x80: {  	_ =	shalt  }
0x81: {  	_ =	shalt  }
0x82: {  	_ =	shalt  }
0x83: {  	_ =	shalt  }
0x84: {  	_ =	shalt  }
0x85: {  	_ =	shalt  }
0x86: {  	_ =	shalt  }
0x87: {  	_ =	shalt  }
.Lfunc_end0:
.L_simem_size_0:
called_computation_lowered:
.L_overlay_start_0:
0x88: {  	s2 =	sld [smem:$0x3FD9]  }
0x89: {  	s3 =	sld [smem:$0x3FFE];
	_ =	sdelay $0x1  }
0x8a: {  	s1 =	srdreg.scid  }
0x8b: {  	s0 =	sand.u32 $0x1, s1  }
0x8c: {  	s17 =	sshll.u32 s0, $0xA;
	s2 =	sadd.s32 s3, s2  }
0x8d: {  	s2 =	sadd.s32 s2, s17  }
0x8e: {  	[smem:$0x3FC4] =	sst s2  }
0x8f: {  	_ = 	snop  }
0x90: {  	s2 =	sld [smem:$0x3FD0];
	(tm) =	ssettm $0x1  }
0x91: {  	s18 =	sld [smem:$0x3FFB];
	_ =	sdelay $0x3  }
0x92: {  	_ =	strace s18  }
0x93: {  	s3 =	sld [smem:$0x3FFC];
	_ =	sdelay $0x3  }
0x94: {  	_ =	strace s3  }
0x95: {  	s3 =	sld [smem:$0x3FFD];
	_ =	sdelay $0x3  }
0x96: {  	_ =	strace s3  }
0x97: {  	_ =	strace $0x8FFFFFFF  }
0x98: {  	s19 =	sld [smem:$0x3FDB];
	_ =	sdelay $0x1  }
0x99: {  	s4 =	simm.s32 $_scs_section_size  }
0x9a: {  	s5 =	simm.s32 $_size__tile_overlayer_lowered;
	s6 =	simm.s32 $_tile_overlayer_lowered  }
0x9b: {  	s22 =	simm.s32 $0x1BFF;
	s21 =	sshll.u32 s6, $0x1;
	s3 =	sadd.s32 s4, s19  }
0x9c: {  	s7 =	simm.s32 $0x0;
	s20 =	sshll.u32 s5, $0x1;
	s5 =	sadd.s32 s21, s3  }
0x9d: {  	[timem:s7], [sflag:s22] =	dma.local [hbm:s5], s20  }
0x9e: {  	_ =	swait.ge [sflag:s22], s20  }
0x9f: {  	s4 =	ssub.s32 $0x0, s20;
	[sflag:s22] =	ssyncset.done $0x0  }
0xa0: {  	[sflag:s22] =	ssyncadd.s32 s4;
	_ =	sdelay $0x1  }
0xa1: {  	s23 =	simm.s32 $0x1B8B  }
0xa2: {  	_ =	swait.ge [sflag:s23], $0x1  }
0xa3: {  	[sflag:s23] =	ssyncset.done $0x0  }
0xa4: {  	s25 =	simm.s32 $0x1B8E;
	s24 =	sld [smem:$0x3FFE];
	[sflag:s23] =	ssyncadd.s32 $0xFFFFFFFF  }
0xa5: {  	s26 =	simm.s32 $execute0_lowered;
	[smem:$0x3FD2] =	sst s25  }
0xa6: {  	s5 =	sshll.u32 s26, $0x1;
	_ =	strace $0x80000046;
	[dreg:$0x1] =	wrdreg $0xFFFFFFFF  }
0xa7: {  	s28 =	simm.s32 $_size_execute0_lowered;
	s3 =	sadd.s32 s3, s5;
	[dreg:$0x0] =	wrdreg $0x0  }
0xa8: {  	s5 =	sshll.u32 s28, $0x1;
	[dreg:$0x2] =	wrdreg s3  }
0xa9: {  	[dreg:$0x3] =	wrdreg s5  }
0xaa: {  	[dreg:$0x4] =	wrdreg $0xC0  }
0xab: {  	_ =	task [dreg:s7], $0x5FFFF  }
0xac: {  	[dreg:$0x1] =	wrdreg $0xFFFFFFFF  }
0xad: {  	[dreg:$0x0] =	wrdreg $0x60  }
0xae: {  	[dreg:$0x2] =	wrdreg s2  }
0xaf: {  	[dreg:$0x3] =	wrdreg s24  }
0xb0: {  	[dreg:$0x4] =	wrdreg $0x9  }
0xb1: {  	_ =	task.clear_ibuf [dreg:s7], $0x5FFFF;
	_ =	strace $0x90000046  }
0xb2: {  	s29 =	simm.s32 $0x9;
	_ =	strace $0x80000048  }
0xb3: {  	_ =	swait.ge [sflag:s29], $0x1  }
0xb4: {  	[sflag:s29] =	ssyncadd.s32 $0xFFFFFFFF  }
0xb5: {  	_ =	strace $0x90000048  }
0xb6: {  	_ =	sfence  }
0xb7: {  	s30 =	sld [smem:$0x0];
	_ =	sdelay $0x2  }
0xb8: {  	s31 =	sshll.u32 s1, $0xD;
	s1 =	sshrl.u32 s1, $0x2  }
0xb9: {  	s3 =	sand.u32 $0x4000, s31;
	s1 =	sadd.s32 s1, s30  }
0xba: {  	s0 =	sor.u32 s3, s0;
	s1 =	sshll.u32 s1, $0x11  }
0xbb: {  	s0 =	sor.u32 s1, s0  }
0xbc: {  	s0 =	sadd.s32 $0x8F2B, s0  }
0xbd: {  	[sflag:s0] =	ssyncadd.remote.s32 $0x1  }
0xbe: {  	_ =	sfence.sel $0xFFFF  }
0xbf: {  	[dreg:$0x0] =	wrdreg $0xFFFFFFFF;
	(pc) =	sbr.abs _section_cstart, $3  }
0xc0: {  	[dreg:$0x1] =	wrdreg $0xFFFFFFFF  }
0xc1: {  	_ =	task.clear_ibuf [dreg:s7], $0x2FFFF;
	_ =	strace $0x9FFFFFFF  }
0xc2: {  	(tm) =	ssettm $0x7FFFFFFF  }
0xc3: {  	_ =	shalt  }
tec
execute0_lowered:
.L_overlay_start_1:
0x0: {  	(tag) =	ssettag $0x1  }
0x1: {  	s2 =	rddreg [dreg:$0x0]  }
0x2: {  	s0 =	rddreg [dreg:$0x1]  }
0x3: {  	s1 =	srdreg.scid;
	s4 =	stileid.u32  }
0x4: {  	s3 =	simm.s32 $0x0;
	s7 =	simm.s32 $0x2;
	s8 =	simm.s32 $0x14  }
0x5: {  	s16 =	simm.s32 $0x1;
	s9 =	simm.s32 $0xC00;
	s10 =	simm.s32 $0x13000  }
0x6: {  	s11 =	simm.s32 $0xC80;
	s12 =	simm.s32 $0x13C00;
	s13 =	simm.s32 $0xD00  }
0x7: {  	s14 =	simm.s32 $0x14800;
	s15 =	simm.s32 $0xD80;
	s17 =	simm.s32 $0x15400  }
0x8: {  	s18 =	simm.s32 $0xE00;
	s19 =	simm.s32 $0x16000;
	s20 =	simm.s32 $0xE80  }
0x9: {  	s21 =	simm.s32 $0x16C00;
	s22 =	simm.s32 $0xF00;
	s23 =	simm.s32 $0x17800  }
0xa: {  	s24 =	simm.s32 $0xF80;
	s25 =	simm.s32 $0x18400;
	s1 =	sand.u32 $0x1, s1  }
0xb: {  	s26 =	simm.s32 $0x19000;
	s4 =	sshll.u32 s4, $0xA;
	s5 =	sshll.u32 s1, $0x9  }
0xc: {  	s28 =	simm.s32 $0x0;
	s1 =	ssub.s32 $0x2, s1;
	s4 =	sor.u32 s5, s4  }
0xd: {  	[smem:$0x7FF] =	sst s3;
	s31 =	sshrl.u32 s1, $0x1;
	s0 =	sadd.s32 s4, s0  }
0xe: {  	_ =	strace $0x80000047;
	s1 =	ssub.s32 s1, s31;
	s4 =	sadd.s32 $0x800, s0  }
0xf: {  	s5 =	sadd.s32 $0x4800, s0;
	s6 =	smax.u32 s1, $0x1;
	s1 =	simm.s32 $0x12400  }
.LBB2_1:
0x10: {  	[tilespmem:s3], [sflag:$0x2] =	stream.linear.gather [hbm4b:s4+s3], $0x1000, $0x38;
	[tilespmem:$0x1A000] =	vst v63  }
0x11: {  	_ =	swait.ge [sflag:s7], $0x1000  }
0x12: {  	[sflag:s7] =	ssyncset.done $0x0  }
0x13: {  	s0 =	simm.s32 $0x1000;
	[sflag:s7] =	ssyncadd.s32 $0xFFFFF000  }
0x14: {  	[tilespmem:s0], [sflag:$0x1] =	stream.indirect.gather [hbm4b:s2+s8], $0x80, s3, s8, $0xb8;
	[tilespmem:$0x1A000] =	vst v63  }
0x15: {  	s29 =	simm.s32 $0x1C00;
	s0 =	simm.s32 $0x80  }
0x16: {  	[tilespmem:s29], [sflag:$0x1] =	stream.indirect.gather [hbm4b:s2+s8], $0x80, s0, s8, $0xb8;
	[tilespmem:$0x1A000] =	vst v63  }
0x17: {  	s0 =	simm.s32 $0x100;
	s29 =	simm.s32 $0x2800  }
0x18: {  	[tilespmem:s29], [sflag:$0x1] =	stream.indirect.gather [hbm4b:s2+s8], $0x80, s0, s8, $0xb8;
	[tilespmem:$0x1A000] =	vst v63  }
0x19: {  	s0 =	simm.s32 $0x180;
	s29 =	simm.s32 $0x3400  }
0x1a: {  	[tilespmem:s29], [sflag:$0x1] =	stream.indirect.gather [hbm4b:s2+s8], $0x80, s0, s8, $0xb8;
	[tilespmem:$0x1A000] =	vst v63  }
0x1b: {  	s0 =	simm.s32 $0x200;
	s29 =	simm.s32 $0x4000  }
0x1c: {  	[tilespmem:s29], [sflag:$0x1] =	stream.indirect.gather [hbm4b:s2+s8], $0x80, s0, s8, $0xb8;
	[tilespmem:$0x1A000] =	vst v63  }
0x1d: {  	s0 =	simm.s32 $0x280;
	s29 =	simm.s32 $0x4C00  }
0x1e: {  	[tilespmem:s29], [sflag:$0x1] =	stream.indirect.gather [hbm4b:s2+s8], $0x80, s0, s8, $0xb8;
	[tilespmem:$0x1A000] =	vst v63  }
0x1f: {  	s0 =	simm.s32 $0x300;
	s29 =	simm.s32 $0x5800  }
0x20: {  	[tilespmem:s29], [sflag:$0x1] =	stream.indirect.gather [hbm4b:s2+s8], $0x80, s0, s8, $0xb8;
	[tilespmem:$0x1A000] =	vst v63  }
0x21: {  	s0 =	simm.s32 $0x380;
	s29 =	simm.s32 $0x6400  }
0x22: {  	[tilespmem:s29], [sflag:$0x1] =	stream.indirect.gather [hbm4b:s2+s8], $0x80, s0, s8, $0xb8;
	[tilespmem:$0x1A000] =	vst v63  }
0x23: {  	s0 =	simm.s32 $0x400;
	s29 =	simm.s32 $0x7000  }
0x24: {  	[tilespmem:s29], [sflag:$0x1] =	stream.indirect.gather [hbm4b:s2+s8], $0x80, s0, s8, $0xb8;
	[tilespmem:$0x1A000] =	vst v63  }
0x25: {  	s0 =	simm.s32 $0x480;
	s29 =	simm.s32 $0x7C00  }
0x26: {  	[tilespmem:s29], [sflag:$0x1] =	stream.indirect.gather [hbm4b:s2+s8], $0x80, s0, s8, $0xb8;
	[tilespmem:$0x1A000] =	vst v63  }
0x27: {  	s0 =	simm.s32 $0x500;
	s29 =	simm.s32 $0x8800  }
0x28: {  	[tilespmem:s29], [sflag:$0x1] =	stream.indirect.gather [hbm4b:s2+s8], $0x80, s0, s8, $0xb8;
	[tilespmem:$0x1A000] =	vst v63  }
0x29: {  	s0 =	simm.s32 $0x580;
	s29 =	simm.s32 $0x9400  }
0x2a: {  	[tilespmem:s29], [sflag:$0x1] =	stream.indirect.gather [hbm4b:s2+s8], $0x80, s0, s8, $0xb8;
	[tilespmem:$0x1A000] =	vst v63  }
0x2b: {  	s0 =	simm.s32 $0x600;
	s29 =	simm.s32 $0xA000  }
0x2c: {  	[tilespmem:s29], [sflag:$0x1] =	stream.indirect.gather [hbm4b:s2+s8], $0x80, s0, s8, $0xb8;
	[tilespmem:$0x1A000] =	vst v63  }
0x2d: {  	s0 =	simm.s32 $0x680;
	s29 =	simm.s32 $0xAC00  }
0x2e: {  	[tilespmem:s29], [sflag:$0x1] =	stream.indirect.gather [hbm4b:s2+s8], $0x80, s0, s8, $0xb8;
	[tilespmem:$0x1A000] =	vst v63  }
0x2f: {  	s0 =	simm.s32 $0x700;
	s29 =	simm.s32 $0xB800  }
0x30: {  	[tilespmem:s29], [sflag:$0x1] =	stream.indirect.gather [hbm4b:s2+s8], $0x80, s0, s8, $0xb8;
	[tilespmem:$0x1A000] =	vst v63  }
0x31: {  	s0 =	simm.s32 $0x780;
	s29 =	simm.s32 $0xC400  }
0x32: {  	[tilespmem:s29], [sflag:$0x1] =	stream.indirect.gather [hbm4b:s2+s8], $0x80, s0, s8, $0xb8;
	[tilespmem:$0x1A000] =	vst v63  }
0x33: {  	_ =	swait.ge [sflag:s16], $0xA00  }
0x34: {  	[sflag:s16] =	ssyncset.done $0x0  }
0x35: {  	[sflag:s16] =	ssyncadd.s32 $0xFFFFF600  }
0x36: {  	_ =	swait.ge [sflag:s16], $0xA00  }
0x37: {  	[sflag:s16] =	ssyncset.done $0x0  }
0x38: {  	[sflag:s16] =	ssyncadd.s32 $0xFFFFF600  }
0x39: {  	_ =	swait.ge [sflag:s16], $0xA00  }
0x3a: {  	[sflag:s16] =	ssyncset.done $0x0  }
0x3b: {  	[sflag:s16] =	ssyncadd.s32 $0xFFFFF600  }
0x3c: {  	_ =	swait.ge [sflag:s16], $0xA00  }
0x3d: {  	[sflag:s16] =	ssyncset.done $0x0  }
0x3e: {  	[sflag:s16] =	ssyncadd.s32 $0xFFFFF600  }
0x3f: {  	_ =	swait.ge [sflag:s16], $0xA00  }
0x40: {  	[sflag:s16] =	ssyncset.done $0x0  }
0x41: {  	[sflag:s16] =	ssyncadd.s32 $0xFFFFF600  }
0x42: {  	_ =	swait.ge [sflag:s16], $0xA00  }
0x43: {  	[sflag:s16] =	ssyncset.done $0x0  }
0x44: {  	[sflag:s16] =	ssyncadd.s32 $0xFFFFF600  }
0x45: {  	_ =	swait.ge [sflag:s16], $0xA00  }
0x46: {  	[sflag:s16] =	ssyncset.done $0x0  }
0x47: {  	[sflag:s16] =	ssyncadd.s32 $0xFFFFF600  }
0x48: {  	_ =	swait.ge [sflag:s16], $0xA00  }
0x49: {  	[sflag:s16] =	ssyncset.done $0x0  }
0x4a: {  	s0 =	simm.s32 $0x800;
	s29 =	simm.s32 $0xD000;
	[sflag:s16] =	ssyncadd.s32 $0xFFFFF600  }
0x4b: {  	[tilespmem:s29], [sflag:$0x1] =	stream.indirect.gather [hbm4b:s2+s8], $0x80, s0, s8, $0xb8;
	[tilespmem:$0x1A000] =	vst v63  }
0x4c: {  	s0 =	simm.s32 $0x880;
	s29 =	simm.s32 $0xDC00  }
0x4d: {  	[tilespmem:s29], [sflag:$0x1] =	stream.indirect.gather [hbm4b:s2+s8], $0x80, s0, s8, $0xb8;
	[tilespmem:$0x1A000] =	vst v63  }
0x4e: {  	s0 =	simm.s32 $0x900;
	s29 =	simm.s32 $0xE800  }
0x4f: {  	[tilespmem:s29], [sflag:$0x1] =	stream.indirect.gather [hbm4b:s2+s8], $0x80, s0, s8, $0xb8;
	[tilespmem:$0x1A000] =	vst v63  }
0x50: {  	s0 =	simm.s32 $0x980;
	s29 =	simm.s32 $0xF400  }
0x51: {  	[tilespmem:s29], [sflag:$0x1] =	stream.indirect.gather [hbm4b:s2+s8], $0x80, s0, s8, $0xb8;
	[tilespmem:$0x1A000] =	vst v63  }
0x52: {  	s0 =	simm.s32 $0xA00;
	s29 =	simm.s32 $0x10000  }
0x53: {  	[tilespmem:s29], [sflag:$0x1] =	stream.indirect.gather [hbm4b:s2+s8], $0x80, s0, s8, $0xb8;
	[tilespmem:$0x1A000] =	vst v63  }
0x54: {  	s0 =	simm.s32 $0xA80;
	s29 =	simm.s32 $0x10C00  }
0x55: {  	[tilespmem:s29], [sflag:$0x1] =	stream.indirect.gather [hbm4b:s2+s8], $0x80, s0, s8, $0xb8;
	[tilespmem:$0x1A000] =	vst v63  }
0x56: {  	s0 =	simm.s32 $0xB00;
	s29 =	simm.s32 $0x11800  }
0x57: {  	[tilespmem:s29], [sflag:$0x1] =	stream.indirect.gather [hbm4b:s2+s8], $0x80, s0, s8, $0xb8;
	[tilespmem:$0x1A000] =	vst v63  }
0x58: {  	s0 =	simm.s32 $0xB80  }
0x59: {  	[tilespmem:s1], [sflag:$0x1] =	stream.indirect.gather [hbm4b:s2+s8], $0x80, s0, s8, $0xb8;
	[tilespmem:$0x1A000] =	vst v63  }
0x5a: {  	_ =	swait.ge [sflag:s16], $0xA00  }
0x5b: {  	[sflag:s16] =	ssyncset.done $0x0  }
0x5c: {  	[sflag:s16] =	ssyncadd.s32 $0xFFFFF600  }
0x5d: {  	_ =	swait.ge [sflag:s16], $0xA00  }
0x5e: {  	[sflag:s16] =	ssyncset.done $0x0  }
0x5f: {  	[sflag:s16] =	ssyncadd.s32 $0xFFFFF600  }
0x60: {  	_ =	swait.ge [sflag:s16], $0xA00  }
0x61: {  	[sflag:s16] =	ssyncset.done $0x0  }
0x62: {  	[sflag:s16] =	ssyncadd.s32 $0xFFFFF600  }
0x63: {  	_ =	swait.ge [sflag:s16], $0xA00  }
0x64: {  	[sflag:s16] =	ssyncset.done $0x0  }
0x65: {  	[sflag:s16] =	ssyncadd.s32 $0xFFFFF600  }
0x66: {  	_ =	swait.ge [sflag:s16], $0xA00  }
0x67: {  	[sflag:s16] =	ssyncset.done $0x0  }
0x68: {  	[sflag:s16] =	ssyncadd.s32 $0xFFFFF600  }
0x69: {  	_ =	swait.ge [sflag:s16], $0xA00  }
0x6a: {  	[sflag:s16] =	ssyncset.done $0x0  }
0x6b: {  	[sflag:s16] =	ssyncadd.s32 $0xFFFFF600  }
0x6c: {  	_ =	swait.ge [sflag:s16], $0xA00  }
0x6d: {  	[sflag:s16] =	ssyncset.done $0x0  }
0x6e: {  	[sflag:s16] =	ssyncadd.s32 $0xFFFFF600  }
0x6f: {  	_ =	swait.ge [sflag:s16], $0xA00  }
0x70: {  	[sflag:s16] =	ssyncset.done $0x0  }
0x71: {  	[sflag:s16] =	ssyncadd.s32 $0xFFFFF600  }
0x72: {  	[tilespmem:s10], [sflag:$0x1] =	stream.indirect.gather [hbm4b:s2+s8], $0x80, s9, s8, $0xb8;
	[tilespmem:$0x1A000] =	vst v63  }
0x73: {  	_ = 	snop  }
0x74: {  	[tilespmem:s12], [sflag:$0x1] =	stream.indirect.gather [hbm4b:s2+s8], $0x80, s11, s8, $0xb8;
	[tilespmem:$0x1A000] =	vst v63  }
0x75: {  	_ = 	snop  }
0x76: {  	[tilespmem:s14], [sflag:$0x1] =	stream.indirect.gather [hbm4b:s2+s8], $0x80, s13, s8, $0xb8;
	[tilespmem:$0x1A000] =	vst v63  }
0x77: {  	_ = 	snop  }
0x78: {  	[tilespmem:s17], [sflag:$0x1] =	stream.indirect.gather [hbm4b:s2+s8], $0x80, s15, s8, $0xb8;
	[tilespmem:$0x1A000] =	vst v63  }
0x79: {  	_ = 	snop  }
0x7a: {  	[tilespmem:s19], [sflag:$0x1] =	stream.indirect.gather [hbm4b:s2+s8], $0x80, s18, s8, $0xb8;
	[tilespmem:$0x1A000] =	vst v63  }
0x7b: {  	_ = 	snop  }
0x7c: {  	[tilespmem:s21], [sflag:$0x1] =	stream.indirect.gather [hbm4b:s2+s8], $0x80, s20, s8, $0xb8;
	[tilespmem:$0x1A000] =	vst v63  }
0x7d: {  	_ = 	snop  }
0x7e: {  	[tilespmem:s23], [sflag:$0x1] =	stream.indirect.gather [hbm4b:s2+s8], $0x80, s22, s8, $0xb8;
	[tilespmem:$0x1A000] =	vst v63  }
0x7f: {  	_ = 	snop  }
0x80: {  	[tilespmem:s25], [sflag:$0x1] =	stream.indirect.gather [hbm4b:s2+s8], $0x80, s24, s8, $0xb8;
	[tilespmem:$0x1A000] =	vst v63  }
0x81: {  	_ =	swait.ge [sflag:s16], $0xA00  }
0x82: {  	[sflag:s16] =	ssyncset.done $0x0  }
0x83: {  	[sflag:s16] =	ssyncadd.s32 $0xFFFFF600  }
0x84: {  	_ =	swait.ge [sflag:s16], $0xA00  }
0x85: {  	[sflag:s16] =	ssyncset.done $0x0  }
0x86: {  	[sflag:s16] =	ssyncadd.s32 $0xFFFFF600  }
0x87: {  	_ =	swait.ge [sflag:s16], $0xA00  }
0x88: {  	[sflag:s16] =	ssyncset.done $0x0  }
0x89: {  	[sflag:s16] =	ssyncadd.s32 $0xFFFFF600  }
0x8a: {  	_ =	swait.ge [sflag:s16], $0xA00  }
0x8b: {  	[sflag:s16] =	ssyncset.done $0x0  }
0x8c: {  	[sflag:s16] =	ssyncadd.s32 $0xFFFFF600  }
0x8d: {  	_ =	swait.ge [sflag:s16], $0xA00  }
0x8e: {  	[sflag:s16] =	ssyncset.done $0x0  }
0x8f: {  	[sflag:s16] =	ssyncadd.s32 $0xFFFFF600  }
0x90: {  	_ =	swait.ge [sflag:s16], $0xA00  }
0x91: {  	[sflag:s16] =	ssyncset.done $0x0  }
0x92: {  	[sflag:s16] =	ssyncadd.s32 $0xFFFFF600  }
0x93: {  	_ =	swait.ge [sflag:s16], $0xA00  }
0x94: {  	[sflag:s16] =	ssyncset.done $0x0  }
0x95: {  	[sflag:s16] =	ssyncadd.s32 $0xFFFFF600  }
0x96: {  	_ =	swait.ge [sflag:s16], $0xA00  }
0x97: {  	[sflag:s16] =	ssyncset.done $0x0  }
0x98: {  	[sflag:s16] =	ssyncadd.s32 $0xFFFFF600  }
0x99: {  	_ =	swait.ge [sflag:s16], $0xA00  }
0x9a: {  	[sflag:s16] =	ssyncset.done $0x0  }
0x9b: {  	[sflag:s16] =	ssyncadd.s32 $0xFFFFF600  }
0x9c: {  	_ =	swait.ge [sflag:s16], $0xA00  }
0x9d: {  	[sflag:s16] =	ssyncset.done $0x0  }
0x9e: {  	[sflag:s16] =	ssyncadd.s32 $0xFFFFF600  }
0x9f: {  	_ =	swait.ge [sflag:s16], $0xA00  }
0xa0: {  	[sflag:s16] =	ssyncset.done $0x0  }
0xa1: {  	[sflag:s16] =	ssyncadd.s32 $0xFFFFF600  }
0xa2: {  	_ =	swait.ge [sflag:s16], $0xA00  }
0xa3: {  	[sflag:s16] =	ssyncset.done $0x0  }
0xa4: {  	[sflag:s16] =	ssyncadd.s32 $0xFFFFF600  }
0xa5: {  	_ =	swait.ge [sflag:s16], $0xA00  }
0xa6: {  	[sflag:s16] =	ssyncset.done $0x0  }
0xa7: {  	[sflag:s16] =	ssyncadd.s32 $0xFFFFF600  }
0xa8: {  	_ =	swait.ge [sflag:s16], $0xA00  }
0xa9: {  	[sflag:s16] =	ssyncset.done $0x0  }
0xaa: {  	[sflag:s16] =	ssyncadd.s32 $0xFFFFF600  }
0xab: {  	_ =	swait.ge [sflag:s16], $0xA00  }
0xac: {  	[sflag:s16] =	ssyncset.done $0x0  }
0xad: {  	[sflag:s16] =	ssyncadd.s32 $0xFFFFF600  }
0xae: {  	_ =	swait.ge [sflag:s16], $0xA00  }
0xaf: {  	[sflag:s16] =	ssyncset.done $0x0  }
0xb0: {  	s29 =	simm.s32 $0x1500;
	[sflag:s16] =	ssyncadd.s32 $0xFFFFF600  }
0xb1: {  	v0 =	vld [tilespmem:s29+$0xFFFFFB80]  }
0xb2: {  	v1 =	vld [tilespmem:s29+$0xFFFFFB00];
	_ =	sdelay $0x1  }
0xb3: {  	v2 =	vld [tilespmem:s29+$0xFFFFFC00];
	_ =	sdelay $0x1  }
0xb4: {  	v3 =	vld [tilespmem:s29+$0xFFFFFC80]  }
0xb5: {  	v0 =	vadd.f32 v0, v1  }
0xb6: {  	v1 =	vld [tilespmem:s29+$0xFFFFFD00]  }
0xb7: {  	v0 =	vadd.f32 v2, v0  }
0xb8: {  	v2 =	vld [tilespmem:s29+$0xFFFFFD80]  }
0xb9: {  	v0 =	vadd.f32 v3, v0  }
0xba: {  	v3 =	vld [tilespmem:s29+$0xFFFFFE00]  }
0xbb: {  	v0 =	vadd.f32 v1, v0  }
0xbc: {  	v1 =	vld [tilespmem:s29+$0xFFFFFE80]  }
0xbd: {  	v0 =	vadd.f32 v2, v0  }
0xbe: {  	v2 =	vld [tilespmem:s29+$0xFFFFFF00]  }
0xbf: {  	v0 =	vadd.f32 v3, v0  }
0xc0: {  	v3 =	vld [tilespmem:s29+$0xFFFFFF80]  }
0xc1: {  	v0 =	vadd.f32 v1, v0  }
0xc2: {  	v1 =	vld [tilespmem:s29+$0x0]  }
0xc3: {  	v0 =	vadd.f32 v2, v0  }
0xc4: {  	v2 =	vld [tilespmem:s29+$0x80]  }
0xc5: {  	v0 =	vadd.f32 v3, v0  }
0xc6: {  	v3 =	vld [tilespmem:s29+$0x100]  }
0xc7: {  	v0 =	vadd.f32 v1, v0  }
0xc8: {  	v1 =	vld [tilespmem:s29+$0x180]  }
0xc9: {  	v0 =	vadd.f32 v2, v0  }
0xca: {  	v2 =	vld [tilespmem:s29+$0x200]  }
0xcb: {  	v0 =	vadd.f32 v3, v0  }
0xcc: {  	v3 =	vld [tilespmem:s29+$0x280]  }
0xcd: {  	v0 =	vadd.f32 v1, v0  }
0xce: {  	v1 =	vld [tilespmem:s29+$0x300]  }
0xcf: {  	v0 =	vadd.f32 v2, v0  }
0xd0: {  	v2 =	vld [tilespmem:s29+$0x380]  }
0xd1: {  	v0 =	vadd.f32 v3, v0  }
0xd2: {  	v3 =	vld [tilespmem:s29+$0x400]  }
0xd3: {  	v0 =	vadd.f32 v1, v0  }
0xd4: {  	v1 =	vld [tilespmem:s29+$0x480]  }
0xd5: {  	v0 =	vadd.f32 v2, v0;
	_ =	sdelay $0x1  }
0xd6: {  	v0 =	vadd.f32 v3, v0;
	_ =	sdelay $0x1  }
0xd7: {  	v0 =	vadd.f32 v1, v0;
	_ =	sdelay $0x1  }
0xd8: {  	v0 =	vmul.f32 $5.000000070e-02, v0  }
0xd9: {  	s30 =	simm.s32 $0x0  }
0xda: {  	[tilespmem:s30+$0x19000] =	vst v0  }
0xdb: {  	v0 =	vld [tilespmem:s29+$0xFFFFFB10]  }
0xdc: {  	v1 =	vld [tilespmem:s29+$0xFFFFFB90];
	_ =	sdelay $0x1  }
0xdd: {  	v2 =	vld [tilespmem:s29+$0xFFFFFC10];
	_ =	sdelay $0x1  }
0xde: {  	v3 =	vld [tilespmem:s29+$0xFFFFFC90]  }
0xdf: {  	v0 =	vadd.f32 v1, v0  }
0xe0: {  	v1 =	vld [tilespmem:s29+$0xFFFFFD10]  }
0xe1: {  	v0 =	vadd.f32 v2, v0  }
0xe2: {  	v2 =	vld [tilespmem:s29+$0xFFFFFD90]  }
0xe3: {  	v0 =	vadd.f32 v3, v0  }
0xe4: {  	v3 =	vld [tilespmem:s29+$0xFFFFFE10]  }
0xe5: {  	v0 =	vadd.f32 v1, v0  }
0xe6: {  	v1 =	vld [tilespmem:s29+$0xFFFFFE90]  }
0xe7: {  	v0 =	vadd.f32 v2, v0  }
0xe8: {  	v2 =	vld [tilespmem:s29+$0xFFFFFF10]  }
0xe9: {  	v0 =	vadd.f32 v3, v0  }
0xea: {  	v3 =	vld [tilespmem:s29+$0xFFFFFF90]  }
0xeb: {  	v0 =	vadd.f32 v1, v0  }
0xec: {  	v1 =	vld [tilespmem:s29+$0x10]  }
0xed: {  	v0 =	vadd.f32 v2, v0  }
0xee: {  	v2 =	vld [tilespmem:s29+$0x90]  }
0xef: {  	v0 =	vadd.f32 v3, v0  }
0xf0: {  	v3 =	vld [tilespmem:s29+$0x110]  }
0xf1: {  	v0 =	vadd.f32 v1, v0  }
0xf2: {  	v1 =	vld [tilespmem:s29+$0x190]  }
0xf3: {  	v0 =	vadd.f32 v2, v0  }
0xf4: {  	v2 =	vld [tilespmem:s29+$0x210]  }
0xf5: {  	v0 =	vadd.f32 v3, v0  }
0xf6: {  	v3 =	vld [tilespmem:s29+$0x290]  }
0xf7: {  	v0 =	vadd.f32 v1, v0  }
0xf8: {  	v1 =	vld [tilespmem:s29+$0x310]  }
0xf9: {  	v0 =	vadd.f32 v2, v0  }
0xfa: {  	v2 =	vld [tilespmem:s29+$0x390]  }
0xfb: {  	v0 =	vadd.f32 v3, v0  }
0xfc: {  	v3 =	vld [tilespmem:s29+$0x410]  }
0xfd: {  	v0 =	vadd.f32 v1, v0  }
0xfe: {  	v1 =	vld [tilespmem:s29+$0x490]  }
0xff: {  	v0 =	vadd.f32 v2, v0;
	_ =	sdelay $0x1  }
0x100: {  	v0 =	vadd.f32 v3, v0;
	_ =	sdelay $0x1  }
0x101: {  	v0 =	vadd.f32 v1, v0;
	_ =	sdelay $0x1  }
0x102: {  	v0 =	vmul.f32 $5.000000070e-02, v0;
	_ =	sdelay $0x1  }
0x103: {  	[tilespmem:s30+$0x19010] =	vst v0  }
0x104: {  	v0 =	vld [tilespmem:s29+$0xFFFFFB20]  }
0x105: {  	v1 =	vld [tilespmem:s29+$0xFFFFFBA0];
	_ =	sdelay $0x1  }
0x106: {  	v2 =	vld [tilespmem:s29+$0xFFFFFC20];
	_ =	sdelay $0x1  }
0x107: {  	v3 =	vld [tilespmem:s29+$0xFFFFFCA0]  }
0x108: {  	v0 =	vadd.f32 v1, v0  }
0x109: {  	v1 =	vld [tilespmem:s29+$0xFFFFFD20]  }
0x10a: {  	v0 =	vadd.f32 v2, v0  }
0x10b: {  	v2 =	vld [tilespmem:s29+$0xFFFFFDA0]  }
0x10c: {  	v0 =	vadd.f32 v3, v0  }
0x10d: {  	v3 =	vld [tilespmem:s29+$0xFFFFFE20]  }
0x10e: {  	v0 =	vadd.f32 v1, v0  }
0x10f: {  	v1 =	vld [tilespmem:s29+$0xFFFFFEA0]  }
0x110: {  	v0 =	vadd.f32 v2, v0  }
0x111: {  	v2 =	vld [tilespmem:s29+$0xFFFFFF20]  }
0x112: {  	v0 =	vadd.f32 v3, v0  }
0x113: {  	v3 =	vld [tilespmem:s29+$0xFFFFFFA0]  }
0x114: {  	v0 =	vadd.f32 v1, v0  }
0x115: {  	v1 =	vld [tilespmem:s29+$0x20]  }
0x116: {  	v0 =	vadd.f32 v2, v0  }
0x117: {  	v2 =	vld [tilespmem:s29+$0xA0]  }
0x118: {  	v0 =	vadd.f32 v3, v0  }
0x119: {  	v3 =	vld [tilespmem:s29+$0x120]  }
0x11a: {  	v0 =	vadd.f32 v1, v0  }
0x11b: {  	v1 =	vld [tilespmem:s29+$0x1A0]  }
0x11c: {  	v0 =	vadd.f32 v2, v0  }
0x11d: {  	v2 =	vld [tilespmem:s29+$0x220]  }
0x11e: {  	v0 =	vadd.f32 v3, v0  }
0x11f: {  	v3 =	vld [tilespmem:s29+$0x2A0]  }
0x120: {  	v0 =	vadd.f32 v1, v0  }
0x121: {  	v1 =	vld [tilespmem:s29+$0x320]  }
0x122: {  	v0 =	vadd.f32 v2, v0  }
0x123: {  	v2 =	vld [tilespmem:s29+$0x3A0]  }
0x124: {  	v0 =	vadd.f32 v3, v0  }
0x125: {  	v3 =	vld [tilespmem:s29+$0x420]  }
0x126: {  	v0 =	vadd.f32 v1, v0  }
0x127: {  	v1 =	vld [tilespmem:s29+$0x4A0]  }
0x128: {  	v0 =	vadd.f32 v2, v0;
	_ =	sdelay $0x1  }
0x129: {  	v0 =	vadd.f32 v3, v0;
	_ =	sdelay $0x1  }
0x12a: {  	v0 =	vadd.f32 v1, v0;
	_ =	sdelay $0x1  }
0x12b: {  	v0 =	vmul.f32 $5.000000070e-02, v0;
	_ =	sdelay $0x1  }
0x12c: {  	[tilespmem:s30+$0x19020] =	vst v0  }
0x12d: {  	v0 =	vld [tilespmem:s29+$0xFFFFFB30]  }
0x12e: {  	v1 =	vld [tilespmem:s29+$0xFFFFFBB0];
	_ =	sdelay $0x1  }
0x12f: {  	v2 =	vld [tilespmem:s29+$0xFFFFFC30];
	_ =	sdelay $0x1  }
0x130: {  	v3 =	vld [tilespmem:s29+$0xFFFFFCB0]  }
0x131: {  	v0 =	vadd.f32 v1, v0  }
0x132: {  	v1 =	vld [tilespmem:s29+$0xFFFFFD30]  }
0x133: {  	v0 =	vadd.f32 v2, v0  }
0x134: {  	v2 =	vld [tilespmem:s29+$0xFFFFFDB0]  }
0x135: {  	v0 =	vadd.f32 v3, v0  }
0x136: {  	v3 =	vld [tilespmem:s29+$0xFFFFFE30]  }
0x137: {  	v0 =	vadd.f32 v1, v0  }
0x138: {  	v1 =	vld [tilespmem:s29+$0xFFFFFEB0]  }
0x139: {  	v0 =	vadd.f32 v2, v0  }
0x13a: {  	v2 =	vld [tilespmem:s29+$0xFFFFFF30]  }
0x13b: {  	v0 =	vadd.f32 v3, v0  }
0x13c: {  	v3 =	vld [tilespmem:s29+$0xFFFFFFB0]  }
0x13d: {  	v0 =	vadd.f32 v1, v0  }
0x13e: {  	v1 =	vld [tilespmem:s29+$0x30]  }
0x13f: {  	v0 =	vadd.f32 v2, v0  }
0x140: {  	v2 =	vld [tilespmem:s29+$0xB0]  }
0x141: {  	v0 =	vadd.f32 v3, v0  }
0x142: {  	v3 =	vld [tilespmem:s29+$0x130]  }
0x143: {  	v0 =	vadd.f32 v1, v0  }
0x144: {  	v1 =	vld [tilespmem:s29+$0x1B0]  }
0x145: {  	v0 =	vadd.f32 v2, v0  }
0x146: {  	v2 =	vld [tilespmem:s29+$0x230]  }
0x147: {  	v0 =	vadd.f32 v3, v0  }
0x148: {  	v3 =	vld [tilespmem:s29+$0x2B0]  }
0x149: {  	v0 =	vadd.f32 v1, v0  }
0x14a: {  	v1 =	vld [tilespmem:s29+$0x330]  }
0x14b: {  	v0 =	vadd.f32 v2, v0  }
0x14c: {  	v2 =	vld [tilespmem:s29+$0x3B0]  }
0x14d: {  	v0 =	vadd.f32 v3, v0;
	_ =	sdelay $0x1  }
0x14e: {  	v3 =	vld [tilespmem:s29+$0x430];
	v0 =	vadd.f32 v1, v0;
	_ =	sdelay $0x1  }
0x14f: {  	v1 =	vadd.f32 v2, v0;
	v0 =	vld [tilespmem:s29+$0x4B0];
	_ =	sdelay $0x2  }
0x150: {  	s31 =	simm.s32 $0x200;
	v1 =	vadd.f32 v3, v1  }
.LBB2_2:
0x151: {  	p0 =	sne.s32 s31, $0x3E00  }
0x152: {  	s29 =	sadd.s32 $0xC00, s29;
	s0 =	smov.u32 s31;
	s31 =	sadd.s32 $0x200, s31;
	v0 =	vadd.f32 v0, v1  }
0x153: {  	_ = 	snop  }
0x154: {  	v0 =	vmul.f32 $5.000000070e-02, v0;
	_ =	sdelay $0x1  }
0x155: {  	[tilespmem:s30+$0x19030] =	vst v0  }
0x156: {  	v0 =	vld [tilespmem:s29+$0xFFFFFB80]  }
0x157: {  	v1 =	vld [tilespmem:s29+$0xFFFFFB00];
	_ =	sdelay $0x1  }
0x158: {  	v2 =	vld [tilespmem:s29+$0xFFFFFC00];
	_ =	sdelay $0x1  }
0x159: {  	v3 =	vld [tilespmem:s29+$0xFFFFFC80]  }
0x15a: {  	v0 =	vadd.f32 v0, v1  }
0x15b: {  	v1 =	vld [tilespmem:s29+$0xFFFFFD00]  }
0x15c: {  	v0 =	vadd.f32 v2, v0  }
0x15d: {  	v2 =	vld [tilespmem:s29+$0xFFFFFD80]  }
0x15e: {  	v0 =	vadd.f32 v3, v0  }
0x15f: {  	v3 =	vld [tilespmem:s29+$0xFFFFFE00]  }
0x160: {  	v0 =	vadd.f32 v1, v0  }
0x161: {  	v1 =	vld [tilespmem:s29+$0xFFFFFE80]  }
0x162: {  	v0 =	vadd.f32 v2, v0  }
0x163: {  	v2 =	vld [tilespmem:s29+$0xFFFFFF00]  }
0x164: {  	v0 =	vadd.f32 v3, v0  }
0x165: {  	v3 =	vld [tilespmem:s29+$0xFFFFFF80]  }
0x166: {  	v0 =	vadd.f32 v1, v0  }
0x167: {  	v1 =	vld [tilespmem:s29+$0x0]  }
0x168: {  	v0 =	vadd.f32 v2, v0  }
0x169: {  	v2 =	vld [tilespmem:s29+$0x80]  }
0x16a: {  	v0 =	vadd.f32 v3, v0  }
0x16b: {  	v3 =	vld [tilespmem:s29+$0x100]  }
0x16c: {  	v0 =	vadd.f32 v1, v0  }
0x16d: {  	v1 =	vld [tilespmem:s29+$0x180]  }
0x16e: {  	v0 =	vadd.f32 v2, v0  }
0x16f: {  	v2 =	vld [tilespmem:s29+$0x200]  }
0x170: {  	v0 =	vadd.f32 v3, v0  }
0x171: {  	v3 =	vld [tilespmem:s29+$0x280]  }
0x172: {  	v0 =	vadd.f32 v1, v0  }
0x173: {  	v1 =	vld [tilespmem:s29+$0x300]  }
0x174: {  	v0 =	vadd.f32 v2, v0  }
0x175: {  	v2 =	vld [tilespmem:s29+$0x380]  }
0x176: {  	v0 =	vadd.f32 v3, v0  }
0x177: {  	v3 =	vld [tilespmem:s29+$0x400]  }
0x178: {  	v0 =	vadd.f32 v1, v0  }
0x179: {  	v1 =	vld [tilespmem:s29+$0x480]  }
0x17a: {  	v0 =	vadd.f32 v2, v0;
	_ =	sdelay $0x1  }
0x17b: {  	v0 =	vadd.f32 v3, v0;
	_ =	sdelay $0x1  }
0x17c: {  	v0 =	vadd.f32 v1, v0;
	_ =	sdelay $0x1  }
0x17d: {  	v0 =	vmul.f32 $5.000000070e-02, v0  }
0x17e: {  	s30 =	sshra.s32 s0, $0x2  }
0x17f: {  	[tilespmem:s30+$0x19000] =	vst v0  }
0x180: {  	v0 =	vld [tilespmem:s29+$0xFFFFFB10]  }
0x181: {  	v1 =	vld [tilespmem:s29+$0xFFFFFB90];
	_ =	sdelay $0x1  }
0x182: {  	v2 =	vld [tilespmem:s29+$0xFFFFFC10];
	_ =	sdelay $0x1  }
0x183: {  	v3 =	vld [tilespmem:s29+$0xFFFFFC90]  }
0x184: {  	v0 =	vadd.f32 v1, v0  }
0x185: {  	v1 =	vld [tilespmem:s29+$0xFFFFFD10]  }
0x186: {  	v0 =	vadd.f32 v2, v0  }
0x187: {  	v2 =	vld [tilespmem:s29+$0xFFFFFD90]  }
0x188: {  	v0 =	vadd.f32 v3, v0  }
0x189: {  	v3 =	vld [tilespmem:s29+$0xFFFFFE10]  }
0x18a: {  	v0 =	vadd.f32 v1, v0  }
0x18b: {  	v1 =	vld [tilespmem:s29+$0xFFFFFE90]  }
0x18c: {  	v0 =	vadd.f32 v2, v0  }
0x18d: {  	v2 =	vld [tilespmem:s29+$0xFFFFFF10]  }
0x18e: {  	v0 =	vadd.f32 v3, v0  }
0x18f: {  	v3 =	vld [tilespmem:s29+$0xFFFFFF90]  }
0x190: {  	v0 =	vadd.f32 v1, v0  }
0x191: {  	v1 =	vld [tilespmem:s29+$0x10]  }
0x192: {  	v0 =	vadd.f32 v2, v0  }
0x193: {  	v2 =	vld [tilespmem:s29+$0x90]  }
0x194: {  	v0 =	vadd.f32 v3, v0  }
0x195: {  	v3 =	vld [tilespmem:s29+$0x110]  }
0x196: {  	v0 =	vadd.f32 v1, v0  }
0x197: {  	v1 =	vld [tilespmem:s29+$0x190]  }
0x198: {  	v0 =	vadd.f32 v2, v0  }
0x199: {  	v2 =	vld [tilespmem:s29+$0x210]  }
0x19a: {  	v0 =	vadd.f32 v3, v0  }
0x19b: {  	v3 =	vld [tilespmem:s29+$0x290]  }
0x19c: {  	v0 =	vadd.f32 v1, v0  }
0x19d: {  	v1 =	vld [tilespmem:s29+$0x310]  }
0x19e: {  	v0 =	vadd.f32 v2, v0  }
0x19f: {  	v2 =	vld [tilespmem:s29+$0x390]  }
0x1a0: {  	v0 =	vadd.f32 v3, v0  }
0x1a1: {  	v3 =	vld [tilespmem:s29+$0x410]  }
0x1a2: {  	v0 =	vadd.f32 v1, v0  }
0x1a3: {  	v1 =	vld [tilespmem:s29+$0x490]  }
0x1a4: {  	v0 =	vadd.f32 v2, v0;
	_ =	sdelay $0x1  }
0x1a5: {  	v0 =	vadd.f32 v3, v0;
	_ =	sdelay $0x1  }
0x1a6: {  	v0 =	vadd.f32 v1, v0;
	_ =	sdelay $0x1  }
0x1a7: {  	v0 =	vmul.f32 $5.000000070e-02, v0;
	_ =	sdelay $0x1  }
0x1a8: {  	[tilespmem:s30+$0x19010] =	vst v0  }
0x1a9: {  	v0 =	vld [tilespmem:s29+$0xFFFFFB20]  }
0x1aa: {  	v1 =	vld [tilespmem:s29+$0xFFFFFBA0];
	_ =	sdelay $0x1  }
0x1ab: {  	v2 =	vld [tilespmem:s29+$0xFFFFFC20];
	_ =	sdelay $0x1  }
0x1ac: {  	v3 =	vld [tilespmem:s29+$0xFFFFFCA0]  }
0x1ad: {  	v0 =	vadd.f32 v1, v0  }
0x1ae: {  	v1 =	vld [tilespmem:s29+$0xFFFFFD20]  }
0x1af: {  	v0 =	vadd.f32 v2, v0  }
0x1b0: {  	v2 =	vld [tilespmem:s29+$0xFFFFFDA0]  }
0x1b1: {  	v0 =	vadd.f32 v3, v0  }
0x1b2: {  	v3 =	vld [tilespmem:s29+$0xFFFFFE20]  }
0x1b3: {  	v0 =	vadd.f32 v1, v0  }
0x1b4: {  	v1 =	vld [tilespmem:s29+$0xFFFFFEA0]  }
0x1b5: {  	v0 =	vadd.f32 v2, v0  }
0x1b6: {  	v2 =	vld [tilespmem:s29+$0xFFFFFF20]  }
0x1b7: {  	v0 =	vadd.f32 v3, v0  }
0x1b8: {  	v3 =	vld [tilespmem:s29+$0xFFFFFFA0]  }
0x1b9: {  	v0 =	vadd.f32 v1, v0  }
0x1ba: {  	v1 =	vld [tilespmem:s29+$0x20]  }
0x1bb: {  	v0 =	vadd.f32 v2, v0  }
0x1bc: {  	v2 =	vld [tilespmem:s29+$0xA0]  }
0x1bd: {  	v0 =	vadd.f32 v3, v0  }
0x1be: {  	v3 =	vld [tilespmem:s29+$0x120]  }
0x1bf: {  	v0 =	vadd.f32 v1, v0  }
0x1c0: {  	v1 =	vld [tilespmem:s29+$0x1A0]  }
0x1c1: {  	v0 =	vadd.f32 v2, v0  }
0x1c2: {  	v2 =	vld [tilespmem:s29+$0x220]  }
0x1c3: {  	v0 =	vadd.f32 v3, v0  }
0x1c4: {  	v3 =	vld [tilespmem:s29+$0x2A0]  }
0x1c5: {  	v0 =	vadd.f32 v1, v0  }
0x1c6: {  	v1 =	vld [tilespmem:s29+$0x320]  }
0x1c7: {  	v0 =	vadd.f32 v2, v0  }
0x1c8: {  	v2 =	vld [tilespmem:s29+$0x3A0]  }
0x1c9: {  	v0 =	vadd.f32 v3, v0  }
0x1ca: {  	v3 =	vld [tilespmem:s29+$0x420]  }
0x1cb: {  	v0 =	vadd.f32 v1, v0  }
0x1cc: {  	v1 =	vld [tilespmem:s29+$0x4A0]  }
0x1cd: {  	v0 =	vadd.f32 v2, v0;
	_ =	sdelay $0x1  }
0x1ce: {  	v0 =	vadd.f32 v3, v0;
	_ =	sdelay $0x1  }
0x1cf: {  	v0 =	vadd.f32 v1, v0;
	_ =	sdelay $0x1  }
0x1d0: {  	v0 =	vmul.f32 $5.000000070e-02, v0;
	_ =	sdelay $0x1  }
0x1d1: {  	[tilespmem:s30+$0x19020] =	vst v0  }
0x1d2: {  	v0 =	vld [tilespmem:s29+$0xFFFFFB30]  }
0x1d3: {  	v1 =	vld [tilespmem:s29+$0xFFFFFBB0]  }
0x1d4: {  	v2 =	vld [tilespmem:s29+$0xFFFFFC30]  }
0x1d5: {  	v3 =	vld [tilespmem:s29+$0xFFFFFCB0]  }
0x1d6: {  	v4 =	vld [tilespmem:s29+$0xFFFFFD30]  }
0x1d7: {  	v5 =	vld [tilespmem:s29+$0xFFFFFDB0]  }
0x1d8: {  	v0 =	vadd.f32 v1, v0;
	v1 =	vld [tilespmem:s29+$0xFFFFFE30]  }
0x1d9: {  	v6 =	vld [tilespmem:s29+$0xFFFFFEB0]  }
0x1da: {  	v0 =	vadd.f32 v2, v0;
	v2 =	vld [tilespmem:s29+$0xFFFFFF30]  }
0x1db: {  	v7 =	vld [tilespmem:s29+$0xFFFFFFB0]  }
0x1dc: {  	v0 =	vadd.f32 v3, v0;
	v3 =	vld [tilespmem:s29+$0x30]  }
0x1dd: {  	v8 =	vld [tilespmem:s29+$0xB0]  }
0x1de: {  	v0 =	vadd.f32 v4, v0;
	v4 =	vld [tilespmem:s29+$0x130]  }
0x1df: {  	v9 =	vld [tilespmem:s29+$0x1B0]  }
0x1e0: {  	v0 =	vadd.f32 v5, v0;
	v5 =	vld [tilespmem:s29+$0x230]  }
0x1e1: {  	v10 =	vld [tilespmem:s29+$0x2B0]  }
0x1e2: {  	v0 =	vadd.f32 v1, v0;
	v1 =	vld [tilespmem:s29+$0x330]  }
0x1e3: {  	v11 =	vld [tilespmem:s29+$0x3B0]  }
0x1e4: {  	v6 =	vadd.f32 v6, v0;
	v12 =	vld [tilespmem:s29+$0x430]  }
0x1e5: {  	v0 =	vld [tilespmem:s29+$0x4B0]  }
0x1e6: {  	v2 =	vadd.f32 v2, v6;
	_ =	sdelay $0x1  }
0x1e7: {  	v2 =	vadd.f32 v7, v2;
	_ =	sdelay $0x1  }
0x1e8: {  	v2 =	vadd.f32 v3, v2;
	_ =	sdelay $0x1  }
0x1e9: {  	v2 =	vadd.f32 v8, v2;
	_ =	sdelay $0x1  }
0x1ea: {  	v2 =	vadd.f32 v4, v2;
	_ =	sdelay $0x1  }
0x1eb: {  	v2 =	vadd.f32 v9, v2;
	_ =	sdelay $0x1  }
0x1ec: {  	v2 =	vadd.f32 v5, v2;
	_ =	sdelay $0x1  }
0x1ed: {  	v2 =	vadd.f32 v10, v2;
	_ =	sdelay $0x1  }
.Ltmp0:
0x1ee: {  	v1 =	vadd.f32 v1, v2;
	(pc) =	sbr.rel @p0 .LBB2_2-.Ltmp0, $3  }
0x1ef: {  	_ = 	snop  }
0x1f0: {  	v1 =	vadd.f32 v11, v1;
	_ =	sdelay $0x1  }
0x1f1: {  	v1 =	vadd.f32 v12, v1  }
0x1f2: {  	_ = 	snop  }
0x1f3: {  	v0 =	vadd.f32 v0, v1;
	_ =	sdelay $0x1  }
0x1f4: {  	s28 =	sadd.s32 $0x1, s28;
	v0 =	vmul.f32 $5.000000070e-02, v0  }
0x1f5: {  	p0 =	sne.s32 s28, s6  }
.Ltmp1:
0x1f6: {  	[tilespmem:s30+$0x19030] =	vst v0;
	(pc) =	sbr.rel @p0 .LBB2_1-.Ltmp1, $4  }
0x1f7: {  	[hbm4b:s5+s3] =	stream.linear.scatter [tilespmem:s26], [sflag:$0x2], $0x1000, $0x38;
	[tilespmem:$0x1A000] =	vst v63  }
0x1f8: {  	_ =	swait.ge [sflag:s7], $0x1000  }
0x1f9: {  	[sflag:s7] =	ssyncset.done $0x0  }
0x1fa: {  	[sflag:s7] =	ssyncadd.s32 $0xFFFFF000  }
0x1fb: {  	_ =	sfence.sel $0x180000  }
0x1fc: {  	[bflag:$0x0] =	sbarrier.arrive $0xFFFF  }
0x1fd: {  	_ =	strace $0x90000047  }
0x1fe: {  	s0 =	stileid.u32;
	[bflag:$0x2] =	sbarrier.arrive $0xFFFF  }
0x1ff: {  	p0 =	sne.s32 s0, $0x0;
	s0 =	rddreg [dreg:$0x2]  }
0x200: {  	s0 =	sadd.s32 @!p0 $0x100000, s0  }
0x201: {  	[sflag:s0] =	ssyncadd.tile.s32 @!p0 $0x1;
	_ =	shalt  }
.Lfunc_end2:
_tile_overlayer_lowered:
.L_overlay_start_2:
0x202: {  	(tag) =	ssettag $0x2  }
0x203: {  	s0 =	rddreg [dreg:$0x0];
	s2 =	stileid.u32  }
0x204: {  	s1 =	rddreg [dreg:$0x1];
	p0 =	sne.s32 s2, $0x0  }
0x205: {  	s3 =	rddreg [dreg:$0x2];
	[bflag:$0x3] =	sbarrier.arrive $0xFFFF;
	s2 =	simm.s32 @!p0 $0x1C02  }
0x206: {  	[timem:s3], [sflag:s2] =	dma.local @!p0 [hbm:s0], s1  }
0x207: {  	s0 =	simm.s32 @!p0 $0x2  }
0x208: {  	_ =	swait.ge @!p0 [sflag:s0], s1  }
0x209: {  	s1 =	ssub.s32 @!p0 $0x0, s1;
	[sflag:s0] =	ssyncset.done @!p0 $0x0  }
0x20a: {  	[sflag:s0] =	ssyncadd.s32 @!p0 s1  }
0x20b: {  	[bflag:$0x3] =	sbarrier.arrive $0xFFFF  }
0x20c: {  	_ =	shalt  }

</sc_bundles>
